<compile_context>
chip_gen: v7x
topology: tpu7x:2x2x1
jax: 0.10.2.dev20260603
libtpu: 0.0.44.dev20260713+nightly
codegen_flags: <defaults>
</compile_context>

<pallas_src>
import functools

import jax
import jax.numpy as jnp
from jax import lax
from jax.experimental import pallas as pl
from jax.experimental.pallas import tpu as pltpu
from jax.experimental.pallas import tpu_sc as plsc

N = 10000
D = 128
NC = 2
NS = 16
NW = NC * NS
CHUNK = 128
NCH = 80
GB = 8
NG = NCH // GB
TOTCH = NW * NCH
EPAD = TOTCH * CHUNK
C0 = 120
C1 = NCH * 2 - C0
NPAD = 10240
ZROWS = NPAD // NS
OROWS = N // NS

def _deg_body(dst_hbm, ones_hbm, out_hbm, dst_v, ones_v, zs_v, acc_sh):
    c = lax.axis_index("c")
    s = lax.axis_index("s")
    wid = c * NS + s
    pltpu.sync_copy(dst_hbm.at[pl.ds(wid * NCH, NCH)], dst_v)
    pltpu.sync_copy(ones_hbm, ones_v)

    @pl.loop(0, ZROWS // 16)
    def _zero(i):
        zs_v[pl.ds(i * 16, 16)] = jnp.zeros((16,), jnp.float32)

    pltpu.sync_copy(zs_v, acc_sh.at[pl.ds(s * ZROWS, ZROWS)])
    plsc.subcore_barrier()

    @pl.loop(0, NCH)
    def _scatter(i):
        pltpu.sync_copy(ones_v, acc_sh.at[dst_v.at[i]], add=True)

    plsc.subcore_barrier()
    pltpu.sync_copy(acc_sh.at[pl.ds(s * ZROWS, ZROWS)],
                    out_hbm.at[c, pl.ds(s * ZROWS, ZROWS)])


def _edge_body(y_hbm, src_hbm, dst_hbm, out_hbm,
               src_v, dst_v, rows_v, acc_sh, sem0, sem1):
    c = lax.axis_index("c")
    s = lax.axis_index("s")
    cbase = jnp.where(c == 0, s * C0, NS * C0 + s * C1)
    ncg = jnp.where(c == 0, C0 // GB, C1 // GB)
    @pl.loop(0, CHUNK * (D // 16))
    def _zb(i):
        rows_v[i // (D // 16), pl.ds((i % (D // 16)) * 16, 16)] = (
            jnp.zeros((16,), jnp.float32))

    @pl.loop(0, ZROWS // CHUNK)
    def _zero(j):
        pltpu.sync_copy(rows_v.at[pl.ds(0, CHUNK)],
                        acc_sh.at[pl.ds(s * ZROWS + j * CHUNK, CHUNK)])

    plsc.subcore_barrier()

    H = CHUNK // 2

    def _issue(i, base, sem):
        pltpu.async_copy(y_hbm.at[src_v.at[i, pl.ds(0, H)]],
                         rows_v.at[pl.ds(base, H)], sem)
        pltpu.async_copy(y_hbm.at[src_v.at[i, pl.ds(H, H)]],
                         rows_v.at[pl.ds(base + H, H)], sem)

    def _drain(i, base, sem):
        pltpu.make_async_copy(y_hbm.at[src_v.at[i, pl.ds(0, H)]],
                              rows_v.at[pl.ds(base, H)], sem).wait()
        pltpu.make_async_copy(y_hbm.at[src_v.at[i, pl.ds(H, H)]],
                              rows_v.at[pl.ds(base + H, H)], sem).wait()

    @pl.loop(0, ncg)
    def _grp(g):
        off = pl.multiple_of(cbase + g * GB, 8)
        pltpu.sync_copy(src_hbm.at[pl.ds(off, GB)], src_v)
        pltpu.sync_copy(dst_hbm.at[pl.ds(off, GB)], dst_v)
        _issue(0, 0, sem0)
        _issue(1, CHUNK, sem1)

        @pl.loop(0, GB)
        def _body(i):
            odd = lax.rem(i, 2)

            @pl.when(odd == 0)
            def _():
                _drain(i, 0, sem0)
                pltpu.sync_copy(rows_v.at[pl.ds(0, CHUNK)],
                                acc_sh.at[dst_v.at[i]], add=True)

                @pl.when(i + 2 < GB)
                def _():
                    _issue(i + 2, 0, sem0)

            @pl.when(odd == 1)
            def _():
                _drain(i, CHUNK, sem1)
                pltpu.sync_copy(rows_v.at[pl.ds(CHUNK, CHUNK)],
                                acc_sh.at[dst_v.at[i]], add=True)

                @pl.when(i + 2 < GB)
                def _():
                    _issue(i + 2, CHUNK, sem1)

    plsc.subcore_barrier()
    pltpu.sync_copy(acc_sh.at[pl.ds(s * ZROWS, ZROWS)],
                    out_hbm.at[c, pl.ds(s * ZROWS, ZROWS)])


@functools.cache
def _sc_kernels():
    mesh = plsc.VectorSubcoreMesh(core_axis_name="c", subcore_axis_name="s",
                                  num_cores=NC, num_subcores=NS)
    deg = pl.kernel(
        _deg_body,
        out_type=jax.ShapeDtypeStruct((NC, NPAD), jnp.float32),
        mesh=mesh,
        scratch_types=[
            pltpu.VMEM((NCH, CHUNK), jnp.int32),
            pltpu.VMEM((CHUNK,), jnp.float32),
            pltpu.VMEM((ZROWS,), jnp.float32),
            pltpu.VMEM_SHARED((NPAD,), jnp.float32),
        ],
    )
    edge = pl.kernel(
        _edge_body,
        out_type=jax.ShapeDtypeStruct((NC, NPAD, D), jnp.float32),
        mesh=mesh,
        scratch_types=[
            pltpu.VMEM((GB, CHUNK), jnp.int32),
            pltpu.VMEM((GB, CHUNK), jnp.int32),
            pltpu.VMEM((2 * CHUNK, D), jnp.float32),
            pltpu.VMEM_SHARED((NPAD, D), jnp.float32),
            pltpu.SemaphoreType.DMA,
            pltpu.SemaphoreType.DMA,
        ],
    )
    return deg, edge


BN = 1000
_GRID = N // BN


def _tc_b_body(degp_ref, x_ref, w_ref, dis_ref, y_ref):
    dp = degp_ref[...]
    deg = 1.0 + dp[0] + dp[1]
    dis = lax.rsqrt(deg)
    dis_ref[...] = dis
    y_ref[...] = jnp.dot(x_ref[...], w_ref[...],
                         preferred_element_type=jnp.float32) * dis


def _tc_b(degp, x, w1):
    return pl.pallas_call(
        _tc_b_body,
        grid=(_GRID,),
        in_specs=[
            pl.BlockSpec((2, BN, 1), lambda i: (0, i, 0)),
            pl.BlockSpec((BN, D), lambda i: (i, 0)),
            pl.BlockSpec((D, D), lambda i: (0, 0)),
        ],
        out_specs=[
            pl.BlockSpec((BN, 1), lambda i: (i, 0)),
            pl.BlockSpec((BN, D), lambda i: (i, 0)),
        ],
        out_shape=[
            jax.ShapeDtypeStruct((N, 1), jnp.float32),
            jax.ShapeDtypeStruct((N, D), jnp.float32),
        ],
    )(degp, x, w1)


def _tc_d_body(p_ref, y_ref, dis_ref, b_ref, w2_ref, y2_ref):
    p = p_ref[...]
    dis = dis_ref[...]
    h = jax.nn.relu(dis * (p[0] + p[1] + y_ref[...]) + b_ref[...])
    y2_ref[...] = jnp.dot(h, w2_ref[...],
                          preferred_element_type=jnp.float32) * dis


def _tc_d(p1, y1, dis, b1, w2):
    return pl.pallas_call(
        _tc_d_body,
        grid=(_GRID,),
        in_specs=[
            pl.BlockSpec((2, BN, D), lambda i: (0, i, 0)),
            pl.BlockSpec((BN, D), lambda i: (i, 0)),
            pl.BlockSpec((BN, 1), lambda i: (i, 0)),
            pl.BlockSpec((1, D), lambda i: (0, 0)),
            pl.BlockSpec((D, D), lambda i: (0, 0)),
        ],
        out_specs=pl.BlockSpec((BN, D), lambda i: (i, 0)),
        out_shape=jax.ShapeDtypeStruct((N, D), jnp.float32),
    )(p1, y1, dis, b1, w2)


def _tc_f_body(p_ref, y_ref, dis_ref, b_ref,
               a1_ref, a1b_ref, a2_ref, a2b_ref, a3_ref, a3b_ref,
               v1_ref, v1b_ref, v2_ref, v2b_ref, v3_ref, v3b_ref, q_ref):
    p = p_ref[...]
    dis = dis_ref[...]
    h = jax.nn.relu(dis * (p[0] + p[1] + y_ref[...]) + b_ref[...])
    f32 = jnp.float32
    ta = jax.nn.relu(jnp.dot(h, a1_ref[...], preferred_element_type=f32)
                     + a1b_ref[...])
    ta = jax.nn.relu(jnp.dot(ta, a2_ref[...], preferred_element_type=f32)
                     + a2b_ref[...])
    adv = jnp.dot(ta, a3_ref[...], preferred_element_type=f32) + a3b_ref[...]
    tv = jax.nn.relu(jnp.dot(h, v1_ref[...], preferred_element_type=f32)
                     + v1b_ref[...])
    tv = jax.nn.relu(jnp.dot(tv, v2_ref[...], preferred_element_type=f32)
                     + v2b_ref[...])
    val = jnp.dot(tv, v3_ref[...], preferred_element_type=f32) + v3b_ref[...]
    q_ref[...] = val + adv - jnp.mean(adv, axis=-1, keepdims=True)


def _tc_f(p2, y2, dis, b2, A1, a1b, A2, a2b, A3, a3b, V1, v1b, V2, v2b, V3, v3b):
    full = lambda shape: pl.BlockSpec(shape, lambda i: tuple(0 for _ in shape))
    return pl.pallas_call(
        _tc_f_body,
        grid=(_GRID,),
        in_specs=[
            pl.BlockSpec((2, BN, D), lambda i: (0, i, 0)),
            pl.BlockSpec((BN, D), lambda i: (i, 0)),
            pl.BlockSpec((BN, 1), lambda i: (i, 0)),
            full((1, D)),
            full((D, D)), full((1, D)),
            full((D, D)), full((1, D)),
            full((D, 5)), full((1, 5)),
            full((D, D)), full((1, D)),
            full((D, D)), full((1, D)),
            full((D, 1)), full((1, 1)),
        ],
        out_specs=pl.BlockSpec((BN, 5), lambda i: (i, 0)),
        out_shape=jax.ShapeDtypeStruct((N, 5), jnp.float32),
    )(p2, y2, dis, b2, A1, a1b, A2, a2b, A3, a3b, V1, v1b, V2, v2b, V3, v3b)


def kernel(x, edge_index, W_gcn1, b_gcn1, W_gcn2, b_gcn2,
           A1, a1b, A2, a2b, A3, a3b, V1, v1b, V2, v2b, V3, v3b):
    f32 = jnp.float32
    src = edge_index[0]
    dst = edge_index[1]
    e = src.shape[0]
    pad = EPAD - e
    src_p = jnp.concatenate([src, jnp.zeros((pad,), jnp.int32)]
                            ).reshape(TOTCH, CHUNK)
    dst_p = jnp.concatenate([dst, jnp.full((pad,), N, jnp.int32)]
                            ).reshape(TOTCH, CHUNK)
    ones_e = jnp.ones((CHUNK,), f32)

    deg_kernel, edge_kernel = _sc_kernels()
    degp = deg_kernel(dst_p, ones_e)[:, :N, None]
    dis, y1 = _tc_b(degp, x, W_gcn1)
    p1 = edge_kernel(y1, src_p, dst_p)[:, :N]
    y2 = _tc_d(p1, y1, dis, b_gcn1[None, :], W_gcn2)
    p2 = edge_kernel(y2, src_p, dst_p)[:, :N]
    q = _tc_f(p2, y2, dis, b_gcn2[None, :],
              A1, a1b[None, :], A2, a2b[None, :], A3, a3b[None, :],
              V1, v1b[None, :], V2, v2b[None, :], V3, v3b[None, :])
    return q

# --- scband reference (transcript-rebuilt; emitter-appended) ---
"""Pipeline reference for scband-gnn-5076651344578 (READ-ONLY COPY).

The authoritative reference and input builder live on the scoring server;
editing this copy changes nothing except your own understanding.
"""

import jax, jax.numpy as jnp
import numpy as np

N = 10000
E = 320000
D = 128

def gcn_layer(x, src, dst, W, b):
    n = x.shape[0]
    xw = x @ W
    deg = jnp.zeros((n,), dtype=x.dtype).at[dst].add(1.0)
    dis = jnp.where(deg > 0, jax.lax.rsqrt(jnp.maximum(deg, 1e-12)), 0.0)
    norm = dis[src] * dis[dst]
    msg = xw[src] * norm[:, None]
    out = jnp.zeros_like(xw).at[dst].add(msg)
    return out + b

def run_mlp(h, params):
    for W, b in params[:-1]:
        h = jax.nn.relu(h @ W + b)
    W, b = params[-1]
    return h @ W + b

def setup_inputs(seed: int = 0):
    key = jax.random.key(seed)
    ks = jax.random.split(key, 16)
    s = 1.0 / np.sqrt(D)
    return {
        "x": jax.random.normal(ks[0], (N, D), dtype=jnp.float32),
        "edge_index": jax.random.randint(ks[1], (2, E), 0, N, dtype=jnp.int32),
        "W_gcn1": jax.random.normal(ks[2], (D, D), dtype=jnp.float32) * s,
        "b_gcn1": jnp.zeros((D,), jnp.float32),
        "W_gcn2": jax.random.normal(ks[3], (D, D), dtype=jnp.float32) * s,
        "b_gcn2": jnp.zeros((D,), jnp.float32),
        "A1": jax.random.normal(ks[4], (D, D), dtype=jnp.float32) * s,
        "a1b": jnp.zeros((D,), jnp.float32),
        "A2": jax.random.normal(ks[5], (D, D), dtype=jnp.float32) * s,
        "a2b": jnp.zeros((D,), jnp.float32),
        "A3": jax.random.normal(ks[6], (D, 5), dtype=jnp.float32) * s,
        "a3b": jnp.zeros((5,), jnp.float32),
        "V1": jax.random.normal(ks[7], (D, D), dtype=jnp.float32) * s,
        "v1b": jnp.zeros((D,), jnp.float32),
        "V2": jax.random.normal(ks[8], (D, D), dtype=jnp.float32) * s,
        "v2b": jnp.zeros((D,), jnp.float32),
        "V3": jax.random.normal(ks[9], (D, 1), dtype=jnp.float32) * s,
        "v3b": jnp.zeros((1,), jnp.float32),
    }

def reference(x, edge_index, W_gcn1, b_gcn1, W_gcn2, b_gcn2, A1, a1b, A2, a2b, A3, a3b, V1, v1b, V2, v2b, V3, v3b):
    n = x.shape[0]
    loop = jnp.arange(n, dtype=edge_index.dtype)
    src = jnp.concatenate([edge_index[0], loop])
    dst = jnp.concatenate([edge_index[1], loop])
    h = jax.nn.relu(gcn_layer(x, src, dst, W_gcn1, b_gcn1))
    h = jax.nn.relu(gcn_layer(h, src, dst, W_gcn2, b_gcn2))
    adv = run_mlp(h, [(A1, a1b), (A2, a2b), (A3, a3b)])
    val = run_mlp(h, [(V1, v1b), (V2, v2b), (V3, v3b)])
    q = val + adv - jnp.mean(adv, axis=-1, keepdims=True)
    return q

if __name__ == "__main__":
    import jax
    _d = setup_inputs()
    print(jax.jit(kernel)(*tuple(_d.values())))

</pallas_src>

<mosaic_0001>
#map = affine_map<(d0, d1) -> (0, 0)>
#map1 = affine_map<(d0, d1) -> (0)>
module attributes {stable_mosaic.version = 14 : i64} {
  func.func @_deg_body(%arg0: i32, %arg1: i32, %arg2: memref<2560x128xi32, #tpu.memory_space<hbm>>, %arg3: memref<128xf32, #tpu.memory_space<hbm>>, %arg4: memref<2x10240xf32, #tpu.memory_space<hbm>>, %arg5: memref<80x128xi32, #tpu.memory_space<vmem>>, %arg6: memref<128xf32, #tpu.memory_space<vmem>>, %arg7: memref<640xf32, #tpu.memory_space<vmem>>, %arg8: memref<10240xf32, #tpu.memory_space<vmem_shared>>) attributes {dimension_semantics = [#tpu.dimension_semantics<core_parallel>, #tpu.dimension_semantics<subcore_parallel>], iteration_bounds = array<i64: 2, 16>, scalar_prefetch = 0 : i64, scratch_operands = 4 : i64, tpu.core_type = #tpu.core_type<sc_vector_subcore>, window_params = [{transform_indices = #map}, {transform_indices = #map1}, {transform_indices = #map}]} {
    %mul3A = arith.constant 16 : i32
    %mul3A_0 = arith.muli %arg0, %mul3A : i32
    %add3A = arith.addi %mul3A_0, %arg1 : i32
    %mul3A_1 = arith.constant 80 : i32
    %mul3A_2 = arith.muli %add3A, %mul3A_1 : i32
    "tpu.region"() ({
      %run_scoped3A = tpu.sem_alloc : memref<!tpu.dma_semaphore, #tpu.memory_space<semaphore_mem>>
      %dma_start3A = arith.constant 0 : i32
      %dma_start3A_19 = tpu.memref_slice %arg2[%mul3A_2, %dma_start3A] : memref<2560x128xi32, #tpu.memory_space<hbm>> -> memref<80x128xi32, #tpu.memory_space<hbm>>
      %dma_start3A_20 = arith.constant 0 : i32
      %dma_start3A_21 = tpu.memref_slice %arg2[%mul3A_2, %dma_start3A_20] : memref<2560x128xi32, #tpu.memory_space<hbm>> -> memref<80x128xi32, #tpu.memory_space<hbm>>
      tpu.enqueue_dma source(%dma_start3A_21 : memref<80x128xi32, #tpu.memory_space<hbm>>) target(%arg5 : memref<80x128xi32, #tpu.memory_space<vmem>>) target_semaphore(%run_scoped3A : memref<!tpu.dma_semaphore, #tpu.memory_space<semaphore_mem>>)
      %dma_wait3A = arith.constant 0 : i32
      %dma_wait3A_22 = tpu.memref_slice %arg2[%mul3A_2, %dma_wait3A] : memref<2560x128xi32, #tpu.memory_space<hbm>> -> memref<80x128xi32, #tpu.memory_space<hbm>>
      %dma_wait3A_23 = arith.constant 0 : i32
      %dma_wait3A_24 = tpu.memref_slice %arg2[%mul3A_2, %dma_wait3A_23] : memref<2560x128xi32, #tpu.memory_space<hbm>> -> memref<80x128xi32, #tpu.memory_space<hbm>>
      tpu.wait_dma2 semaphore(%run_scoped3A : memref<!tpu.dma_semaphore, #tpu.memory_space<semaphore_mem>>) src(%dma_wait3A_24 : memref<80x128xi32, #tpu.memory_space<hbm>>) dst(%arg5 : memref<80x128xi32, #tpu.memory_space<vmem>>)
      tpu.yield
    }) : () -> ()
    "tpu.region"() ({
      %run_scoped3A = tpu.sem_alloc : memref<!tpu.dma_semaphore, #tpu.memory_space<semaphore_mem>>
      tpu.enqueue_dma source(%arg3 : memref<128xf32, #tpu.memory_space<hbm>>) target(%arg6 : memref<128xf32, #tpu.memory_space<vmem>>) target_semaphore(%run_scoped3A : memref<!tpu.dma_semaphore, #tpu.memory_space<semaphore_mem>>)
      tpu.wait_dma2 semaphore(%run_scoped3A : memref<!tpu.dma_semaphore, #tpu.memory_space<semaphore_mem>>) src(%arg3 : memref<128xf32, #tpu.memory_space<hbm>>) dst(%arg6 : memref<128xf32, #tpu.memory_space<vmem>>)
      tpu.yield
    }) : () -> ()
    %scan3A = arith.constant 0 : i32
    %scan3A_3 = arith.constant 40 : i32
    %scan3A_4 = arith.addi %scan3A, %scan3A_3 : i32
    %scan3A_5 = arith.constant 1 : i32
    scf.for %scan3A_19 = %scan3A to %scan3A_4 step %scan3A_5  : i32 {
      %mul3A_20 = arith.constant 1 : i32
      %mul3A_21 = arith.muli %scan3A_19, %mul3A_20 : i32
      %add3A_22 = arith.constant 0 : i32
      %add3A_23 = arith.addi %add3A_22, %mul3A_21 : i32
      %broadcast_in_dim3A = arith.constant 0.000000e+00 : f32
      %broadcast_in_dim3A_24 = vector.broadcast %broadcast_in_dim3A : f32 to vector<16xf32>
      %mul3A_25 = arith.constant 16 : i32
      %mul3A_26 = arith.muli %add3A_23, %mul3A_25 : i32
      %swap3A = arith.index_cast %mul3A_26 : i32 to index
      %swap3A_27 = tpu.vector_load %arg7[%swap3A] {strides = array<i32>} : memref<640xf32, #tpu.memory_space<vmem>>, vector<16xf32>,
      %swap3A_28 = vector.shape_cast %swap3A_27 : vector<16xf32> to vector<16xf32>
      %swap3A_29 = vector.shape_cast %broadcast_in_dim3A_24 : vector<16xf32> to vector<16xf32>
      tpu.vector_store %arg7[%swap3A], %swap3A_29 {strides = array<i32>} : memref<640xf32, #tpu.memory_space<vmem>>, vector<16xf32>,
    }
    %scan3A_6 = arith.constant 40 : i32
    %mul3A_7 = arith.constant 640 : i32
    %mul3A_8 = arith.muli %arg1, %mul3A_7 : i32
    "tpu.region"() ({
      %run_scoped3A = tpu.sem_alloc : memref<!tpu.dma_semaphore, #tpu.memory_space<semaphore_mem>>
      %dma_start3A = tpu.memref_slice %arg8[%mul3A_8] : memref<10240xf32, #tpu.memory_space<vmem_shared>> -> memref<640xf32, #tpu.memory_space<vmem_shared>>
      %dma_start3A_19 = tpu.memref_slice %arg8[%mul3A_8] : memref<10240xf32, #tpu.memory_space<vmem_shared>> -> memref<640xf32, #tpu.memory_space<vmem_shared>>
      tpu.enqueue_dma source(%arg7 : memref<640xf32, #tpu.memory_space<vmem>>) target(%dma_start3A_19 : memref<640xf32, #tpu.memory_space<vmem_shared>>) target_semaphore(%run_scoped3A : memref<!tpu.dma_semaphore, #tpu.memory_space<semaphore_mem>>)
      %dma_wait3A = tpu.memref_slice %arg8[%mul3A_8] : memref<10240xf32, #tpu.memory_space<vmem_shared>> -> memref<640xf32, #tpu.memory_space<vmem_shared>>
      %dma_wait3A_20 = tpu.memref_slice %arg8[%mul3A_8] : memref<10240xf32, #tpu.memory_space<vmem_shared>> -> memref<640xf32, #tpu.memory_space<vmem_shared>>
      tpu.wait_dma2 semaphore(%run_scoped3A : memref<!tpu.dma_semaphore, #tpu.memory_space<semaphore_mem>>) src(%arg7 : memref<640xf32, #tpu.memory_space<vmem>>) dst(%dma_wait3A_20 : memref<640xf32, #tpu.memory_space<vmem_shared>>)
      tpu.yield
    }) : () -> ()
    %barrier3A = arith.constant 0 : index
    tpu.barrier barrier_id(%barrier3A)
    %scan3A_9 = arith.constant 0 : i32
    %scan3A_10 = arith.constant 80 : i32
    %scan3A_11 = arith.addi %scan3A_9, %scan3A_10 : i32
    %scan3A_12 = arith.constant 1 : i32
    scf.for %scan3A_19 = %scan3A_9 to %scan3A_11 step %scan3A_12  : i32 {
      %mul3A_20 = arith.constant 1 : i32
      %mul3A_21 = arith.muli %scan3A_19, %mul3A_20 : i32
      %add3A_22 = arith.constant 0 : i32
      %add3A_23 = arith.addi %add3A_22, %mul3A_21 : i32
      "tpu.region"() ({
        %run_scoped3A = tpu.sem_alloc : memref<!tpu.dma_semaphore, #tpu.memory_space<semaphore_mem>>
        %dma_start3A = arith.constant 0 : i32
        %dma_start3A_24 = tpu.memref_slice %arg5[%add3A_23, %dma_start3A] : memref<80x128xi32, #tpu.memory_space<vmem>> -> memref<1x128xi32, #tpu.memory_space<vmem>>
        %dma_start3A_25 = tpu.memref_squeeze %dma_start3A_24 : memref<1x128xi32, #tpu.memory_space<vmem>> -> memref<128xi32, #tpu.memory_space<vmem>>
        %dma_start3A_26 = arith.constant 0 : i32
        %dma_start3A_27 = tpu.memref_slice %arg8[%dma_start3A_26] : memref<10240xf32, #tpu.memory_space<vmem_shared>> -> memref<10240xf32, #tpu.memory_space<vmem_shared>>
        tpu.enqueue_indirect_dma source(%arg6 : memref<128xf32, #tpu.memory_space<vmem>>) target(%dma_start3A_27 : memref<10240xf32, #tpu.memory_space<vmem_shared>>) offsets(%dma_start3A_25 : memref<128xi32, #tpu.memory_space<vmem>>) semaphore(%run_scoped3A : memref<!tpu.dma_semaphore, #tpu.memory_space<semaphore_mem>>) {add = true}
        %dma_wait3A = arith.constant 0 : i32
        %dma_wait3A_28 = tpu.memref_slice %arg5[%add3A_23, %dma_wait3A] : memref<80x128xi32, #tpu.memory_space<vmem>> -> memref<1x128xi32, #tpu.memory_space<vmem>>
        %dma_wait3A_29 = tpu.memref_squeeze %dma_wait3A_28 : memref<1x128xi32, #tpu.memory_space<vmem>> -> memref<128xi32, #tpu.memory_space<vmem>>
        %dma_wait3A_30 = arith.constant 0 : i32
        %dma_wait3A_31 = tpu.memref_slice %arg8[%dma_wait3A_30] : memref<10240xf32, #tpu.memory_space<vmem_shared>> -> memref<10240xf32, #tpu.memory_space<vmem_shared>>
        tpu.wait_indirect_dma semaphore(%run_scoped3A : memref<!tpu.dma_semaphore, #tpu.memory_space<semaphore_mem>>) src(%arg6 : memref<128xf32, #tpu.memory_space<vmem>>) dst(%dma_wait3A_31 : memref<10240xf32, #tpu.memory_space<vmem_shared>>)
        tpu.yield
      }) : () -> ()
    }
    %scan3A_13 = arith.constant 80 : i32
    %barrier3A_14 = arith.constant 0 : index
    tpu.barrier barrier_id(%barrier3A_14)
    %mul3A_15 = arith.constant 640 : i32
    %mul3A_16 = arith.muli %arg1, %mul3A_15 : i32
    %mul3A_17 = arith.constant 640 : i32
    %mul3A_18 = arith.muli %arg1, %mul3A_17 : i32
    "tpu.region"() ({
      %run_scoped3A = tpu.sem_alloc : memref<!tpu.dma_semaphore, #tpu.memory_space<semaphore_mem>>
      %dma_start3A = tpu.memref_slice %arg4[%arg0, %mul3A_18] : memref<2x10240xf32, #tpu.memory_space<hbm>> -> memref<1x640xf32, #tpu.memory_space<hbm>>
      %dma_start3A_19 = tpu.memref_squeeze %dma_start3A : memref<1x640xf32, #tpu.memory_space<hbm>> -> memref<640xf32, #tpu.memory_space<hbm>>
      %dma_start3A_20 = tpu.memref_slice %arg8[%mul3A_16] : memref<10240xf32, #tpu.memory_space<vmem_shared>> -> memref<640xf32, #tpu.memory_space<vmem_shared>>
      tpu.enqueue_dma source(%dma_start3A_20 : memref<640xf32, #tpu.memory_space<vmem_shared>>) target(%dma_start3A_19 : memref<640xf32, #tpu.memory_space<hbm>>) target_semaphore(%run_scoped3A : memref<!tpu.dma_semaphore, #tpu.memory_space<semaphore_mem>>)
      %dma_wait3A = tpu.memref_slice %arg4[%arg0, %mul3A_18] : memref<2x10240xf32, #tpu.memory_space<hbm>> -> memref<1x640xf32, #tpu.memory_space<hbm>>
      %dma_wait3A_21 = tpu.memref_squeeze %dma_wait3A : memref<1x640xf32, #tpu.memory_space<hbm>> -> memref<640xf32, #tpu.memory_space<hbm>>
      %dma_wait3A_22 = tpu.memref_slice %arg8[%mul3A_16] : memref<10240xf32, #tpu.memory_space<vmem_shared>> -> memref<640xf32, #tpu.memory_space<vmem_shared>>
      tpu.wait_dma2 semaphore(%run_scoped3A : memref<!tpu.dma_semaphore, #tpu.memory_space<semaphore_mem>>) src(%dma_wait3A_22 : memref<640xf32, #tpu.memory_space<vmem_shared>>) dst(%dma_wait3A_21 : memref<640xf32, #tpu.memory_space<hbm>>)
      tpu.yield
    }) : () -> ()
    return
  }
}

#map = affine_map<(d0, d1) -> (0, 0)>
#map1 = affine_map<(d0, d1) -> (0, 0, 0)>
module attributes {stable_mosaic.version = 14 : i64} {
  func.func @_edge_body(%arg0: i32, %arg1: i32, %arg2: memref<10000x128xf32, #tpu.memory_space<hbm>>, %arg3: memref<2560x128xi32, #tpu.memory_space<hbm>>, %arg4: memref<2560x128xi32, #tpu.memory_space<hbm>>, %arg5: memref<2x10240x128xf32, #tpu.memory_space<hbm>>, %arg6: memref<8x128xi32, #tpu.memory_space<vmem>>, %arg7: memref<8x128xi32, #tpu.memory_space<vmem>>, %arg8: memref<256x128xf32, #tpu.memory_space<vmem>>, %arg9: memref<10240x128xf32, #tpu.memory_space<vmem_shared>>, %arg10: memref<!tpu.dma_semaphore, #tpu.memory_space<semaphore_mem>>, %arg11: memref<!tpu.dma_semaphore, #tpu.memory_space<semaphore_mem>>) attributes {dimension_semantics = [#tpu.dimension_semantics<core_parallel>, #tpu.dimension_semantics<subcore_parallel>], iteration_bounds = array<i64: 2, 16>, scalar_prefetch = 0 : i64, scratch_operands = 6 : i64, tpu.core_type = #tpu.core_type<sc_vector_subcore>, window_params = [{transform_indices = #map}, {transform_indices = #map}, {transform_indices = #map}, {transform_indices = #map1}]} {
    %eq3A = arith.constant 0 : i32
    %eq3A_0 = arith.cmpi eq, %arg0, %eq3A : i32
    %mul3A = arith.constant 120 : i32
    %mul3A_1 = arith.muli %arg1, %mul3A : i32
    %mul3A_2 = arith.constant 40 : i32
    %mul3A_3 = arith.muli %arg1, %mul3A_2 : i32
    %add3A = arith.constant 1920 : i32
    %add3A_4 = arith.addi %add3A, %mul3A_3 : i32
    %select_n3A = arith.select %eq3A_0, %mul3A_1, %add3A_4 : i32
    %eq3A_5 = arith.constant 0 : i32
    %eq3A_6 = arith.cmpi eq, %arg0, %eq3A_5 : i32
    %jit3A = arith.constant 15 : i32
    %jit3A_7 = arith.constant 5 : i32
    %select_n3A_8 = arith.select %eq3A_6, %jit3A, %jit3A_7 : i32
    %scan3A = arith.constant 0 : i32
    %scan3A_9 = arith.constant 1024 : i32
    %scan3A_10 = arith.addi %scan3A, %scan3A_9 : i32
    %scan3A_11 = arith.constant 1 : i32
    scf.for %scan3A_39 = %scan3A to %scan3A_10 step %scan3A_11  : i32 {
      %mul3A_40 = arith.constant 1 : i32
      %mul3A_41 = arith.muli %scan3A_39, %mul3A_40 : i32
      %add3A_42 = arith.constant 0 : i32
      %add3A_43 = arith.addi %add3A_42, %mul3A_41 : i32
      %broadcast_in_dim3A = arith.constant 0.000000e+00 : f32
      %broadcast_in_dim3A_44 = vector.broadcast %broadcast_in_dim3A : f32 to vector<16xf32>
      %jit3A_45 = arith.constant 8 : i32
      %div3A_46 = arith.divsi %add3A_43, %jit3A_45 : i32
      %sign3A = arith.constant 0 : i32
      %sign3A_47 = arith.cmpi sgt, %add3A_43, %sign3A : i32
      %sign3A_48 = arith.extui %sign3A_47 : i1 to i32
      %sign3A_49 = arith.constant 0 : i32
      %sign3A_50 = arith.cmpi slt, %add3A_43, %sign3A_49 : i32
      %sign3A_51 = arith.extui %sign3A_50 : i1 to i32
      %sign3A_52 = arith.subi %sign3A_48, %sign3A_51 : i32
      %sign3A_53 = arith.constant 0 : i32
      %sign3A_54 = arith.cmpi sgt, %jit3A_45, %sign3A_53 : i32
      %sign3A_55 = arith.extui %sign3A_54 : i1 to i32
      %sign3A_56 = arith.constant 0 : i32
      %sign3A_57 = arith.cmpi slt, %jit3A_45, %sign3A_56 : i32
      %sign3A_58 = arith.extui %sign3A_57 : i1 to i32
      %sign3A_59 = arith.subi %sign3A_55, %sign3A_58 : i32
      %ne3A = arith.cmpi ne, %sign3A_52, %sign3A_59 : i32
      %rem3A = arith.remsi %add3A_43, %jit3A_45 : i32
      %ne3A_60 = arith.constant 0 : i32
      %ne3A_61 = arith.cmpi ne, %rem3A, %ne3A_60 : i32
      %and3A = arith.andi %ne3A, %ne3A_61 : i1
      %sub3A_62 = arith.constant 1 : i32
      %sub3A_63 = arith.subi %div3A_46, %sub3A_62 : i32
      %select_n3A_64 = arith.select %and3A, %sub3A_63, %div3A_46 : i32
      %jit3A_65 = arith.constant 8 : i32
      %eq3A_66 = arith.constant 0 : i32
      %eq3A_67 = arith.cmpi eq, %jit3A_65, %eq3A_66 : i32
      %jit3A_68 = arith.constant 1 : i32
      %select_n3A_69 = arith.select %eq3A_67, %jit3A_68, %jit3A_65 : i32
      %rem3A_70 = arith.remsi %add3A_43, %select_n3A_69 : i32
      %ne3A_71 = arith.constant 0 : i32
      %ne3A_72 = arith.cmpi ne, %rem3A_70, %ne3A_71 : i32
      %lt3A = arith.constant 0 : i32
      %lt3A_73 = arith.cmpi slt, %rem3A_70, %lt3A : i32
      %lt3A_74 = arith.constant 0 : i32
      %lt3A_75 = arith.cmpi slt, %select_n3A_69, %lt3A_74 : i32
      %ne3A_76 = arith.xori %lt3A_73, %lt3A_75 : i1
      %and3A_77 = arith.andi %ne3A_76, %ne3A_72 : i1
      %add3A_78 = arith.addi %rem3A_70, %select_n3A_69 : i32
      %select_n3A_79 = arith.select %and3A_77, %add3A_78, %rem3A_70 : i32
      %mul3A_80 = arith.constant 16 : i32
      %mul3A_81 = arith.muli %select_n3A_79, %mul3A_80 : i32
      %swap3A = arith.index_cast %select_n3A_64 : i32 to index
      %swap3A_82 = arith.index_cast %mul3A_81 : i32 to index
      %swap3A_83 = tpu.vector_load %arg8[%swap3A, %swap3A_82] {strides = array<i32>} : memref<256x128xf32, #tpu.memory_space<vmem>>, vector<1x16xf32>,
      %swap3A_84 = vector.shape_cast %swap3A_83 : vector<1x16xf32> to vector<16xf32>
      %swap3A_85 = vector.shape_cast %broadcast_in_dim3A_44 : vector<16xf32> to vector<1x16xf32>
      tpu.vector_store %arg8[%swap3A, %swap3A_82], %swap3A_85 {strides = array<i32>} : memref<256x128xf32, #tpu.memory_space<vmem>>, vector<1x16xf32>,
    }
    %scan3A_12 = arith.constant 1024 : i32
    %scan3A_13 = arith.constant 0 : i32
    %scan3A_14 = arith.constant 5 : i32
    %scan3A_15 = arith.addi %scan3A_13, %scan3A_14 : i32
    %scan3A_16 = arith.constant 1 : i32
    scf.for %scan3A_39 = %scan3A_13 to %scan3A_15 step %scan3A_16  : i32 {
      %mul3A_40 = arith.constant 1 : i32
      %mul3A_41 = arith.muli %scan3A_39, %mul3A_40 : i32
      %add3A_42 = arith.constant 0 : i32
      %add3A_43 = arith.addi %add3A_42, %mul3A_41 : i32
      %mul3A_44 = arith.constant 640 : i32
      %mul3A_45 = arith.muli %arg1, %mul3A_44 : i32
      %mul3A_46 = arith.constant 128 : i32
      %mul3A_47 = arith.muli %add3A_43, %mul3A_46 : i32
      %add3A_48 = arith.addi %mul3A_45, %mul3A_47 : i32
      "tpu.region"() ({
        %run_scoped3A = tpu.sem_alloc : memref<!tpu.dma_semaphore, #tpu.memory_space<semaphore_mem>>
        %dma_start3A = arith.constant 0 : i32
        %dma_start3A_49 = arith.constant 0 : i32
        %dma_start3A_50 = tpu.memref_slice %arg8[%dma_start3A, %dma_start3A_49] : memref<256x128xf32, #tpu.memory_space<vmem>> -> memref<128x128xf32, #tpu.memory_space<vmem>>
        %dma_start3A_51 = arith.constant 0 : i32
        %dma_start3A_52 = tpu.memref_slice %arg9[%add3A_48, %dma_start3A_51] : memref<10240x128xf32, #tpu.memory_space<vmem_shared>> -> memref<128x128xf32, #tpu.memory_space<vmem_shared>>
        %dma_start3A_53 = arith.constant 0 : i32
        %dma_start3A_54 = tpu.memref_slice %arg9[%add3A_48, %dma_start3A_53] : memref<10240x128xf32, #tpu.memory_space<vmem_shared>> -> memref<128x128xf32, #tpu.memory_space<vmem_shared>>
        %dma_start3A_55 = arith.constant 0 : i32
        %dma_start3A_56 = arith.constant 0 : i32
        %dma_start3A_57 = tpu.memref_slice %arg8[%dma_start3A_55, %dma_start3A_56] : memref<256x128xf32, #tpu.memory_space<vmem>> -> memref<128x128xf32, #tpu.memory_space<vmem>>
        tpu.enqueue_dma source(%dma_start3A_57 : memref<128x128xf32, #tpu.memory_space<vmem>>) target(%dma_start3A_54 : memref<128x128xf32, #tpu.memory_space<vmem_shared>>) target_semaphore(%run_scoped3A : memref<!tpu.dma_semaphore, #tpu.memory_space<semaphore_mem>>)
        %dma_wait3A = arith.constant 0 : i32
        %dma_wait3A_58 = arith.constant 0 : i32
        %dma_wait3A_59 = tpu.memref_slice %arg8[%dma_wait3A, %dma_wait3A_58] : memref<256x128xf32, #tpu.memory_space<vmem>> -> memref<128x128xf32, #tpu.memory_space<vmem>>
        %dma_wait3A_60 = arith.constant 0 : i32
        %dma_wait3A_61 = tpu.memref_slice %arg9[%add3A_48, %dma_wait3A_60] : memref<10240x128xf32, #tpu.memory_space<vmem_shared>> -> memref<128x128xf32, #tpu.memory_space<vmem_shared>>
        %dma_wait3A_62 = arith.constant 0 : i32
        %dma_wait3A_63 = tpu.memref_slice %arg9[%add3A_48, %dma_wait3A_62] : memref<10240x128xf32, #tpu.memory_space<vmem_shared>> -> memref<128x128xf32, #tpu.memory_space<vmem_shared>>
        %dma_wait3A_64 = arith.constant 0 : i32
        %dma_wait3A_65 = arith.constant 0 : i32
        %dma_wait3A_66 = tpu.memref_slice %arg8[%dma_wait3A_64, %dma_wait3A_65] : memref<256x128xf32, #tpu.memory_space<vmem>> -> memref<128x128xf32, #tpu.memory_space<vmem>>
        tpu.wait_dma2 semaphore(%run_scoped3A : memref<!tpu.dma_semaphore, #tpu.memory_space<semaphore_mem>>) src(%dma_wait3A_66 : memref<128x128xf32, #tpu.memory_space<vmem>>) dst(%dma_wait3A_63 : memref<128x128xf32, #tpu.memory_space<vmem_shared>>)
        tpu.yield
      }) : () -> ()
    }
    %scan3A_17 = arith.constant 5 : i32
    %barrier3A = arith.constant 0 : index
    tpu.barrier barrier_id(%barrier3A)
    %sub3A = arith.constant 0 : i32
    %sub3A_18 = arith.subi %select_n3A_8, %sub3A : i32
    %sub3A_19 = arith.constant 1 : i32
    %sub3A_20 = arith.constant 1 : i32
    %sub3A_21 = arith.subi %sub3A_19, %sub3A_20 : i32
    %add3A_22 = arith.addi %sub3A_18, %sub3A_21 : i32
    %div3A = arith.constant 1 : i32
    %div3A_23 = arith.divsi %add3A_22, %div3A : i32
    %while3A = arith.constant 1 : i32
    %while3A_24 = arith.constant 0 : i32
    %while3A_25 = arith.constant 0 : i32
    %while3A_26 = arith.subi %div3A_23, %while3A_25 : i32
    %while3A_27 = arith.addi %while3A_25, %while3A_26 : i32
    %while3A_28 = arith.constant 1 : i32
    %while3A_29 = arith.divsi %while3A_26, %while3A_28 : i32
    %while3A_30 = arith.muli %while3A_29, %while3A_28 : i32
    %while3A_31 = arith.addi %while3A_25, %while3A_30 : i32
    %while3A_32 = arith.constant 1 : i32
    scf.for %while3A_39 = %while3A_25 to %while3A_31 step %while3A_32  : i32 {
      %mul3A_40 = arith.muli %while3A_39, %while3A : i32
      %add3A_41 = arith.addi %while3A_24, %mul3A_40 : i32
      %mul3A_42 = arith.constant 8 : i32
      %mul3A_43 = arith.muli %add3A_41, %mul3A_42 : i32
      %add3A_44 = arith.addi %select_n3A, %mul3A_43 : i32
      %multiple_of3A = tpu.assume_multiple %add3A_44, 8 : i32
      "tpu.region"() ({
        %run_scoped3A = tpu.sem_alloc : memref<!tpu.dma_semaphore, #tpu.memory_space<semaphore_mem>>
        %dma_start3A_89 = arith.constant 0 : i32
        %dma_start3A_90 = tpu.memref_slice %arg3[%multiple_of3A, %dma_start3A_89] : memref<2560x128xi32, #tpu.memory_space<hbm>> -> memref<8x128xi32, #tpu.memory_space<hbm>>
        %dma_start3A_91 = arith.constant 0 : i32
        %dma_start3A_92 = tpu.memref_slice %arg3[%multiple_of3A, %dma_start3A_91] : memref<2560x128xi32, #tpu.memory_space<hbm>> -> memref<8x128xi32, #tpu.memory_space<hbm>>
        tpu.enqueue_dma source(%dma_start3A_92 : memref<8x128xi32, #tpu.memory_space<hbm>>) target(%arg6 : memref<8x128xi32, #tpu.memory_space<vmem>>) target_semaphore(%run_scoped3A : memref<!tpu.dma_semaphore, #tpu.memory_space<semaphore_mem>>)
        %dma_wait3A = arith.constant 0 : i32
        %dma_wait3A_93 = tpu.memref_slice %arg3[%multiple_of3A, %dma_wait3A] : memref<2560x128xi32, #tpu.memory_space<hbm>> -> memref<8x128xi32, #tpu.memory_space<hbm>>
        %dma_wait3A_94 = arith.constant 0 : i32
        %dma_wait3A_95 = tpu.memref_slice %arg3[%multiple_of3A, %dma_wait3A_94] : memref<2560x128xi32, #tpu.memory_space<hbm>> -> memref<8x128xi32, #tpu.memory_space<hbm>>
        tpu.wait_dma2 semaphore(%run_scoped3A : memref<!tpu.dma_semaphore, #tpu.memory_space<semaphore_mem>>) src(%dma_wait3A_95 : memref<8x128xi32, #tpu.memory_space<hbm>>) dst(%arg6 : memref<8x128xi32, #tpu.memory_space<vmem>>)
        tpu.yield
      }) : () -> ()
      "tpu.region"() ({
        %run_scoped3A = tpu.sem_alloc : memref<!tpu.dma_semaphore, #tpu.memory_space<semaphore_mem>>
        %dma_start3A_89 = arith.constant 0 : i32
        %dma_start3A_90 = tpu.memref_slice %arg4[%multiple_of3A, %dma_start3A_89] : memref<2560x128xi32, #tpu.memory_space<hbm>> -> memref<8x128xi32, #tpu.memory_space<hbm>>
        %dma_start3A_91 = arith.constant 0 : i32
        %dma_start3A_92 = tpu.memref_slice %arg4[%multiple_of3A, %dma_start3A_91] : memref<2560x128xi32, #tpu.memory_space<hbm>> -> memref<8x128xi32, #tpu.memory_space<hbm>>
        tpu.enqueue_dma source(%dma_start3A_92 : memref<8x128xi32, #tpu.memory_space<hbm>>) target(%arg7 : memref<8x128xi32, #tpu.memory_space<vmem>>) target_semaphore(%run_scoped3A : memref<!tpu.dma_semaphore, #tpu.memory_space<semaphore_mem>>)
        %dma_wait3A = arith.constant 0 : i32
        %dma_wait3A_93 = tpu.memref_slice %arg4[%multiple_of3A, %dma_wait3A] : memref<2560x128xi32, #tpu.memory_space<hbm>> -> memref<8x128xi32, #tpu.memory_space<hbm>>
        %dma_wait3A_94 = arith.constant 0 : i32
        %dma_wait3A_95 = tpu.memref_slice %arg4[%multiple_of3A, %dma_wait3A_94] : memref<2560x128xi32, #tpu.memory_space<hbm>> -> memref<8x128xi32, #tpu.memory_space<hbm>>
        tpu.wait_dma2 semaphore(%run_scoped3A : memref<!tpu.dma_semaphore, #tpu.memory_space<semaphore_mem>>) src(%dma_wait3A_95 : memref<8x128xi32, #tpu.memory_space<hbm>>) dst(%arg7 : memref<8x128xi32, #tpu.memory_space<vmem>>)
        tpu.yield
      }) : () -> ()
      %dma_start3A = arith.constant 0 : i32
      %dma_start3A_45 = arith.constant 0 : i32
      %dma_start3A_46 = arith.constant 0 : i32
      %dma_start3A_47 = tpu.memref_slice %arg8[%dma_start3A_45, %dma_start3A_46] : memref<256x128xf32, #tpu.memory_space<vmem>> -> memref<64x128xf32, #tpu.memory_space<vmem>>
      %dma_start3A_48 = arith.constant 0 : i32
      %dma_start3A_49 = tpu.memref_slice %arg6[%dma_start3A, %dma_start3A_48] : memref<8x128xi32, #tpu.memory_space<vmem>> -> memref<1x64xi32, #tpu.memory_space<vmem>>
      %dma_start3A_50 = tpu.memref_squeeze %dma_start3A_49 : memref<1x64xi32, #tpu.memory_space<vmem>> -> memref<64xi32, #tpu.memory_space<vmem>>
      %dma_start3A_51 = arith.constant 0 : i32
      %dma_start3A_52 = arith.constant 0 : i32
      %dma_start3A_53 = tpu.memref_slice %arg2[%dma_start3A_51, %dma_start3A_52] : memref<10000x128xf32, #tpu.memory_space<hbm>> -> memref<10000x128xf32, #tpu.memory_space<hbm>>
      tpu.enqueue_indirect_dma source(%dma_start3A_53 : memref<10000x128xf32, #tpu.memory_space<hbm>>) target(%dma_start3A_47 : memref<64x128xf32, #tpu.memory_space<vmem>>) offsets(%dma_start3A_50 : memref<64xi32, #tpu.memory_space<vmem>>) semaphore(%arg10 : memref<!tpu.dma_semaphore, #tpu.memory_space<semaphore_mem>>)
      %dma_start3A_54 = arith.constant 0 : i32
      %dma_start3A_55 = arith.constant 64 : i32
      %dma_start3A_56 = arith.constant 0 : i32
      %dma_start3A_57 = tpu.memref_slice %arg8[%dma_start3A_55, %dma_start3A_56] : memref<256x128xf32, #tpu.memory_space<vmem>> -> memref<64x128xf32, #tpu.memory_space<vmem>>
      %dma_start3A_58 = arith.constant 64 : i32
      %dma_start3A_59 = tpu.memref_slice %arg6[%dma_start3A_54, %dma_start3A_58] : memref<8x128xi32, #tpu.memory_space<vmem>> -> memref<1x64xi32, #tpu.memory_space<vmem>>
      %dma_start3A_60 = tpu.memref_squeeze %dma_start3A_59 : memref<1x64xi32, #tpu.memory_space<vmem>> -> memref<64xi32, #tpu.memory_space<vmem>>
      %dma_start3A_61 = arith.constant 0 : i32
      %dma_start3A_62 = arith.constant 0 : i32
      %dma_start3A_63 = tpu.memref_slice %arg2[%dma_start3A_61, %dma_start3A_62] : memref<10000x128xf32, #tpu.memory_space<hbm>> -> memref<10000x128xf32, #tpu.memory_space<hbm>>
      tpu.enqueue_indirect_dma source(%dma_start3A_63 : memref<10000x128xf32, #tpu.memory_space<hbm>>) target(%dma_start3A_57 : memref<64x128xf32, #tpu.memory_space<vmem>>) offsets(%dma_start3A_60 : memref<64xi32, #tpu.memory_space<vmem>>) semaphore(%arg10 : memref<!tpu.dma_semaphore, #tpu.memory_space<semaphore_mem>>)
      %dma_start3A_64 = arith.constant 1 : i32
      %dma_start3A_65 = arith.constant 128 : i32
      %dma_start3A_66 = arith.constant 0 : i32
      %dma_start3A_67 = tpu.memref_slice %arg8[%dma_start3A_65, %dma_start3A_66] : memref<256x128xf32, #tpu.memory_space<vmem>> -> memref<64x128xf32, #tpu.memory_space<vmem>>
      %dma_start3A_68 = arith.constant 0 : i32
      %dma_start3A_69 = tpu.memref_slice %arg6[%dma_start3A_64, %dma_start3A_68] : memref<8x128xi32, #tpu.memory_space<vmem>> -> memref<1x64xi32, #tpu.memory_space<vmem>>
      %dma_start3A_70 = tpu.memref_squeeze %dma_start3A_69 : memref<1x64xi32, #tpu.memory_space<vmem>> -> memref<64xi32, #tpu.memory_space<vmem>>
      %dma_start3A_71 = arith.constant 0 : i32
      %dma_start3A_72 = arith.constant 0 : i32
      %dma_start3A_73 = tpu.memref_slice %arg2[%dma_start3A_71, %dma_start3A_72] : memref<10000x128xf32, #tpu.memory_space<hbm>> -> memref<10000x128xf32, #tpu.memory_space<hbm>>
      tpu.enqueue_indirect_dma source(%dma_start3A_73 : memref<10000x128xf32, #tpu.memory_space<hbm>>) target(%dma_start3A_67 : memref<64x128xf32, #tpu.memory_space<vmem>>) offsets(%dma_start3A_70 : memref<64xi32, #tpu.memory_space<vmem>>) semaphore(%arg11 : memref<!tpu.dma_semaphore, #tpu.memory_space<semaphore_mem>>)
      %dma_start3A_74 = arith.constant 1 : i32
      %dma_start3A_75 = arith.constant 192 : i32
      %dma_start3A_76 = arith.constant 0 : i32
      %dma_start3A_77 = tpu.memref_slice %arg8[%dma_start3A_75, %dma_start3A_76] : memref<256x128xf32, #tpu.memory_space<vmem>> -> memref<64x128xf32, #tpu.memory_space<vmem>>
      %dma_start3A_78 = arith.constant 64 : i32
      %dma_start3A_79 = tpu.memref_slice %arg6[%dma_start3A_74, %dma_start3A_78] : memref<8x128xi32, #tpu.memory_space<vmem>> -> memref<1x64xi32, #tpu.memory_space<vmem>>
      %dma_start3A_80 = tpu.memref_squeeze %dma_start3A_79 : memref<1x64xi32, #tpu.memory_space<vmem>> -> memref<64xi32, #tpu.memory_space<vmem>>
      %dma_start3A_81 = arith.constant 0 : i32
      %dma_start3A_82 = arith.constant 0 : i32
      %dma_start3A_83 = tpu.memref_slice %arg2[%dma_start3A_81, %dma_start3A_82] : memref<10000x128xf32, #tpu.memory_space<hbm>> -> memref<10000x128xf32, #tpu.memory_space<hbm>>
      tpu.enqueue_indirect_dma source(%dma_start3A_83 : memref<10000x128xf32, #tpu.memory_space<hbm>>) target(%dma_start3A_77 : memref<64x128xf32, #tpu.memory_space<vmem>>) offsets(%dma_start3A_80 : memref<64xi32, #tpu.memory_space<vmem>>) semaphore(%arg11 : memref<!tpu.dma_semaphore, #tpu.memory_space<semaphore_mem>>)
      %scan3A_84 = arith.constant 0 : i32
      %scan3A_85 = arith.constant 8 : i32
      %scan3A_86 = arith.addi %scan3A_84, %scan3A_85 : i32
      %scan3A_87 = arith.constant 1 : i32
      scf.for %scan3A_89 = %scan3A_84 to %scan3A_86 step %scan3A_87  : i32 {
        %mul3A_90 = arith.constant 1 : i32
        %mul3A_91 = arith.muli %scan3A_89, %mul3A_90 : i32
        %add3A_92 = arith.constant 0 : i32
        %add3A_93 = arith.addi %add3A_92, %mul3A_91 : i32
        %rem3A = arith.constant 2 : i32
        %rem3A_94 = arith.remsi %add3A_93, %rem3A : i32
        %eq3A_95 = arith.constant 0 : i32
        %eq3A_96 = arith.cmpi eq, %rem3A_94, %eq3A_95 : i32
        %convert_element_type3A = arith.extui %eq3A_96 : i1 to i32
        %cond3A = arith.constant 0 : i32
        %cond3A_97 = arith.cmpi ne, %convert_element_type3A, %cond3A : i32
        scf.if %cond3A_97 {
          %dma_wait3A = arith.constant 0 : i32
          %dma_wait3A_103 = arith.constant 0 : i32
          %dma_wait3A_104 = tpu.memref_slice %arg8[%dma_wait3A, %dma_wait3A_103] : memref<256x128xf32, #tpu.memory_space<vmem>> -> memref<64x128xf32, #tpu.memory_space<vmem>>
          %dma_wait3A_105 = arith.constant 0 : i32
          %dma_wait3A_106 = tpu.memref_slice %arg6[%add3A_93, %dma_wait3A_105] : memref<8x128xi32, #tpu.memory_space<vmem>> -> memref<1x64xi32, #tpu.memory_space<vmem>>
          %dma_wait3A_107 = tpu.memref_squeeze %dma_wait3A_106 : memref<1x64xi32, #tpu.memory_space<vmem>> -> memref<64xi32, #tpu.memory_space<vmem>>
          %dma_wait3A_108 = arith.constant 0 : i32
          %dma_wait3A_109 = arith.constant 0 : i32
          %dma_wait3A_110 = tpu.memref_slice %arg2[%dma_wait3A_108, %dma_wait3A_109] : memref<10000x128xf32, #tpu.memory_space<hbm>> -> memref<10000x128xf32, #tpu.memory_space<hbm>>
          tpu.wait_indirect_dma semaphore(%arg10 : memref<!tpu.dma_semaphore, #tpu.memory_space<semaphore_mem>>) src(%dma_wait3A_110 : memref<10000x128xf32, #tpu.memory_space<hbm>>) dst(%dma_wait3A_104 : memref<64x128xf32, #tpu.memory_space<vmem>>)
          %dma_wait3A_111 = arith.constant 64 : i32
          %dma_wait3A_112 = arith.constant 0 : i32
          %dma_wait3A_113 = tpu.memref_slice %arg8[%dma_wait3A_111, %dma_wait3A_112] : memref<256x128xf32, #tpu.memory_space<vmem>> -> memref<64x128xf32, #tpu.memory_space<vmem>>
          %dma_wait3A_114 = arith.constant 64 : i32
          %dma_wait3A_115 = tpu.memref_slice %arg6[%add3A_93, %dma_wait3A_114] : memref<8x128xi32, #tpu.memory_space<vmem>> -> memref<1x64xi32, #tpu.memory_space<vmem>>
          %dma_wait3A_116 = tpu.memref_squeeze %dma_wait3A_115 : memref<1x64xi32, #tpu.memory_space<vmem>> -> memref<64xi32, #tpu.memory_space<vmem>>
          %dma_wait3A_117 = arith.constant 0 : i32
          %dma_wait3A_118 = arith.constant 0 : i32
          %dma_wait3A_119 = tpu.memref_slice %arg2[%dma_wait3A_117, %dma_wait3A_118] : memref<10000x128xf32, #tpu.memory_space<hbm>> -> memref<10000x128xf32, #tpu.memory_space<hbm>>
          tpu.wait_indirect_dma semaphore(%arg10 : memref<!tpu.dma_semaphore, #tpu.memory_space<semaphore_mem>>) src(%dma_wait3A_119 : memref<10000x128xf32, #tpu.memory_space<hbm>>) dst(%dma_wait3A_113 : memref<64x128xf32, #tpu.memory_space<vmem>>)
          "tpu.region"() ({
            %run_scoped3A = tpu.sem_alloc : memref<!tpu.dma_semaphore, #tpu.memory_space<semaphore_mem>>
            %dma_start3A_126 = arith.constant 0 : i32
            %dma_start3A_127 = arith.constant 0 : i32
            %dma_start3A_128 = tpu.memref_slice %arg8[%dma_start3A_126, %dma_start3A_127] : memref<256x128xf32, #tpu.memory_space<vmem>> -> memref<128x128xf32, #tpu.memory_space<vmem>>
            %dma_start3A_129 = arith.constant 0 : i32
            %dma_start3A_130 = tpu.memref_slice %arg7[%add3A_93, %dma_start3A_129] : memref<8x128xi32, #tpu.memory_space<vmem>> -> memref<1x128xi32, #tpu.memory_space<vmem>>
            %dma_start3A_131 = tpu.memref_squeeze %dma_start3A_130 : memref<1x128xi32, #tpu.memory_space<vmem>> -> memref<128xi32, #tpu.memory_space<vmem>>
            %dma_start3A_132 = arith.constant 0 : i32
            %dma_start3A_133 = arith.constant 0 : i32
            %dma_start3A_134 = tpu.memref_slice %arg9[%dma_start3A_132, %dma_start3A_133] : memref<10240x128xf32, #tpu.memory_space<vmem_shared>> -> memref<10240x128xf32, #tpu.memory_space<vmem_shared>>
            tpu.enqueue_indirect_dma source(%dma_start3A_128 : memref<128x128xf32, #tpu.memory_space<vmem>>) target(%dma_start3A_134 : memref<10240x128xf32, #tpu.memory_space<vmem_shared>>) offsets(%dma_start3A_131 : memref<128xi32, #tpu.memory_space<vmem>>) semaphore(%run_scoped3A : memref<!tpu.dma_semaphore, #tpu.memory_space<semaphore_mem>>) {add = true}
            %dma_wait3A_135 = arith.constant 0 : i32
            %dma_wait3A_136 = arith.constant 0 : i32
            %dma_wait3A_137 = tpu.memref_slice %arg8[%dma_wait3A_135, %dma_wait3A_136] : memref<256x128xf32, #tpu.memory_space<vmem>> -> memref<128x128xf32, #tpu.memory_space<vmem>>
            %dma_wait3A_138 = arith.constant 0 : i32
            %dma_wait3A_139 = tpu.memref_slice %arg7[%add3A_93, %dma_wait3A_138] : memref<8x128xi32, #tpu.memory_space<vmem>> -> memref<1x128xi32, #tpu.memory_space<vmem>>
            %dma_wait3A_140 = tpu.memref_squeeze %dma_wait3A_139 : memref<1x128xi32, #tpu.memory_space<vmem>> -> memref<128xi32, #tpu.memory_space<vmem>>
            %dma_wait3A_141 = arith.constant 0 : i32
            %dma_wait3A_142 = arith.constant 0 : i32
            %dma_wait3A_143 = tpu.memref_slice %arg9[%dma_wait3A_141, %dma_wait3A_142] : memref<10240x128xf32, #tpu.memory_space<vmem_shared>> -> memref<10240x128xf32, #tpu.memory_space<vmem_shared>>
            tpu.wait_indirect_dma semaphore(%run_scoped3A : memref<!tpu.dma_semaphore, #tpu.memory_space<semaphore_mem>>) src(%dma_wait3A_137 : memref<128x128xf32, #tpu.memory_space<vmem>>) dst(%dma_wait3A_143 : memref<10240x128xf32, #tpu.memory_space<vmem_shared>>)
            tpu.yield
          }) : () -> ()
          %add3A_120 = arith.constant 2 : i32
          %add3A_121 = arith.addi %add3A_93, %add3A_120 : i32
          %lt3A = arith.constant 8 : i32
          %lt3A_122 = arith.cmpi slt, %add3A_121, %lt3A : i32
          %convert_element_type3A_123 = arith.extui %lt3A_122 : i1 to i32
          %cond3A_124 = arith.constant 0 : i32
          %cond3A_125 = arith.cmpi ne, %convert_element_type3A_123, %cond3A_124 : i32
          scf.if %cond3A_125 {
            %add3A_126 = arith.constant 2 : i32
            %add3A_127 = arith.addi %add3A_93, %add3A_126 : i32
            %dma_start3A_128 = arith.constant 0 : i32
            %dma_start3A_129 = arith.constant 0 : i32
            %dma_start3A_130 = tpu.memref_slice %arg8[%dma_start3A_128, %dma_start3A_129] : memref<256x128xf32, #tpu.memory_space<vmem>> -> memref<64x128xf32, #tpu.memory_space<vmem>>
            %dma_start3A_131 = arith.constant 0 : i32
            %dma_start3A_132 = tpu.memref_slice %arg6[%add3A_127, %dma_start3A_131] : memref<8x128xi32, #tpu.memory_space<vmem>> -> memref<1x64xi32, #tpu.memory_space<vmem>>
            %dma_start3A_133 = tpu.memref_squeeze %dma_start3A_132 : memref<1x64xi32, #tpu.memory_space<vmem>> -> memref<64xi32, #tpu.memory_space<vmem>>
            %dma_start3A_134 = arith.constant 0 : i32
            %dma_start3A_135 = arith.constant 0 : i32
            %dma_start3A_136 = tpu.memref_slice %arg2[%dma_start3A_134, %dma_start3A_135] : memref<10000x128xf32, #tpu.memory_space<hbm>> -> memref<10000x128xf32, #tpu.memory_space<hbm>>
            tpu.enqueue_indirect_dma source(%dma_start3A_136 : memref<10000x128xf32, #tpu.memory_space<hbm>>) target(%dma_start3A_130 : memref<64x128xf32, #tpu.memory_space<vmem>>) offsets(%dma_start3A_133 : memref<64xi32, #tpu.memory_space<vmem>>) semaphore(%arg10 : memref<!tpu.dma_semaphore, #tpu.memory_space<semaphore_mem>>)
            %dma_start3A_137 = arith.constant 64 : i32
            %dma_start3A_138 = arith.constant 0 : i32
            %dma_start3A_139 = tpu.memref_slice %arg8[%dma_start3A_137, %dma_start3A_138] : memref<256x128xf32, #tpu.memory_space<vmem>> -> memref<64x128xf32, #tpu.memory_space<vmem>>
            %dma_start3A_140 = arith.constant 64 : i32
            %dma_start3A_141 = tpu.memref_slice %arg6[%add3A_127, %dma_start3A_140] : memref<8x128xi32, #tpu.memory_space<vmem>> -> memref<1x64xi32, #tpu.memory_space<vmem>>
            %dma_start3A_142 = tpu.memref_squeeze %dma_start3A_141 : memref<1x64xi32, #tpu.memory_space<vmem>> -> memref<64xi32, #tpu.memory_space<vmem>>
            %dma_start3A_143 = arith.constant 0 : i32
            %dma_start3A_144 = arith.constant 0 : i32
            %dma_start3A_145 = tpu.memref_slice %arg2[%dma_start3A_143, %dma_start3A_144] : memref<10000x128xf32, #tpu.memory_space<hbm>> -> memref<10000x128xf32, #tpu.memory_space<hbm>>
            tpu.enqueue_indirect_dma source(%dma_start3A_145 : memref<10000x128xf32, #tpu.memory_space<hbm>>) target(%dma_start3A_139 : memref<64x128xf32, #tpu.memory_space<vmem>>) offsets(%dma_start3A_142 : memref<64xi32, #tpu.memory_space<vmem>>) semaphore(%arg10 : memref<!tpu.dma_semaphore, #tpu.memory_space<semaphore_mem>>)
          } else {
          }
        } else {
        }
        %eq3A_98 = arith.constant 1 : i32
        %eq3A_99 = arith.cmpi eq, %rem3A_94, %eq3A_98 : i32
        %convert_element_type3A_100 = arith.extui %eq3A_99 : i1 to i32
        %cond3A_101 = arith.constant 0 : i32
        %cond3A_102 = arith.cmpi ne, %convert_element_type3A_100, %cond3A_101 : i32
        scf.if %cond3A_102 {
          %dma_wait3A = arith.constant 128 : i32
          %dma_wait3A_103 = arith.constant 0 : i32
          %dma_wait3A_104 = tpu.memref_slice %arg8[%dma_wait3A, %dma_wait3A_103] : memref<256x128xf32, #tpu.memory_space<vmem>> -> memref<64x128xf32, #tpu.memory_space<vmem>>
          %dma_wait3A_105 = arith.constant 0 : i32
          %dma_wait3A_106 = tpu.memref_slice %arg6[%add3A_93, %dma_wait3A_105] : memref<8x128xi32, #tpu.memory_space<vmem>> -> memref<1x64xi32, #tpu.memory_space<vmem>>
          %dma_wait3A_107 = tpu.memref_squeeze %dma_wait3A_106 : memref<1x64xi32, #tpu.memory_space<vmem>> -> memref<64xi32, #tpu.memory_space<vmem>>
          %dma_wait3A_108 = arith.constant 0 : i32
          %dma_wait3A_109 = arith.constant 0 : i32
          %dma_wait3A_110 = tpu.memref_slice %arg2[%dma_wait3A_108, %dma_wait3A_109] : memref<10000x128xf32, #tpu.memory_space<hbm>> -> memref<10000x128xf32, #tpu.memory_space<hbm>>
          tpu.wait_indirect_dma semaphore(%arg11 : memref<!tpu.dma_semaphore, #tpu.memory_space<semaphore_mem>>) src(%dma_wait3A_110 : memref<10000x128xf32, #tpu.memory_space<hbm>>) dst(%dma_wait3A_104 : memref<64x128xf32, #tpu.memory_space<vmem>>)
          %dma_wait3A_111 = arith.constant 192 : i32
          %dma_wait3A_112 = arith.constant 0 : i32
          %dma_wait3A_113 = tpu.memref_slice %arg8[%dma_wait3A_111, %dma_wait3A_112] : memref<256x128xf32, #tpu.memory_space<vmem>> -> memref<64x128xf32, #tpu.memory_space<vmem>>
          %dma_wait3A_114 = arith.constant 64 : i32
          %dma_wait3A_115 = tpu.memref_slice %arg6[%add3A_93, %dma_wait3A_114] : memref<8x128xi32, #tpu.memory_space<vmem>> -> memref<1x64xi32, #tpu.memory_space<vmem>>
          %dma_wait3A_116 = tpu.memref_squeeze %dma_wait3A_115 : memref<1x64xi32, #tpu.memory_space<vmem>> -> memref<64xi32, #tpu.memory_space<vmem>>
          %dma_wait3A_117 = arith.constant 0 : i32
          %dma_wait3A_118 = arith.constant 0 : i32
          %dma_wait3A_119 = tpu.memref_slice %arg2[%dma_wait3A_117, %dma_wait3A_118] : memref<10000x128xf32, #tpu.memory_space<hbm>> -> memref<10000x128xf32, #tpu.memory_space<hbm>>
          tpu.wait_indirect_dma semaphore(%arg11 : memref<!tpu.dma_semaphore, #tpu.memory_space<semaphore_mem>>) src(%dma_wait3A_119 : memref<10000x128xf32, #tpu.memory_space<hbm>>) dst(%dma_wait3A_113 : memref<64x128xf32, #tpu.memory_space<vmem>>)
          "tpu.region"() ({
            %run_scoped3A = tpu.sem_alloc : memref<!tpu.dma_semaphore, #tpu.memory_space<semaphore_mem>>
            %dma_start3A_126 = arith.constant 128 : i32
            %dma_start3A_127 = arith.constant 0 : i32
            %dma_start3A_128 = tpu.memref_slice %arg8[%dma_start3A_126, %dma_start3A_127] : memref<256x128xf32, #tpu.memory_space<vmem>> -> memref<128x128xf32, #tpu.memory_space<vmem>>
            %dma_start3A_129 = arith.constant 0 : i32
            %dma_start3A_130 = tpu.memref_slice %arg7[%add3A_93, %dma_start3A_129] : memref<8x128xi32, #tpu.memory_space<vmem>> -> memref<1x128xi32, #tpu.memory_space<vmem>>
            %dma_start3A_131 = tpu.memref_squeeze %dma_start3A_130 : memref<1x128xi32, #tpu.memory_space<vmem>> -> memref<128xi32, #tpu.memory_space<vmem>>
            %dma_start3A_132 = arith.constant 0 : i32
            %dma_start3A_133 = arith.constant 0 : i32
            %dma_start3A_134 = tpu.memref_slice %arg9[%dma_start3A_132, %dma_start3A_133] : memref<10240x128xf32, #tpu.memory_space<vmem_shared>> -> memref<10240x128xf32, #tpu.memory_space<vmem_shared>>
            tpu.enqueue_indirect_dma source(%dma_start3A_128 : memref<128x128xf32, #tpu.memory_space<vmem>>) target(%dma_start3A_134 : memref<10240x128xf32, #tpu.memory_space<vmem_shared>>) offsets(%dma_start3A_131 : memref<128xi32, #tpu.memory_space<vmem>>) semaphore(%run_scoped3A : memref<!tpu.dma_semaphore, #tpu.memory_space<semaphore_mem>>) {add = true}
            %dma_wait3A_135 = arith.constant 128 : i32
            %dma_wait3A_136 = arith.constant 0 : i32
            %dma_wait3A_137 = tpu.memref_slice %arg8[%dma_wait3A_135, %dma_wait3A_136] : memref<256x128xf32, #tpu.memory_space<vmem>> -> memref<128x128xf32, #tpu.memory_space<vmem>>
            %dma_wait3A_138 = arith.constant 0 : i32
            %dma_wait3A_139 = tpu.memref_slice %arg7[%add3A_93, %dma_wait3A_138] : memref<8x128xi32, #tpu.memory_space<vmem>> -> memref<1x128xi32, #tpu.memory_space<vmem>>
            %dma_wait3A_140 = tpu.memref_squeeze %dma_wait3A_139 : memref<1x128xi32, #tpu.memory_space<vmem>> -> memref<128xi32, #tpu.memory_space<vmem>>
            %dma_wait3A_141 = arith.constant 0 : i32
            %dma_wait3A_142 = arith.constant 0 : i32
            %dma_wait3A_143 = tpu.memref_slice %arg9[%dma_wait3A_141, %dma_wait3A_142] : memref<10240x128xf32, #tpu.memory_space<vmem_shared>> -> memref<10240x128xf32, #tpu.memory_space<vmem_shared>>
            tpu.wait_indirect_dma semaphore(%run_scoped3A : memref<!tpu.dma_semaphore, #tpu.memory_space<semaphore_mem>>) src(%dma_wait3A_137 : memref<128x128xf32, #tpu.memory_space<vmem>>) dst(%dma_wait3A_143 : memref<10240x128xf32, #tpu.memory_space<vmem_shared>>)
            tpu.yield
          }) : () -> ()
          %add3A_120 = arith.constant 2 : i32
          %add3A_121 = arith.addi %add3A_93, %add3A_120 : i32
          %lt3A = arith.constant 8 : i32
          %lt3A_122 = arith.cmpi slt, %add3A_121, %lt3A : i32
          %convert_element_type3A_123 = arith.extui %lt3A_122 : i1 to i32
          %cond3A_124 = arith.constant 0 : i32
          %cond3A_125 = arith.cmpi ne, %convert_element_type3A_123, %cond3A_124 : i32
          scf.if %cond3A_125 {
            %add3A_126 = arith.constant 2 : i32
            %add3A_127 = arith.addi %add3A_93, %add3A_126 : i32
            %dma_start3A_128 = arith.constant 128 : i32
            %dma_start3A_129 = arith.constant 0 : i32
            %dma_start3A_130 = tpu.memref_slice %arg8[%dma_start3A_128, %dma_start3A_129] : memref<256x128xf32, #tpu.memory_space<vmem>> -> memref<64x128xf32, #tpu.memory_space<vmem>>
            %dma_start3A_131 = arith.constant 0 : i32
            %dma_start3A_132 = tpu.memref_slice %arg6[%add3A_127, %dma_start3A_131] : memref<8x128xi32, #tpu.memory_space<vmem>> -> memref<1x64xi32, #tpu.memory_space<vmem>>
            %dma_start3A_133 = tpu.memref_squeeze %dma_start3A_132 : memref<1x64xi32, #tpu.memory_space<vmem>> -> memref<64xi32, #tpu.memory_space<vmem>>
            %dma_start3A_134 = arith.constant 0 : i32
            %dma_start3A_135 = arith.constant 0 : i32
            %dma_start3A_136 = tpu.memref_slice %arg2[%dma_start3A_134, %dma_start3A_135] : memref<10000x128xf32, #tpu.memory_space<hbm>> -> memref<10000x128xf32, #tpu.memory_space<hbm>>
            tpu.enqueue_indirect_dma source(%dma_start3A_136 : memref<10000x128xf32, #tpu.memory_space<hbm>>) target(%dma_start3A_130 : memref<64x128xf32, #tpu.memory_space<vmem>>) offsets(%dma_start3A_133 : memref<64xi32, #tpu.memory_space<vmem>>) semaphore(%arg11 : memref<!tpu.dma_semaphore, #tpu.memory_space<semaphore_mem>>)
            %dma_start3A_137 = arith.constant 192 : i32
            %dma_start3A_138 = arith.constant 0 : i32
            %dma_start3A_139 = tpu.memref_slice %arg8[%dma_start3A_137, %dma_start3A_138] : memref<256x128xf32, #tpu.memory_space<vmem>> -> memref<64x128xf32, #tpu.memory_space<vmem>>
            %dma_start3A_140 = arith.constant 64 : i32
            %dma_start3A_141 = tpu.memref_slice %arg6[%add3A_127, %dma_start3A_140] : memref<8x128xi32, #tpu.memory_space<vmem>> -> memref<1x64xi32, #tpu.memory_space<vmem>>
            %dma_start3A_142 = tpu.memref_squeeze %dma_start3A_141 : memref<1x64xi32, #tpu.memory_space<vmem>> -> memref<64xi32, #tpu.memory_space<vmem>>
            %dma_start3A_143 = arith.constant 0 : i32
            %dma_start3A_144 = arith.constant 0 : i32
            %dma_start3A_145 = tpu.memref_slice %arg2[%dma_start3A_143, %dma_start3A_144] : memref<10000x128xf32, #tpu.memory_space<hbm>> -> memref<10000x128xf32, #tpu.memory_space<hbm>>
            tpu.enqueue_indirect_dma source(%dma_start3A_145 : memref<10000x128xf32, #tpu.memory_space<hbm>>) target(%dma_start3A_139 : memref<64x128xf32, #tpu.memory_space<vmem>>) offsets(%dma_start3A_142 : memref<64xi32, #tpu.memory_space<vmem>>) semaphore(%arg11 : memref<!tpu.dma_semaphore, #tpu.memory_space<semaphore_mem>>)
          } else {
          }
        } else {
        }
      }
      %scan3A_88 = arith.constant 8 : i32
    }
    %while3A_33 = arith.constant 1 : i32
    scf.for %while3A_39 = %while3A_31 to %while3A_27 step %while3A_33  : i32 {
      %mul3A_40 = arith.muli %while3A_39, %while3A : i32
      %add3A_41 = arith.addi %while3A_24, %mul3A_40 : i32
      %mul3A_42 = arith.constant 8 : i32
      %mul3A_43 = arith.muli %add3A_41, %mul3A_42 : i32
      %add3A_44 = arith.addi %select_n3A, %mul3A_43 : i32
      %multiple_of3A = tpu.assume_multiple %add3A_44, 8 : i32
      "tpu.region"() ({
        %run_scoped3A = tpu.sem_alloc : memref<!tpu.dma_semaphore, #tpu.memory_space<semaphore_mem>>
        %dma_start3A_89 = arith.constant 0 : i32
        %dma_start3A_90 = tpu.memref_slice %arg3[%multiple_of3A, %dma_start3A_89] : memref<2560x128xi32, #tpu.memory_space<hbm>> -> memref<8x128xi32, #tpu.memory_space<hbm>>
        %dma_start3A_91 = arith.constant 0 : i32
        %dma_start3A_92 = tpu.memref_slice %arg3[%multiple_of3A, %dma_start3A_91] : memref<2560x128xi32, #tpu.memory_space<hbm>> -> memref<8x128xi32, #tpu.memory_space<hbm>>
        tpu.enqueue_dma source(%dma_start3A_92 : memref<8x128xi32, #tpu.memory_space<hbm>>) target(%arg6 : memref<8x128xi32, #tpu.memory_space<vmem>>) target_semaphore(%run_scoped3A : memref<!tpu.dma_semaphore, #tpu.memory_space<semaphore_mem>>)
        %dma_wait3A = arith.constant 0 : i32
        %dma_wait3A_93 = tpu.memref_slice %arg3[%multiple_of3A, %dma_wait3A] : memref<2560x128xi32, #tpu.memory_space<hbm>> -> memref<8x128xi32, #tpu.memory_space<hbm>>
        %dma_wait3A_94 = arith.constant 0 : i32
        %dma_wait3A_95 = tpu.memref_slice %arg3[%multiple_of3A, %dma_wait3A_94] : memref<2560x128xi32, #tpu.memory_space<hbm>> -> memref<8x128xi32, #tpu.memory_space<hbm>>
        tpu.wait_dma2 semaphore(%run_scoped3A : memref<!tpu.dma_semaphore, #tpu.memory_space<semaphore_mem>>) src(%dma_wait3A_95 : memref<8x128xi32, #tpu.memory_space<hbm>>) dst(%arg6 : memref<8x128xi32, #tpu.memory_space<vmem>>)
        tpu.yield
      }) : () -> ()
      "tpu.region"() ({
        %run_scoped3A = tpu.sem_alloc : memref<!tpu.dma_semaphore, #tpu.memory_space<semaphore_mem>>
        %dma_start3A_89 = arith.constant 0 : i32
        %dma_start3A_90 = tpu.memref_slice %arg4[%multiple_of3A, %dma_start3A_89] : memref<2560x128xi32, #tpu.memory_space<hbm>> -> memref<8x128xi32, #tpu.memory_space<hbm>>
        %dma_start3A_91 = arith.constant 0 : i32
        %dma_start3A_92 = tpu.memref_slice %arg4[%multiple_of3A, %dma_start3A_91] : memref<2560x128xi32, #tpu.memory_space<hbm>> -> memref<8x128xi32, #tpu.memory_space<hbm>>
        tpu.enqueue_dma source(%dma_start3A_92 : memref<8x128xi32, #tpu.memory_space<hbm>>) target(%arg7 : memref<8x128xi32, #tpu.memory_space<vmem>>) target_semaphore(%run_scoped3A : memref<!tpu.dma_semaphore, #tpu.memory_space<semaphore_mem>>)
        %dma_wait3A = arith.constant 0 : i32
        %dma_wait3A_93 = tpu.memref_slice %arg4[%multiple_of3A, %dma_wait3A] : memref<2560x128xi32, #tpu.memory_space<hbm>> -> memref<8x128xi32, #tpu.memory_space<hbm>>
        %dma_wait3A_94 = arith.constant 0 : i32
        %dma_wait3A_95 = tpu.memref_slice %arg4[%multiple_of3A, %dma_wait3A_94] : memref<2560x128xi32, #tpu.memory_space<hbm>> -> memref<8x128xi32, #tpu.memory_space<hbm>>
        tpu.wait_dma2 semaphore(%run_scoped3A : memref<!tpu.dma_semaphore, #tpu.memory_space<semaphore_mem>>) src(%dma_wait3A_95 : memref<8x128xi32, #tpu.memory_space<hbm>>) dst(%arg7 : memref<8x128xi32, #tpu.memory_space<vmem>>)
        tpu.yield
      }) : () -> ()
      %dma_start3A = arith.constant 0 : i32
      %dma_start3A_45 = arith.constant 0 : i32
      %dma_start3A_46 = arith.constant 0 : i32
      %dma_start3A_47 = tpu.memref_slice %arg8[%dma_start3A_45, %dma_start3A_46] : memref<256x128xf32, #tpu.memory_space<vmem>> -> memref<64x128xf32, #tpu.memory_space<vmem>>
      %dma_start3A_48 = arith.constant 0 : i32
      %dma_start3A_49 = tpu.memref_slice %arg6[%dma_start3A, %dma_start3A_48] : memref<8x128xi32, #tpu.memory_space<vmem>> -> memref<1x64xi32, #tpu.memory_space<vmem>>
      %dma_start3A_50 = tpu.memref_squeeze %dma_start3A_49 : memref<1x64xi32, #tpu.memory_space<vmem>> -> memref<64xi32, #tpu.memory_space<vmem>>
      %dma_start3A_51 = arith.constant 0 : i32
      %dma_start3A_52 = arith.constant 0 : i32
      %dma_start3A_53 = tpu.memref_slice %arg2[%dma_start3A_51, %dma_start3A_52] : memref<10000x128xf32, #tpu.memory_space<hbm>> -> memref<10000x128xf32, #tpu.memory_space<hbm>>
      tpu.enqueue_indirect_dma source(%dma_start3A_53 : memref<10000x128xf32, #tpu.memory_space<hbm>>) target(%dma_start3A_47 : memref<64x128xf32, #tpu.memory_space<vmem>>) offsets(%dma_start3A_50 : memref<64xi32, #tpu.memory_space<vmem>>) semaphore(%arg10 : memref<!tpu.dma_semaphore, #tpu.memory_space<semaphore_mem>>)
      %dma_start3A_54 = arith.constant 0 : i32
      %dma_start3A_55 = arith.constant 64 : i32
      %dma_start3A_56 = arith.constant 0 : i32
      %dma_start3A_57 = tpu.memref_slice %arg8[%dma_start3A_55, %dma_start3A_56] : memref<256x128xf32, #tpu.memory_space<vmem>> -> memref<64x128xf32, #tpu.memory_space<vmem>>
      %dma_start3A_58 = arith.constant 64 : i32
      %dma_start3A_59 = tpu.memref_slice %arg6[%dma_start3A_54, %dma_start3A_58] : memref<8x128xi32, #tpu.memory_space<vmem>> -> memref<1x64xi32, #tpu.memory_space<vmem>>
      %dma_start3A_60 = tpu.memref_squeeze %dma_start3A_59 : memref<1x64xi32, #tpu.memory_space<vmem>> -> memref<64xi32, #tpu.memory_space<vmem>>
      %dma_start3A_61 = arith.constant 0 : i32
      %dma_start3A_62 = arith.constant 0 : i32
      %dma_start3A_63 = tpu.memref_slice %arg2[%dma_start3A_61, %dma_start3A_62] : memref<10000x128xf32, #tpu.memory_space<hbm>> -> memref<10000x128xf32, #tpu.memory_space<hbm>>
      tpu.enqueue_indirect_dma source(%dma_start3A_63 : memref<10000x128xf32, #tpu.memory_space<hbm>>) target(%dma_start3A_57 : memref<64x128xf32, #tpu.memory_space<vmem>>) offsets(%dma_start3A_60 : memref<64xi32, #tpu.memory_space<vmem>>) semaphore(%arg10 : memref<!tpu.dma_semaphore, #tpu.memory_space<semaphore_mem>>)
      %dma_start3A_64 = arith.constant 1 : i32
      %dma_start3A_65 = arith.constant 128 : i32
      %dma_start3A_66 = arith.constant 0 : i32
      %dma_start3A_67 = tpu.memref_slice %arg8[%dma_start3A_65, %dma_start3A_66] : memref<256x128xf32, #tpu.memory_space<vmem>> -> memref<64x128xf32, #tpu.memory_space<vmem>>
      %dma_start3A_68 = arith.constant 0 : i32
      %dma_start3A_69 = tpu.memref_slice %arg6[%dma_start3A_64, %dma_start3A_68] : memref<8x128xi32, #tpu.memory_space<vmem>> -> memref<1x64xi32, #tpu.memory_space<vmem>>
      %dma_start3A_70 = tpu.memref_squeeze %dma_start3A_69 : memref<1x64xi32, #tpu.memory_space<vmem>> -> memref<64xi32, #tpu.memory_space<vmem>>
      %dma_start3A_71 = arith.constant 0 : i32
      %dma_start3A_72 = arith.constant 0 : i32
      %dma_start3A_73 = tpu.memref_slice %arg2[%dma_start3A_71, %dma_start3A_72] : memref<10000x128xf32, #tpu.memory_space<hbm>> -> memref<10000x128xf32, #tpu.memory_space<hbm>>
      tpu.enqueue_indirect_dma source(%dma_start3A_73 : memref<10000x128xf32, #tpu.memory_space<hbm>>) target(%dma_start3A_67 : memref<64x128xf32, #tpu.memory_space<vmem>>) offsets(%dma_start3A_70 : memref<64xi32, #tpu.memory_space<vmem>>) semaphore(%arg11 : memref<!tpu.dma_semaphore, #tpu.memory_space<semaphore_mem>>)
      %dma_start3A_74 = arith.constant 1 : i32
      %dma_start3A_75 = arith.constant 192 : i32
      %dma_start3A_76 = arith.constant 0 : i32
      %dma_start3A_77 = tpu.memref_slice %arg8[%dma_start3A_75, %dma_start3A_76] : memref<256x128xf32, #tpu.memory_space<vmem>> -> memref<64x128xf32, #tpu.memory_space<vmem>>
      %dma_start3A_78 = arith.constant 64 : i32
      %dma_start3A_79 = tpu.memref_slice %arg6[%dma_start3A_74, %dma_start3A_78] : memref<8x128xi32, #tpu.memory_space<vmem>> -> memref<1x64xi32, #tpu.memory_space<vmem>>
      %dma_start3A_80 = tpu.memref_squeeze %dma_start3A_79 : memref<1x64xi32, #tpu.memory_space<vmem>> -> memref<64xi32, #tpu.memory_space<vmem>>
      %dma_start3A_81 = arith.constant 0 : i32
      %dma_start3A_82 = arith.constant 0 : i32
      %dma_start3A_83 = tpu.memref_slice %arg2[%dma_start3A_81, %dma_start3A_82] : memref<10000x128xf32, #tpu.memory_space<hbm>> -> memref<10000x128xf32, #tpu.memory_space<hbm>>
      tpu.enqueue_indirect_dma source(%dma_start3A_83 : memref<10000x128xf32, #tpu.memory_space<hbm>>) target(%dma_start3A_77 : memref<64x128xf32, #tpu.memory_space<vmem>>) offsets(%dma_start3A_80 : memref<64xi32, #tpu.memory_space<vmem>>) semaphore(%arg11 : memref<!tpu.dma_semaphore, #tpu.memory_space<semaphore_mem>>)
      %scan3A_84 = arith.constant 0 : i32
      %scan3A_85 = arith.constant 8 : i32
      %scan3A_86 = arith.addi %scan3A_84, %scan3A_85 : i32
      %scan3A_87 = arith.constant 1 : i32
      scf.for %scan3A_89 = %scan3A_84 to %scan3A_86 step %scan3A_87  : i32 {
        %mul3A_90 = arith.constant 1 : i32
        %mul3A_91 = arith.muli %scan3A_89, %mul3A_90 : i32
        %add3A_92 = arith.constant 0 : i32
        %add3A_93 = arith.addi %add3A_92, %mul3A_91 : i32
        %rem3A = arith.constant 2 : i32
        %rem3A_94 = arith.remsi %add3A_93, %rem3A : i32
        %eq3A_95 = arith.constant 0 : i32
        %eq3A_96 = arith.cmpi eq, %rem3A_94, %eq3A_95 : i32
        %convert_element_type3A = arith.extui %eq3A_96 : i1 to i32
        %cond3A = arith.constant 0 : i32
        %cond3A_97 = arith.cmpi ne, %convert_element_type3A, %cond3A : i32
        scf.if %cond3A_97 {
          %dma_wait3A = arith.constant 0 : i32
          %dma_wait3A_103 = arith.constant 0 : i32
          %dma_wait3A_104 = tpu.memref_slice %arg8[%dma_wait3A, %dma_wait3A_103] : memref<256x128xf32, #tpu.memory_space<vmem>> -> memref<64x128xf32, #tpu.memory_space<vmem>>
          %dma_wait3A_105 = arith.constant 0 : i32
          %dma_wait3A_106 = tpu.memref_slice %arg6[%add3A_93, %dma_wait3A_105] : memref<8x128xi32, #tpu.memory_space<vmem>> -> memref<1x64xi32, #tpu.memory_space<vmem>>
          %dma_wait3A_107 = tpu.memref_squeeze %dma_wait3A_106 : memref<1x64xi32, #tpu.memory_space<vmem>> -> memref<64xi32, #tpu.memory_space<vmem>>
          %dma_wait3A_108 = arith.constant 0 : i32
          %dma_wait3A_109 = arith.constant 0 : i32
          %dma_wait3A_110 = tpu.memref_slice %arg2[%dma_wait3A_108, %dma_wait3A_109] : memref<10000x128xf32, #tpu.memory_space<hbm>> -> memref<10000x128xf32, #tpu.memory_space<hbm>>
          tpu.wait_indirect_dma semaphore(%arg10 : memref<!tpu.dma_semaphore, #tpu.memory_space<semaphore_mem>>) src(%dma_wait3A_110 : memref<10000x128xf32, #tpu.memory_space<hbm>>) dst(%dma_wait3A_104 : memref<64x128xf32, #tpu.memory_space<vmem>>)
          %dma_wait3A_111 = arith.constant 64 : i32
          %dma_wait3A_112 = arith.constant 0 : i32
          %dma_wait3A_113 = tpu.memref_slice %arg8[%dma_wait3A_111, %dma_wait3A_112] : memref<256x128xf32, #tpu.memory_space<vmem>> -> memref<64x128xf32, #tpu.memory_space<vmem>>
          %dma_wait3A_114 = arith.constant 64 : i32
          %dma_wait3A_115 = tpu.memref_slice %arg6[%add3A_93, %dma_wait3A_114] : memref<8x128xi32, #tpu.memory_space<vmem>> -> memref<1x64xi32, #tpu.memory_space<vmem>>
          %dma_wait3A_116 = tpu.memref_squeeze %dma_wait3A_115 : memref<1x64xi32, #tpu.memory_space<vmem>> -> memref<64xi32, #tpu.memory_space<vmem>>
          %dma_wait3A_117 = arith.constant 0 : i32
          %dma_wait3A_118 = arith.constant 0 : i32
          %dma_wait3A_119 = tpu.memref_slice %arg2[%dma_wait3A_117, %dma_wait3A_118] : memref<10000x128xf32, #tpu.memory_space<hbm>> -> memref<10000x128xf32, #tpu.memory_space<hbm>>
          tpu.wait_indirect_dma semaphore(%arg10 : memref<!tpu.dma_semaphore, #tpu.memory_space<semaphore_mem>>) src(%dma_wait3A_119 : memref<10000x128xf32, #tpu.memory_space<hbm>>) dst(%dma_wait3A_113 : memref<64x128xf32, #tpu.memory_space<vmem>>)
          "tpu.region"() ({
            %run_scoped3A = tpu.sem_alloc : memref<!tpu.dma_semaphore, #tpu.memory_space<semaphore_mem>>
            %dma_start3A_126 = arith.constant 0 : i32
            %dma_start3A_127 = arith.constant 0 : i32
            %dma_start3A_128 = tpu.memref_slice %arg8[%dma_start3A_126, %dma_start3A_127] : memref<256x128xf32, #tpu.memory_space<vmem>> -> memref<128x128xf32, #tpu.memory_space<vmem>>
            %dma_start3A_129 = arith.constant 0 : i32
            %dma_start3A_130 = tpu.memref_slice %arg7[%add3A_93, %dma_start3A_129] : memref<8x128xi32, #tpu.memory_space<vmem>> -> memref<1x128xi32, #tpu.memory_space<vmem>>
            %dma_start3A_131 = tpu.memref_squeeze %dma_start3A_130 : memref<1x128xi32, #tpu.memory_space<vmem>> -> memref<128xi32, #tpu.memory_space<vmem>>
            %dma_start3A_132 = arith.constant 0 : i32
            %dma_start3A_133 = arith.constant 0 : i32
            %dma_start3A_134 = tpu.memref_slice %arg9[%dma_start3A_132, %dma_start3A_133] : memref<10240x128xf32, #tpu.memory_space<vmem_shared>> -> memref<10240x128xf32, #tpu.memory_space<vmem_shared>>
            tpu.enqueue_indirect_dma source(%dma_start3A_128 : memref<128x128xf32, #tpu.memory_space<vmem>>) target(%dma_start3A_134 : memref<10240x128xf32, #tpu.memory_space<vmem_shared>>) offsets(%dma_start3A_131 : memref<128xi32, #tpu.memory_space<vmem>>) semaphore(%run_scoped3A : memref<!tpu.dma_semaphore, #tpu.memory_space<semaphore_mem>>) {add = true}
            %dma_wait3A_135 = arith.constant 0 : i32
            %dma_wait3A_136 = arith.constant 0 : i32
            %dma_wait3A_137 = tpu.memref_slice %arg8[%dma_wait3A_135, %dma_wait3A_136] : memref<256x128xf32, #tpu.memory_space<vmem>> -> memref<128x128xf32, #tpu.memory_space<vmem>>
            %dma_wait3A_138 = arith.constant 0 : i32
            %dma_wait3A_139 = tpu.memref_slice %arg7[%add3A_93, %dma_wait3A_138] : memref<8x128xi32, #tpu.memory_space<vmem>> -> memref<1x128xi32, #tpu.memory_space<vmem>>
            %dma_wait3A_140 = tpu.memref_squeeze %dma_wait3A_139 : memref<1x128xi32, #tpu.memory_space<vmem>> -> memref<128xi32, #tpu.memory_space<vmem>>
            %dma_wait3A_141 = arith.constant 0 : i32
            %dma_wait3A_142 = arith.constant 0 : i32
            %dma_wait3A_143 = tpu.memref_slice %arg9[%dma_wait3A_141, %dma_wait3A_142] : memref<10240x128xf32, #tpu.memory_space<vmem_shared>> -> memref<10240x128xf32, #tpu.memory_space<vmem_shared>>
            tpu.wait_indirect_dma semaphore(%run_scoped3A : memref<!tpu.dma_semaphore, #tpu.memory_space<semaphore_mem>>) src(%dma_wait3A_137 : memref<128x128xf32, #tpu.memory_space<vmem>>) dst(%dma_wait3A_143 : memref<10240x128xf32, #tpu.memory_space<vmem_shared>>)
            tpu.yield
          }) : () -> ()
          %add3A_120 = arith.constant 2 : i32
          %add3A_121 = arith.addi %add3A_93, %add3A_120 : i32
          %lt3A = arith.constant 8 : i32
          %lt3A_122 = arith.cmpi slt, %add3A_121, %lt3A : i32
          %convert_element_type3A_123 = arith.extui %lt3A_122 : i1 to i32
          %cond3A_124 = arith.constant 0 : i32
          %cond3A_125 = arith.cmpi ne, %convert_element_type3A_123, %cond3A_124 : i32
          scf.if %cond3A_125 {
            %add3A_126 = arith.constant 2 : i32
            %add3A_127 = arith.addi %add3A_93, %add3A_126 : i32
            %dma_start3A_128 = arith.constant 0 : i32
            %dma_start3A_129 = arith.constant 0 : i32
            %dma_start3A_130 = tpu.memref_slice %arg8[%dma_start3A_128, %dma_start3A_129] : memref<256x128xf32, #tpu.memory_space<vmem>> -> memref<64x128xf32, #tpu.memory_space<vmem>>
            %dma_start3A_131 = arith.constant 0 : i32
            %dma_start3A_132 = tpu.memref_slice %arg6[%add3A_127, %dma_start3A_131] : memref<8x128xi32, #tpu.memory_space<vmem>> -> memref<1x64xi32, #tpu.memory_space<vmem>>
            %dma_start3A_133 = tpu.memref_squeeze %dma_start3A_132 : memref<1x64xi32, #tpu.memory_space<vmem>> -> memref<64xi32, #tpu.memory_space<vmem>>
            %dma_start3A_134 = arith.constant 0 : i32
            %dma_start3A_135 = arith.constant 0 : i32
            %dma_start3A_136 = tpu.memref_slice %arg2[%dma_start3A_134, %dma_start3A_135] : memref<10000x128xf32, #tpu.memory_space<hbm>> -> memref<10000x128xf32, #tpu.memory_space<hbm>>
            tpu.enqueue_indirect_dma source(%dma_start3A_136 : memref<10000x128xf32, #tpu.memory_space<hbm>>) target(%dma_start3A_130 : memref<64x128xf32, #tpu.memory_space<vmem>>) offsets(%dma_start3A_133 : memref<64xi32, #tpu.memory_space<vmem>>) semaphore(%arg10 : memref<!tpu.dma_semaphore, #tpu.memory_space<semaphore_mem>>)
            %dma_start3A_137 = arith.constant 64 : i32
            %dma_start3A_138 = arith.constant 0 : i32
            %dma_start3A_139 = tpu.memref_slice %arg8[%dma_start3A_137, %dma_start3A_138] : memref<256x128xf32, #tpu.memory_space<vmem>> -> memref<64x128xf32, #tpu.memory_space<vmem>>
            %dma_start3A_140 = arith.constant 64 : i32
            %dma_start3A_141 = tpu.memref_slice %arg6[%add3A_127, %dma_start3A_140] : memref<8x128xi32, #tpu.memory_space<vmem>> -> memref<1x64xi32, #tpu.memory_space<vmem>>
            %dma_start3A_142 = tpu.memref_squeeze %dma_start3A_141 : memref<1x64xi32, #tpu.memory_space<vmem>> -> memref<64xi32, #tpu.memory_space<vmem>>
            %dma_start3A_143 = arith.constant 0 : i32
            %dma_start3A_144 = arith.constant 0 : i32
            %dma_start3A_145 = tpu.memref_slice %arg2[%dma_start3A_143, %dma_start3A_144] : memref<10000x128xf32, #tpu.memory_space<hbm>> -> memref<10000x128xf32, #tpu.memory_space<hbm>>
            tpu.enqueue_indirect_dma source(%dma_start3A_145 : memref<10000x128xf32, #tpu.memory_space<hbm>>) target(%dma_start3A_139 : memref<64x128xf32, #tpu.memory_space<vmem>>) offsets(%dma_start3A_142 : memref<64xi32, #tpu.memory_space<vmem>>) semaphore(%arg10 : memref<!tpu.dma_semaphore, #tpu.memory_space<semaphore_mem>>)
          } else {
          }
        } else {
        }
        %eq3A_98 = arith.constant 1 : i32
        %eq3A_99 = arith.cmpi eq, %rem3A_94, %eq3A_98 : i32
        %convert_element_type3A_100 = arith.extui %eq3A_99 : i1 to i32
        %cond3A_101 = arith.constant 0 : i32
        %cond3A_102 = arith.cmpi ne, %convert_element_type3A_100, %cond3A_101 : i32
        scf.if %cond3A_102 {
          %dma_wait3A = arith.constant 128 : i32
          %dma_wait3A_103 = arith.constant 0 : i32
          %dma_wait3A_104 = tpu.memref_slice %arg8[%dma_wait3A, %dma_wait3A_103] : memref<256x128xf32, #tpu.memory_space<vmem>> -> memref<64x128xf32, #tpu.memory_space<vmem>>
          %dma_wait3A_105 = arith.constant 0 : i32
          %dma_wait3A_106 = tpu.memref_slice %arg6[%add3A_93, %dma_wait3A_105] : memref<8x128xi32, #tpu.memory_space<vmem>> -> memref<1x64xi32, #tpu.memory_space<vmem>>
          %dma_wait3A_107 = tpu.memref_squeeze %dma_wait3A_106 : memref<1x64xi32, #tpu.memory_space<vmem>> -> memref<64xi32, #tpu.memory_space<vmem>>
          %dma_wait3A_108 = arith.constant 0 : i32
          %dma_wait3A_109 = arith.constant 0 : i32
          %dma_wait3A_110 = tpu.memref_slice %arg2[%dma_wait3A_108, %dma_wait3A_109] : memref<10000x128xf32, #tpu.memory_space<hbm>> -> memref<10000x128xf32, #tpu.memory_space<hbm>>
          tpu.wait_indirect_dma semaphore(%arg11 : memref<!tpu.dma_semaphore, #tpu.memory_space<semaphore_mem>>) src(%dma_wait3A_110 : memref<10000x128xf32, #tpu.memory_space<hbm>>) dst(%dma_wait3A_104 : memref<64x128xf32, #tpu.memory_space<vmem>>)
          %dma_wait3A_111 = arith.constant 192 : i32
          %dma_wait3A_112 = arith.constant 0 : i32
          %dma_wait3A_113 = tpu.memref_slice %arg8[%dma_wait3A_111, %dma_wait3A_112] : memref<256x128xf32, #tpu.memory_space<vmem>> -> memref<64x128xf32, #tpu.memory_space<vmem>>
          %dma_wait3A_114 = arith.constant 64 : i32
          %dma_wait3A_115 = tpu.memref_slice %arg6[%add3A_93, %dma_wait3A_114] : memref<8x128xi32, #tpu.memory_space<vmem>> -> memref<1x64xi32, #tpu.memory_space<vmem>>
          %dma_wait3A_116 = tpu.memref_squeeze %dma_wait3A_115 : memref<1x64xi32, #tpu.memory_space<vmem>> -> memref<64xi32, #tpu.memory_space<vmem>>
          %dma_wait3A_117 = arith.constant 0 : i32
          %dma_wait3A_118 = arith.constant 0 : i32
          %dma_wait3A_119 = tpu.memref_slice %arg2[%dma_wait3A_117, %dma_wait3A_118] : memref<10000x128xf32, #tpu.memory_space<hbm>> -> memref<10000x128xf32, #tpu.memory_space<hbm>>
          tpu.wait_indirect_dma semaphore(%arg11 : memref<!tpu.dma_semaphore, #tpu.memory_space<semaphore_mem>>) src(%dma_wait3A_119 : memref<10000x128xf32, #tpu.memory_space<hbm>>) dst(%dma_wait3A_113 : memref<64x128xf32, #tpu.memory_space<vmem>>)
          "tpu.region"() ({
            %run_scoped3A = tpu.sem_alloc : memref<!tpu.dma_semaphore, #tpu.memory_space<semaphore_mem>>
            %dma_start3A_126 = arith.constant 128 : i32
            %dma_start3A_127 = arith.constant 0 : i32
            %dma_start3A_128 = tpu.memref_slice %arg8[%dma_start3A_126, %dma_start3A_127] : memref<256x128xf32, #tpu.memory_space<vmem>> -> memref<128x128xf32, #tpu.memory_space<vmem>>
            %dma_start3A_129 = arith.constant 0 : i32
            %dma_start3A_130 = tpu.memref_slice %arg7[%add3A_93, %dma_start3A_129] : memref<8x128xi32, #tpu.memory_space<vmem>> -> memref<1x128xi32, #tpu.memory_space<vmem>>
            %dma_start3A_131 = tpu.memref_squeeze %dma_start3A_130 : memref<1x128xi32, #tpu.memory_space<vmem>> -> memref<128xi32, #tpu.memory_space<vmem>>
            %dma_start3A_132 = arith.constant 0 : i32
            %dma_start3A_133 = arith.constant 0 : i32
            %dma_start3A_134 = tpu.memref_slice %arg9[%dma_start3A_132, %dma_start3A_133] : memref<10240x128xf32, #tpu.memory_space<vmem_shared>> -> memref<10240x128xf32, #tpu.memory_space<vmem_shared>>
            tpu.enqueue_indirect_dma source(%dma_start3A_128 : memref<128x128xf32, #tpu.memory_space<vmem>>) target(%dma_start3A_134 : memref<10240x128xf32, #tpu.memory_space<vmem_shared>>) offsets(%dma_start3A_131 : memref<128xi32, #tpu.memory_space<vmem>>) semaphore(%run_scoped3A : memref<!tpu.dma_semaphore, #tpu.memory_space<semaphore_mem>>) {add = true}
            %dma_wait3A_135 = arith.constant 128 : i32
            %dma_wait3A_136 = arith.constant 0 : i32
            %dma_wait3A_137 = tpu.memref_slice %arg8[%dma_wait3A_135, %dma_wait3A_136] : memref<256x128xf32, #tpu.memory_space<vmem>> -> memref<128x128xf32, #tpu.memory_space<vmem>>
            %dma_wait3A_138 = arith.constant 0 : i32
            %dma_wait3A_139 = tpu.memref_slice %arg7[%add3A_93, %dma_wait3A_138] : memref<8x128xi32, #tpu.memory_space<vmem>> -> memref<1x128xi32, #tpu.memory_space<vmem>>
            %dma_wait3A_140 = tpu.memref_squeeze %dma_wait3A_139 : memref<1x128xi32, #tpu.memory_space<vmem>> -> memref<128xi32, #tpu.memory_space<vmem>>
            %dma_wait3A_141 = arith.constant 0 : i32
            %dma_wait3A_142 = arith.constant 0 : i32
            %dma_wait3A_143 = tpu.memref_slice %arg9[%dma_wait3A_141, %dma_wait3A_142] : memref<10240x128xf32, #tpu.memory_space<vmem_shared>> -> memref<10240x128xf32, #tpu.memory_space<vmem_shared>>
            tpu.wait_indirect_dma semaphore(%run_scoped3A : memref<!tpu.dma_semaphore, #tpu.memory_space<semaphore_mem>>) src(%dma_wait3A_137 : memref<128x128xf32, #tpu.memory_space<vmem>>) dst(%dma_wait3A_143 : memref<10240x128xf32, #tpu.memory_space<vmem_shared>>)
            tpu.yield
          }) : () -> ()
          %add3A_120 = arith.constant 2 : i32
          %add3A_121 = arith.addi %add3A_93, %add3A_120 : i32
          %lt3A = arith.constant 8 : i32
          %lt3A_122 = arith.cmpi slt, %add3A_121, %lt3A : i32
          %convert_element_type3A_123 = arith.extui %lt3A_122 : i1 to i32
          %cond3A_124 = arith.constant 0 : i32
          %cond3A_125 = arith.cmpi ne, %convert_element_type3A_123, %cond3A_124 : i32
          scf.if %cond3A_125 {
            %add3A_126 = arith.constant 2 : i32
            %add3A_127 = arith.addi %add3A_93, %add3A_126 : i32
            %dma_start3A_128 = arith.constant 128 : i32
            %dma_start3A_129 = arith.constant 0 : i32
            %dma_start3A_130 = tpu.memref_slice %arg8[%dma_start3A_128, %dma_start3A_129] : memref<256x128xf32, #tpu.memory_space<vmem>> -> memref<64x128xf32, #tpu.memory_space<vmem>>
            %dma_start3A_131 = arith.constant 0 : i32
            %dma_start3A_132 = tpu.memref_slice %arg6[%add3A_127, %dma_start3A_131] : memref<8x128xi32, #tpu.memory_space<vmem>> -> memref<1x64xi32, #tpu.memory_space<vmem>>
            %dma_start3A_133 = tpu.memref_squeeze %dma_start3A_132 : memref<1x64xi32, #tpu.memory_space<vmem>> -> memref<64xi32, #tpu.memory_space<vmem>>
            %dma_start3A_134 = arith.constant 0 : i32
            %dma_start3A_135 = arith.constant 0 : i32
            %dma_start3A_136 = tpu.memref_slice %arg2[%dma_start3A_134, %dma_start3A_135] : memref<10000x128xf32, #tpu.memory_space<hbm>> -> memref<10000x128xf32, #tpu.memory_space<hbm>>
            tpu.enqueue_indirect_dma source(%dma_start3A_136 : memref<10000x128xf32, #tpu.memory_space<hbm>>) target(%dma_start3A_130 : memref<64x128xf32, #tpu.memory_space<vmem>>) offsets(%dma_start3A_133 : memref<64xi32, #tpu.memory_space<vmem>>) semaphore(%arg11 : memref<!tpu.dma_semaphore, #tpu.memory_space<semaphore_mem>>)
            %dma_start3A_137 = arith.constant 192 : i32
            %dma_start3A_138 = arith.constant 0 : i32
            %dma_start3A_139 = tpu.memref_slice %arg8[%dma_start3A_137, %dma_start3A_138] : memref<256x128xf32, #tpu.memory_space<vmem>> -> memref<64x128xf32, #tpu.memory_space<vmem>>
            %dma_start3A_140 = arith.constant 64 : i32
            %dma_start3A_141 = tpu.memref_slice %arg6[%add3A_127, %dma_start3A_140] : memref<8x128xi32, #tpu.memory_space<vmem>> -> memref<1x64xi32, #tpu.memory_space<vmem>>
            %dma_start3A_142 = tpu.memref_squeeze %dma_start3A_141 : memref<1x64xi32, #tpu.memory_space<vmem>> -> memref<64xi32, #tpu.memory_space<vmem>>
            %dma_start3A_143 = arith.constant 0 : i32
            %dma_start3A_144 = arith.constant 0 : i32
            %dma_start3A_145 = tpu.memref_slice %arg2[%dma_start3A_143, %dma_start3A_144] : memref<10000x128xf32, #tpu.memory_space<hbm>> -> memref<10000x128xf32, #tpu.memory_space<hbm>>
            tpu.enqueue_indirect_dma source(%dma_start3A_145 : memref<10000x128xf32, #tpu.memory_space<hbm>>) target(%dma_start3A_139 : memref<64x128xf32, #tpu.memory_space<vmem>>) offsets(%dma_start3A_142 : memref<64xi32, #tpu.memory_space<vmem>>) semaphore(%arg11 : memref<!tpu.dma_semaphore, #tpu.memory_space<semaphore_mem>>)
          } else {
          }
        } else {
        }
      }
      %scan3A_88 = arith.constant 8 : i32
    }
    %barrier3A_34 = arith.constant 0 : index
    tpu.barrier barrier_id(%barrier3A_34)
    %mul3A_35 = arith.constant 640 : i32
    %mul3A_36 = arith.muli %arg1, %mul3A_35 : i32
    %mul3A_37 = arith.constant 640 : i32
    %mul3A_38 = arith.muli %arg1, %mul3A_37 : i32
    "tpu.region"() ({
      %run_scoped3A = tpu.sem_alloc : memref<!tpu.dma_semaphore, #tpu.memory_space<semaphore_mem>>
      %dma_start3A = arith.constant 0 : i32
      %dma_start3A_39 = tpu.memref_slice %arg5[%arg0, %mul3A_38, %dma_start3A] : memref<2x10240x128xf32, #tpu.memory_space<hbm>> -> memref<1x640x128xf32, #tpu.memory_space<hbm>>
      %dma_start3A_40 = tpu.memref_squeeze %dma_start3A_39 : memref<1x640x128xf32, #tpu.memory_space<hbm>> -> memref<640x128xf32, #tpu.memory_space<hbm>>
      %dma_start3A_41 = arith.constant 0 : i32
      %dma_start3A_42 = tpu.memref_slice %arg9[%mul3A_36, %dma_start3A_41] : memref<10240x128xf32, #tpu.memory_space<vmem_shared>> -> memref<640x128xf32, #tpu.memory_space<vmem_shared>>
      tpu.enqueue_dma source(%dma_start3A_42 : memref<640x128xf32, #tpu.memory_space<vmem_shared>>) target(%dma_start3A_40 : memref<640x128xf32, #tpu.memory_space<hbm>>) target_semaphore(%run_scoped3A : memref<!tpu.dma_semaphore, #tpu.memory_space<semaphore_mem>>)
      %dma_wait3A = arith.constant 0 : i32
      %dma_wait3A_43 = tpu.memref_slice %arg5[%arg0, %mul3A_38, %dma_wait3A] : memref<2x10240x128xf32, #tpu.memory_space<hbm>> -> memref<1x640x128xf32, #tpu.memory_space<hbm>>
      %dma_wait3A_44 = tpu.memref_squeeze %dma_wait3A_43 : memref<1x640x128xf32, #tpu.memory_space<hbm>> -> memref<640x128xf32, #tpu.memory_space<hbm>>
      %dma_wait3A_45 = arith.constant 0 : i32
      %dma_wait3A_46 = tpu.memref_slice %arg9[%mul3A_36, %dma_wait3A_45] : memref<10240x128xf32, #tpu.memory_space<vmem_shared>> -> memref<640x128xf32, #tpu.memory_space<vmem_shared>>
      tpu.wait_dma2 semaphore(%run_scoped3A : memref<!tpu.dma_semaphore, #tpu.memory_space<semaphore_mem>>) src(%dma_wait3A_46 : memref<640x128xf32, #tpu.memory_space<vmem_shared>>) dst(%dma_wait3A_44 : memref<640x128xf32, #tpu.memory_space<hbm>>)
      tpu.yield
    }) : () -> ()
    return
  }
}

#map = affine_map<(d0, d1) -> (0, 0)>
#map1 = affine_map<(d0, d1) -> (0, 0, 0)>
module attributes {stable_mosaic.version = 14 : i64} {
  func.func @_edge_body(%arg0: i32, %arg1: i32, %arg2: memref<10000x128xf32, #tpu.memory_space<hbm>>, %arg3: memref<2560x128xi32, #tpu.memory_space<hbm>>, %arg4: memref<2560x128xi32, #tpu.memory_space<hbm>>, %arg5: memref<2x10240x128xf32, #tpu.memory_space<hbm>>, %arg6: memref<8x128xi32, #tpu.memory_space<vmem>>, %arg7: memref<8x128xi32, #tpu.memory_space<vmem>>, %arg8: memref<256x128xf32, #tpu.memory_space<vmem>>, %arg9: memref<10240x128xf32, #tpu.memory_space<vmem_shared>>, %arg10: memref<!tpu.dma_semaphore, #tpu.memory_space<semaphore_mem>>, %arg11: memref<!tpu.dma_semaphore, #tpu.memory_space<semaphore_mem>>) attributes {dimension_semantics = [#tpu.dimension_semantics<core_parallel>, #tpu.dimension_semantics<subcore_parallel>], iteration_bounds = array<i64: 2, 16>, scalar_prefetch = 0 : i64, scratch_operands = 6 : i64, tpu.core_type = #tpu.core_type<sc_vector_subcore>, window_params = [{transform_indices = #map}, {transform_indices = #map}, {transform_indices = #map}, {transform_indices = #map1}]} {
    %eq3A = arith.constant 0 : i32
    %eq3A_0 = arith.cmpi eq, %arg0, %eq3A : i32
    %mul3A = arith.constant 120 : i32
    %mul3A_1 = arith.muli %arg1, %mul3A : i32
    %mul3A_2 = arith.constant 40 : i32
    %mul3A_3 = arith.muli %arg1, %mul3A_2 : i32
    %add3A = arith.constant 1920 : i32
    %add3A_4 = arith.addi %add3A, %mul3A_3 : i32
    %select_n3A = arith.select %eq3A_0, %mul3A_1, %add3A_4 : i32
    %eq3A_5 = arith.constant 0 : i32
    %eq3A_6 = arith.cmpi eq, %arg0, %eq3A_5 : i32
    %jit3A = arith.constant 15 : i32
    %jit3A_7 = arith.constant 5 : i32
    %select_n3A_8 = arith.select %eq3A_6, %jit3A, %jit3A_7 : i32
    %scan3A = arith.constant 0 : i32
    %scan3A_9 = arith.constant 1024 : i32
    %scan3A_10 = arith.addi %scan3A, %scan3A_9 : i32
    %scan3A_11 = arith.constant 1 : i32
    scf.for %scan3A_39 = %scan3A to %scan3A_10 step %scan3A_11  : i32 {
      %mul3A_40 = arith.constant 1 : i32
      %mul3A_41 = arith.muli %scan3A_39, %mul3A_40 : i32
      %add3A_42 = arith.constant 0 : i32
      %add3A_43 = arith.addi %add3A_42, %mul3A_41 : i32
      %broadcast_in_dim3A = arith.constant 0.000000e+00 : f32
      %broadcast_in_dim3A_44 = vector.broadcast %broadcast_in_dim3A : f32 to vector<16xf32>
      %jit3A_45 = arith.constant 8 : i32
      %div3A_46 = arith.divsi %add3A_43, %jit3A_45 : i32
      %sign3A = arith.constant 0 : i32
      %sign3A_47 = arith.cmpi sgt, %add3A_43, %sign3A : i32
      %sign3A_48 = arith.extui %sign3A_47 : i1 to i32
      %sign3A_49 = arith.constant 0 : i32
      %sign3A_50 = arith.cmpi slt, %add3A_43, %sign3A_49 : i32
      %sign3A_51 = arith.extui %sign3A_50 : i1 to i32
      %sign3A_52 = arith.subi %sign3A_48, %sign3A_51 : i32
      %sign3A_53 = arith.constant 0 : i32
      %sign3A_54 = arith.cmpi sgt, %jit3A_45, %sign3A_53 : i32
      %sign3A_55 = arith.extui %sign3A_54 : i1 to i32
      %sign3A_56 = arith.constant 0 : i32
      %sign3A_57 = arith.cmpi slt, %jit3A_45, %sign3A_56 : i32
      %sign3A_58 = arith.extui %sign3A_57 : i1 to i32
      %sign3A_59 = arith.subi %sign3A_55, %sign3A_58 : i32
      %ne3A = arith.cmpi ne, %sign3A_52, %sign3A_59 : i32
      %rem3A = arith.remsi %add3A_43, %jit3A_45 : i32
      %ne3A_60 = arith.constant 0 : i32
      %ne3A_61 = arith.cmpi ne, %rem3A, %ne3A_60 : i32
      %and3A = arith.andi %ne3A, %ne3A_61 : i1
      %sub3A_62 = arith.constant 1 : i32
      %sub3A_63 = arith.subi %div3A_46, %sub3A_62 : i32
      %select_n3A_64 = arith.select %and3A, %sub3A_63, %div3A_46 : i32
      %jit3A_65 = arith.constant 8 : i32
      %eq3A_66 = arith.constant 0 : i32
      %eq3A_67 = arith.cmpi eq, %jit3A_65, %eq3A_66 : i32
      %jit3A_68 = arith.constant 1 : i32
      %select_n3A_69 = arith.select %eq3A_67, %jit3A_68, %jit3A_65 : i32
      %rem3A_70 = arith.remsi %add3A_43, %select_n3A_69 : i32
      %ne3A_71 = arith.constant 0 : i32
      %ne3A_72 = arith.cmpi ne, %rem3A_70, %ne3A_71 : i32
      %lt3A = arith.constant 0 : i32
      %lt3A_73 = arith.cmpi slt, %rem3A_70, %lt3A : i32
      %lt3A_74 = arith.constant 0 : i32
      %lt3A_75 = arith.cmpi slt, %select_n3A_69, %lt3A_74 : i32
      %ne3A_76 = arith.xori %lt3A_73, %lt3A_75 : i1
      %and3A_77 = arith.andi %ne3A_76, %ne3A_72 : i1
      %add3A_78 = arith.addi %rem3A_70, %select_n3A_69 : i32
      %select_n3A_79 = arith.select %and3A_77, %add3A_78, %rem3A_70 : i32
      %mul3A_80 = arith.constant 16 : i32
      %mul3A_81 = arith.muli %select_n3A_79, %mul3A_80 : i32
      %swap3A = arith.index_cast %select_n3A_64 : i32 to index
      %swap3A_82 = arith.index_cast %mul3A_81 : i32 to index
      %swap3A_83 = tpu.vector_load %arg8[%swap3A, %swap3A_82] {strides = array<i32>} : memref<256x128xf32, #tpu.memory_space<vmem>>, vector<1x16xf32>,
      %swap3A_84 = vector.shape_cast %swap3A_83 : vector<1x16xf32> to vector<16xf32>
      %swap3A_85 = vector.shape_cast %broadcast_in_dim3A_44 : vector<16xf32> to vector<1x16xf32>
      tpu.vector_store %arg8[%swap3A, %swap3A_82], %swap3A_85 {strides = array<i32>} : memref<256x128xf32, #tpu.memory_space<vmem>>, vector<1x16xf32>,
    }
    %scan3A_12 = arith.constant 1024 : i32
    %scan3A_13 = arith.constant 0 : i32
    %scan3A_14 = arith.constant 5 : i32
    %scan3A_15 = arith.addi %scan3A_13, %scan3A_14 : i32
    %scan3A_16 = arith.constant 1 : i32
    scf.for %scan3A_39 = %scan3A_13 to %scan3A_15 step %scan3A_16  : i32 {
      %mul3A_40 = arith.constant 1 : i32
      %mul3A_41 = arith.muli %scan3A_39, %mul3A_40 : i32
      %add3A_42 = arith.constant 0 : i32
      %add3A_43 = arith.addi %add3A_42, %mul3A_41 : i32
      %mul3A_44 = arith.constant 640 : i32
      %mul3A_45 = arith.muli %arg1, %mul3A_44 : i32
      %mul3A_46 = arith.constant 128 : i32
      %mul3A_47 = arith.muli %add3A_43, %mul3A_46 : i32
      %add3A_48 = arith.addi %mul3A_45, %mul3A_47 : i32
      "tpu.region"() ({
        %run_scoped3A = tpu.sem_alloc : memref<!tpu.dma_semaphore, #tpu.memory_space<semaphore_mem>>
        %dma_start3A = arith.constant 0 : i32
        %dma_start3A_49 = arith.constant 0 : i32
        %dma_start3A_50 = tpu.memref_slice %arg8[%dma_start3A, %dma_start3A_49] : memref<256x128xf32, #tpu.memory_space<vmem>> -> memref<128x128xf32, #tpu.memory_space<vmem>>
        %dma_start3A_51 = arith.constant 0 : i32
        %dma_start3A_52 = tpu.memref_slice %arg9[%add3A_48, %dma_start3A_51] : memref<10240x128xf32, #tpu.memory_space<vmem_shared>> -> memref<128x128xf32, #tpu.memory_space<vmem_shared>>
        %dma_start3A_53 = arith.constant 0 : i32
        %dma_start3A_54 = tpu.memref_slice %arg9[%add3A_48, %dma_start3A_53] : memref<10240x128xf32, #tpu.memory_space<vmem_shared>> -> memref<128x128xf32, #tpu.memory_space<vmem_shared>>
        %dma_start3A_55 = arith.constant 0 : i32
        %dma_start3A_56 = arith.constant 0 : i32
        %dma_start3A_57 = tpu.memref_slice %arg8[%dma_start3A_55, %dma_start3A_56] : memref<256x128xf32, #tpu.memory_space<vmem>> -> memref<128x128xf32, #tpu.memory_space<vmem>>
        tpu.enqueue_dma source(%dma_start3A_57 : memref<128x128xf32, #tpu.memory_space<vmem>>) target(%dma_start3A_54 : memref<128x128xf32, #tpu.memory_space<vmem_shared>>) target_semaphore(%run_scoped3A : memref<!tpu.dma_semaphore, #tpu.memory_space<semaphore_mem>>)
        %dma_wait3A = arith.constant 0 : i32
        %dma_wait3A_58 = arith.constant 0 : i32
        %dma_wait3A_59 = tpu.memref_slice %arg8[%dma_wait3A, %dma_wait3A_58] : memref<256x128xf32, #tpu.memory_space<vmem>> -> memref<128x128xf32, #tpu.memory_space<vmem>>
        %dma_wait3A_60 = arith.constant 0 : i32
        %dma_wait3A_61 = tpu.memref_slice %arg9[%add3A_48, %dma_wait3A_60] : memref<10240x128xf32, #tpu.memory_space<vmem_shared>> -> memref<128x128xf32, #tpu.memory_space<vmem_shared>>
        %dma_wait3A_62 = arith.constant 0 : i32
        %dma_wait3A_63 = tpu.memref_slice %arg9[%add3A_48, %dma_wait3A_62] : memref<10240x128xf32, #tpu.memory_space<vmem_shared>> -> memref<128x128xf32, #tpu.memory_space<vmem_shared>>
        %dma_wait3A_64 = arith.constant 0 : i32
        %dma_wait3A_65 = arith.constant 0 : i32
        %dma_wait3A_66 = tpu.memref_slice %arg8[%dma_wait3A_64, %dma_wait3A_65] : memref<256x128xf32, #tpu.memory_space<vmem>> -> memref<128x128xf32, #tpu.memory_space<vmem>>
        tpu.wait_dma2 semaphore(%run_scoped3A : memref<!tpu.dma_semaphore, #tpu.memory_space<semaphore_mem>>) src(%dma_wait3A_66 : memref<128x128xf32, #tpu.memory_space<vmem>>) dst(%dma_wait3A_63 : memref<128x128xf32, #tpu.memory_space<vmem_shared>>)
        tpu.yield
      }) : () -> ()
    }
    %scan3A_17 = arith.constant 5 : i32
    %barrier3A = arith.constant 0 : index
    tpu.barrier barrier_id(%barrier3A)
    %sub3A = arith.constant 0 : i32
    %sub3A_18 = arith.subi %select_n3A_8, %sub3A : i32
    %sub3A_19 = arith.constant 1 : i32
    %sub3A_20 = arith.constant 1 : i32
    %sub3A_21 = arith.subi %sub3A_19, %sub3A_20 : i32
    %add3A_22 = arith.addi %sub3A_18, %sub3A_21 : i32
    %div3A = arith.constant 1 : i32
    %div3A_23 = arith.divsi %add3A_22, %div3A : i32
    %while3A = arith.constant 1 : i32
    %while3A_24 = arith.constant 0 : i32
    %while3A_25 = arith.constant 0 : i32
    %while3A_26 = arith.subi %div3A_23, %while3A_25 : i32
    %while3A_27 = arith.addi %while3A_25, %while3A_26 : i32
    %while3A_28 = arith.constant 1 : i32
    %while3A_29 = arith.divsi %while3A_26, %while3A_28 : i32
    %while3A_30 = arith.muli %while3A_29, %while3A_28 : i32
    %while3A_31 = arith.addi %while3A_25, %while3A_30 : i32
    %while3A_32 = arith.constant 1 : i32
    scf.for %while3A_39 = %while3A_25 to %while3A_31 step %while3A_32  : i32 {
      %mul3A_40 = arith.muli %while3A_39, %while3A : i32
      %add3A_41 = arith.addi %while3A_24, %mul3A_40 : i32
      %mul3A_42 = arith.constant 8 : i32
      %mul3A_43 = arith.muli %add3A_41, %mul3A_42 : i32
      %add3A_44 = arith.addi %select_n3A, %mul3A_43 : i32
      %multiple_of3A = tpu.assume_multiple %add3A_44, 8 : i32
      "tpu.region"() ({
        %run_scoped3A = tpu.sem_alloc : memref<!tpu.dma_semaphore, #tpu.memory_space<semaphore_mem>>
        %dma_start3A_89 = arith.constant 0 : i32
        %dma_start3A_90 = tpu.memref_slice %arg3[%multiple_of3A, %dma_start3A_89] : memref<2560x128xi32, #tpu.memory_space<hbm>> -> memref<8x128xi32, #tpu.memory_space<hbm>>
        %dma_start3A_91 = arith.constant 0 : i32
        %dma_start3A_92 = tpu.memref_slice %arg3[%multiple_of3A, %dma_start3A_91] : memref<2560x128xi32, #tpu.memory_space<hbm>> -> memref<8x128xi32, #tpu.memory_space<hbm>>
        tpu.enqueue_dma source(%dma_start3A_92 : memref<8x128xi32, #tpu.memory_space<hbm>>) target(%arg6 : memref<8x128xi32, #tpu.memory_space<vmem>>) target_semaphore(%run_scoped3A : memref<!tpu.dma_semaphore, #tpu.memory_space<semaphore_mem>>)
        %dma_wait3A = arith.constant 0 : i32
        %dma_wait3A_93 = tpu.memref_slice %arg3[%multiple_of3A, %dma_wait3A] : memref<2560x128xi32, #tpu.memory_space<hbm>> -> memref<8x128xi32, #tpu.memory_space<hbm>>
        %dma_wait3A_94 = arith.constant 0 : i32
        %dma_wait3A_95 = tpu.memref_slice %arg3[%multiple_of3A, %dma_wait3A_94] : memref<2560x128xi32, #tpu.memory_space<hbm>> -> memref<8x128xi32, #tpu.memory_space<hbm>>
        tpu.wait_dma2 semaphore(%run_scoped3A : memref<!tpu.dma_semaphore, #tpu.memory_space<semaphore_mem>>) src(%dma_wait3A_95 : memref<8x128xi32, #tpu.memory_space<hbm>>) dst(%arg6 : memref<8x128xi32, #tpu.memory_space<vmem>>)
        tpu.yield
      }) : () -> ()
      "tpu.region"() ({
        %run_scoped3A = tpu.sem_alloc : memref<!tpu.dma_semaphore, #tpu.memory_space<semaphore_mem>>
        %dma_start3A_89 = arith.constant 0 : i32
        %dma_start3A_90 = tpu.memref_slice %arg4[%multiple_of3A, %dma_start3A_89] : memref<2560x128xi32, #tpu.memory_space<hbm>> -> memref<8x128xi32, #tpu.memory_space<hbm>>
        %dma_start3A_91 = arith.constant 0 : i32
        %dma_start3A_92 = tpu.memref_slice %arg4[%multiple_of3A, %dma_start3A_91] : memref<2560x128xi32, #tpu.memory_space<hbm>> -> memref<8x128xi32, #tpu.memory_space<hbm>>
        tpu.enqueue_dma source(%dma_start3A_92 : memref<8x128xi32, #tpu.memory_space<hbm>>) target(%arg7 : memref<8x128xi32, #tpu.memory_space<vmem>>) target_semaphore(%run_scoped3A : memref<!tpu.dma_semaphore, #tpu.memory_space<semaphore_mem>>)
        %dma_wait3A = arith.constant 0 : i32
        %dma_wait3A_93 = tpu.memref_slice %arg4[%multiple_of3A, %dma_wait3A] : memref<2560x128xi32, #tpu.memory_space<hbm>> -> memref<8x128xi32, #tpu.memory_space<hbm>>
        %dma_wait3A_94 = arith.constant 0 : i32
        %dma_wait3A_95 = tpu.memref_slice %arg4[%multiple_of3A, %dma_wait3A_94] : memref<2560x128xi32, #tpu.memory_space<hbm>> -> memref<8x128xi32, #tpu.memory_space<hbm>>
        tpu.wait_dma2 semaphore(%run_scoped3A : memref<!tpu.dma_semaphore, #tpu.memory_space<semaphore_mem>>) src(%dma_wait3A_95 : memref<8x128xi32, #tpu.memory_space<hbm>>) dst(%arg7 : memref<8x128xi32, #tpu.memory_space<vmem>>)
        tpu.yield
      }) : () -> ()
      %dma_start3A = arith.constant 0 : i32
      %dma_start3A_45 = arith.constant 0 : i32
      %dma_start3A_46 = arith.constant 0 : i32
      %dma_start3A_47 = tpu.memref_slice %arg8[%dma_start3A_45, %dma_start3A_46] : memref<256x128xf32, #tpu.memory_space<vmem>> -> memref<64x128xf32, #tpu.memory_space<vmem>>
      %dma_start3A_48 = arith.constant 0 : i32
      %dma_start3A_49 = tpu.memref_slice %arg6[%dma_start3A, %dma_start3A_48] : memref<8x128xi32, #tpu.memory_space<vmem>> -> memref<1x64xi32, #tpu.memory_space<vmem>>
      %dma_start3A_50 = tpu.memref_squeeze %dma_start3A_49 : memref<1x64xi32, #tpu.memory_space<vmem>> -> memref<64xi32, #tpu.memory_space<vmem>>
      %dma_start3A_51 = arith.constant 0 : i32
      %dma_start3A_52 = arith.constant 0 : i32
      %dma_start3A_53 = tpu.memref_slice %arg2[%dma_start3A_51, %dma_start3A_52] : memref<10000x128xf32, #tpu.memory_space<hbm>> -> memref<10000x128xf32, #tpu.memory_space<hbm>>
      tpu.enqueue_indirect_dma source(%dma_start3A_53 : memref<10000x128xf32, #tpu.memory_space<hbm>>) target(%dma_start3A_47 : memref<64x128xf32, #tpu.memory_space<vmem>>) offsets(%dma_start3A_50 : memref<64xi32, #tpu.memory_space<vmem>>) semaphore(%arg10 : memref<!tpu.dma_semaphore, #tpu.memory_space<semaphore_mem>>)
      %dma_start3A_54 = arith.constant 0 : i32
      %dma_start3A_55 = arith.constant 64 : i32
      %dma_start3A_56 = arith.constant 0 : i32
      %dma_start3A_57 = tpu.memref_slice %arg8[%dma_start3A_55, %dma_start3A_56] : memref<256x128xf32, #tpu.memory_space<vmem>> -> memref<64x128xf32, #tpu.memory_space<vmem>>
      %dma_start3A_58 = arith.constant 64 : i32
      %dma_start3A_59 = tpu.memref_slice %arg6[%dma_start3A_54, %dma_start3A_58] : memref<8x128xi32, #tpu.memory_space<vmem>> -> memref<1x64xi32, #tpu.memory_space<vmem>>
      %dma_start3A_60 = tpu.memref_squeeze %dma_start3A_59 : memref<1x64xi32, #tpu.memory_space<vmem>> -> memref<64xi32, #tpu.memory_space<vmem>>
      %dma_start3A_61 = arith.constant 0 : i32
      %dma_start3A_62 = arith.constant 0 : i32
      %dma_start3A_63 = tpu.memref_slice %arg2[%dma_start3A_61, %dma_start3A_62] : memref<10000x128xf32, #tpu.memory_space<hbm>> -> memref<10000x128xf32, #tpu.memory_space<hbm>>
      tpu.enqueue_indirect_dma source(%dma_start3A_63 : memref<10000x128xf32, #tpu.memory_space<hbm>>) target(%dma_start3A_57 : memref<64x128xf32, #tpu.memory_space<vmem>>) offsets(%dma_start3A_60 : memref<64xi32, #tpu.memory_space<vmem>>) semaphore(%arg10 : memref<!tpu.dma_semaphore, #tpu.memory_space<semaphore_mem>>)
      %dma_start3A_64 = arith.constant 1 : i32
      %dma_start3A_65 = arith.constant 128 : i32
      %dma_start3A_66 = arith.constant 0 : i32
      %dma_start3A_67 = tpu.memref_slice %arg8[%dma_start3A_65, %dma_start3A_66] : memref<256x128xf32, #tpu.memory_space<vmem>> -> memref<64x128xf32, #tpu.memory_space<vmem>>
      %dma_start3A_68 = arith.constant 0 : i32
      %dma_start3A_69 = tpu.memref_slice %arg6[%dma_start3A_64, %dma_start3A_68] : memref<8x128xi32, #tpu.memory_space<vmem>> -> memref<1x64xi32, #tpu.memory_space<vmem>>
      %dma_start3A_70 = tpu.memref_squeeze %dma_start3A_69 : memref<1x64xi32, #tpu.memory_space<vmem>> -> memref<64xi32, #tpu.memory_space<vmem>>
      %dma_start3A_71 = arith.constant 0 : i32
      %dma_start3A_72 = arith.constant 0 : i32
      %dma_start3A_73 = tpu.memref_slice %arg2[%dma_start3A_71, %dma_start3A_72] : memref<10000x128xf32, #tpu.memory_space<hbm>> -> memref<10000x128xf32, #tpu.memory_space<hbm>>
      tpu.enqueue_indirect_dma source(%dma_start3A_73 : memref<10000x128xf32, #tpu.memory_space<hbm>>) target(%dma_start3A_67 : memref<64x128xf32, #tpu.memory_space<vmem>>) offsets(%dma_start3A_70 : memref<64xi32, #tpu.memory_space<vmem>>) semaphore(%arg11 : memref<!tpu.dma_semaphore, #tpu.memory_space<semaphore_mem>>)
      %dma_start3A_74 = arith.constant 1 : i32
      %dma_start3A_75 = arith.constant 192 : i32
      %dma_start3A_76 = arith.constant 0 : i32
      %dma_start3A_77 = tpu.memref_slice %arg8[%dma_start3A_75, %dma_start3A_76] : memref<256x128xf32, #tpu.memory_space<vmem>> -> memref<64x128xf32, #tpu.memory_space<vmem>>
      %dma_start3A_78 = arith.constant 64 : i32
      %dma_start3A_79 = tpu.memref_slice %arg6[%dma_start3A_74, %dma_start3A_78] : memref<8x128xi32, #tpu.memory_space<vmem>> -> memref<1x64xi32, #tpu.memory_space<vmem>>
      %dma_start3A_80 = tpu.memref_squeeze %dma_start3A_79 : memref<1x64xi32, #tpu.memory_space<vmem>> -> memref<64xi32, #tpu.memory_space<vmem>>
      %dma_start3A_81 = arith.constant 0 : i32
      %dma_start3A_82 = arith.constant 0 : i32
      %dma_start3A_83 = tpu.memref_slice %arg2[%dma_start3A_81, %dma_start3A_82] : memref<10000x128xf32, #tpu.memory_space<hbm>> -> memref<10000x128xf32, #tpu.memory_space<hbm>>
      tpu.enqueue_indirect_dma source(%dma_start3A_83 : memref<10000x128xf32, #tpu.memory_space<hbm>>) target(%dma_start3A_77 : memref<64x128xf32, #tpu.memory_space<vmem>>) offsets(%dma_start3A_80 : memref<64xi32, #tpu.memory_space<vmem>>) semaphore(%arg11 : memref<!tpu.dma_semaphore, #tpu.memory_space<semaphore_mem>>)
      %scan3A_84 = arith.constant 0 : i32
      %scan3A_85 = arith.constant 8 : i32
      %scan3A_86 = arith.addi %scan3A_84, %scan3A_85 : i32
      %scan3A_87 = arith.constant 1 : i32
      scf.for %scan3A_89 = %scan3A_84 to %scan3A_86 step %scan3A_87  : i32 {
        %mul3A_90 = arith.constant 1 : i32
        %mul3A_91 = arith.muli %scan3A_89, %mul3A_90 : i32
        %add3A_92 = arith.constant 0 : i32
        %add3A_93 = arith.addi %add3A_92, %mul3A_91 : i32
        %rem3A = arith.constant 2 : i32
        %rem3A_94 = arith.remsi %add3A_93, %rem3A : i32
        %eq3A_95 = arith.constant 0 : i32
        %eq3A_96 = arith.cmpi eq, %rem3A_94, %eq3A_95 : i32
        %convert_element_type3A = arith.extui %eq3A_96 : i1 to i32
        %cond3A = arith.constant 0 : i32
        %cond3A_97 = arith.cmpi ne, %convert_element_type3A, %cond3A : i32
        scf.if %cond3A_97 {
          %dma_wait3A = arith.constant 0 : i32
          %dma_wait3A_103 = arith.constant 0 : i32
          %dma_wait3A_104 = tpu.memref_slice %arg8[%dma_wait3A, %dma_wait3A_103] : memref<256x128xf32, #tpu.memory_space<vmem>> -> memref<64x128xf32, #tpu.memory_space<vmem>>
          %dma_wait3A_105 = arith.constant 0 : i32
          %dma_wait3A_106 = tpu.memref_slice %arg6[%add3A_93, %dma_wait3A_105] : memref<8x128xi32, #tpu.memory_space<vmem>> -> memref<1x64xi32, #tpu.memory_space<vmem>>
          %dma_wait3A_107 = tpu.memref_squeeze %dma_wait3A_106 : memref<1x64xi32, #tpu.memory_space<vmem>> -> memref<64xi32, #tpu.memory_space<vmem>>
          %dma_wait3A_108 = arith.constant 0 : i32
          %dma_wait3A_109 = arith.constant 0 : i32
          %dma_wait3A_110 = tpu.memref_slice %arg2[%dma_wait3A_108, %dma_wait3A_109] : memref<10000x128xf32, #tpu.memory_space<hbm>> -> memref<10000x128xf32, #tpu.memory_space<hbm>>
          tpu.wait_indirect_dma semaphore(%arg10 : memref<!tpu.dma_semaphore, #tpu.memory_space<semaphore_mem>>) src(%dma_wait3A_110 : memref<10000x128xf32, #tpu.memory_space<hbm>>) dst(%dma_wait3A_104 : memref<64x128xf32, #tpu.memory_space<vmem>>)
          %dma_wait3A_111 = arith.constant 64 : i32
          %dma_wait3A_112 = arith.constant 0 : i32
          %dma_wait3A_113 = tpu.memref_slice %arg8[%dma_wait3A_111, %dma_wait3A_112] : memref<256x128xf32, #tpu.memory_space<vmem>> -> memref<64x128xf32, #tpu.memory_space<vmem>>
          %dma_wait3A_114 = arith.constant 64 : i32
          %dma_wait3A_115 = tpu.memref_slice %arg6[%add3A_93, %dma_wait3A_114] : memref<8x128xi32, #tpu.memory_space<vmem>> -> memref<1x64xi32, #tpu.memory_space<vmem>>
          %dma_wait3A_116 = tpu.memref_squeeze %dma_wait3A_115 : memref<1x64xi32, #tpu.memory_space<vmem>> -> memref<64xi32, #tpu.memory_space<vmem>>
          %dma_wait3A_117 = arith.constant 0 : i32
          %dma_wait3A_118 = arith.constant 0 : i32
          %dma_wait3A_119 = tpu.memref_slice %arg2[%dma_wait3A_117, %dma_wait3A_118] : memref<10000x128xf32, #tpu.memory_space<hbm>> -> memref<10000x128xf32, #tpu.memory_space<hbm>>
          tpu.wait_indirect_dma semaphore(%arg10 : memref<!tpu.dma_semaphore, #tpu.memory_space<semaphore_mem>>) src(%dma_wait3A_119 : memref<10000x128xf32, #tpu.memory_space<hbm>>) dst(%dma_wait3A_113 : memref<64x128xf32, #tpu.memory_space<vmem>>)
          "tpu.region"() ({
            %run_scoped3A = tpu.sem_alloc : memref<!tpu.dma_semaphore, #tpu.memory_space<semaphore_mem>>
            %dma_start3A_126 = arith.constant 0 : i32
            %dma_start3A_127 = arith.constant 0 : i32
            %dma_start3A_128 = tpu.memref_slice %arg8[%dma_start3A_126, %dma_start3A_127] : memref<256x128xf32, #tpu.memory_space<vmem>> -> memref<128x128xf32, #tpu.memory_space<vmem>>
            %dma_start3A_129 = arith.constant 0 : i32
            %dma_start3A_130 = tpu.memref_slice %arg7[%add3A_93, %dma_start3A_129] : memref<8x128xi32, #tpu.memory_space<vmem>> -> memref<1x128xi32, #tpu.memory_space<vmem>>
            %dma_start3A_131 = tpu.memref_squeeze %dma_start3A_130 : memref<1x128xi32, #tpu.memory_space<vmem>> -> memref<128xi32, #tpu.memory_space<vmem>>
            %dma_start3A_132 = arith.constant 0 : i32
            %dma_start3A_133 = arith.constant 0 : i32
            %dma_start3A_134 = tpu.memref_slice %arg9[%dma_start3A_132, %dma_start3A_133] : memref<10240x128xf32, #tpu.memory_space<vmem_shared>> -> memref<10240x128xf32, #tpu.memory_space<vmem_shared>>
            tpu.enqueue_indirect_dma source(%dma_start3A_128 : memref<128x128xf32, #tpu.memory_space<vmem>>) target(%dma_start3A_134 : memref<10240x128xf32, #tpu.memory_space<vmem_shared>>) offsets(%dma_start3A_131 : memref<128xi32, #tpu.memory_space<vmem>>) semaphore(%run_scoped3A : memref<!tpu.dma_semaphore, #tpu.memory_space<semaphore_mem>>) {add = true}
            %dma_wait3A_135 = arith.constant 0 : i32
            %dma_wait3A_136 = arith.constant 0 : i32
            %dma_wait3A_137 = tpu.memref_slice %arg8[%dma_wait3A_135, %dma_wait3A_136] : memref<256x128xf32, #tpu.memory_space<vmem>> -> memref<128x128xf32, #tpu.memory_space<vmem>>
            %dma_wait3A_138 = arith.constant 0 : i32
            %dma_wait3A_139 = tpu.memref_slice %arg7[%add3A_93, %dma_wait3A_138] : memref<8x128xi32, #tpu.memory_space<vmem>> -> memref<1x128xi32, #tpu.memory_space<vmem>>
            %dma_wait3A_140 = tpu.memref_squeeze %dma_wait3A_139 : memref<1x128xi32, #tpu.memory_space<vmem>> -> memref<128xi32, #tpu.memory_space<vmem>>
            %dma_wait3A_141 = arith.constant 0 : i32
            %dma_wait3A_142 = arith.constant 0 : i32
            %dma_wait3A_143 = tpu.memref_slice %arg9[%dma_wait3A_141, %dma_wait3A_142] : memref<10240x128xf32, #tpu.memory_space<vmem_shared>> -> memref<10240x128xf32, #tpu.memory_space<vmem_shared>>
            tpu.wait_indirect_dma semaphore(%run_scoped3A : memref<!tpu.dma_semaphore, #tpu.memory_space<semaphore_mem>>) src(%dma_wait3A_137 : memref<128x128xf32, #tpu.memory_space<vmem>>) dst(%dma_wait3A_143 : memref<10240x128xf32, #tpu.memory_space<vmem_shared>>)
            tpu.yield
          }) : () -> ()
          %add3A_120 = arith.constant 2 : i32
          %add3A_121 = arith.addi %add3A_93, %add3A_120 : i32
          %lt3A = arith.constant 8 : i32
          %lt3A_122 = arith.cmpi slt, %add3A_121, %lt3A : i32
          %convert_element_type3A_123 = arith.extui %lt3A_122 : i1 to i32
          %cond3A_124 = arith.constant 0 : i32
          %cond3A_125 = arith.cmpi ne, %convert_element_type3A_123, %cond3A_124 : i32
          scf.if %cond3A_125 {
            %add3A_126 = arith.constant 2 : i32
            %add3A_127 = arith.addi %add3A_93, %add3A_126 : i32
            %dma_start3A_128 = arith.constant 0 : i32
            %dma_start3A_129 = arith.constant 0 : i32
            %dma_start3A_130 = tpu.memref_slice %arg8[%dma_start3A_128, %dma_start3A_129] : memref<256x128xf32, #tpu.memory_space<vmem>> -> memref<64x128xf32, #tpu.memory_space<vmem>>
            %dma_start3A_131 = arith.constant 0 : i32
            %dma_start3A_132 = tpu.memref_slice %arg6[%add3A_127, %dma_start3A_131] : memref<8x128xi32, #tpu.memory_space<vmem>> -> memref<1x64xi32, #tpu.memory_space<vmem>>
            %dma_start3A_133 = tpu.memref_squeeze %dma_start3A_132 : memref<1x64xi32, #tpu.memory_space<vmem>> -> memref<64xi32, #tpu.memory_space<vmem>>
            %dma_start3A_134 = arith.constant 0 : i32
            %dma_start3A_135 = arith.constant 0 : i32
            %dma_start3A_136 = tpu.memref_slice %arg2[%dma_start3A_134, %dma_start3A_135] : memref<10000x128xf32, #tpu.memory_space<hbm>> -> memref<10000x128xf32, #tpu.memory_space<hbm>>
            tpu.enqueue_indirect_dma source(%dma_start3A_136 : memref<10000x128xf32, #tpu.memory_space<hbm>>) target(%dma_start3A_130 : memref<64x128xf32, #tpu.memory_space<vmem>>) offsets(%dma_start3A_133 : memref<64xi32, #tpu.memory_space<vmem>>) semaphore(%arg10 : memref<!tpu.dma_semaphore, #tpu.memory_space<semaphore_mem>>)
            %dma_start3A_137 = arith.constant 64 : i32
            %dma_start3A_138 = arith.constant 0 : i32
            %dma_start3A_139 = tpu.memref_slice %arg8[%dma_start3A_137, %dma_start3A_138] : memref<256x128xf32, #tpu.memory_space<vmem>> -> memref<64x128xf32, #tpu.memory_space<vmem>>
            %dma_start3A_140 = arith.constant 64 : i32
            %dma_start3A_141 = tpu.memref_slice %arg6[%add3A_127, %dma_start3A_140] : memref<8x128xi32, #tpu.memory_space<vmem>> -> memref<1x64xi32, #tpu.memory_space<vmem>>
            %dma_start3A_142 = tpu.memref_squeeze %dma_start3A_141 : memref<1x64xi32, #tpu.memory_space<vmem>> -> memref<64xi32, #tpu.memory_space<vmem>>
            %dma_start3A_143 = arith.constant 0 : i32
            %dma_start3A_144 = arith.constant 0 : i32
            %dma_start3A_145 = tpu.memref_slice %arg2[%dma_start3A_143, %dma_start3A_144] : memref<10000x128xf32, #tpu.memory_space<hbm>> -> memref<10000x128xf32, #tpu.memory_space<hbm>>
            tpu.enqueue_indirect_dma source(%dma_start3A_145 : memref<10000x128xf32, #tpu.memory_space<hbm>>) target(%dma_start3A_139 : memref<64x128xf32, #tpu.memory_space<vmem>>) offsets(%dma_start3A_142 : memref<64xi32, #tpu.memory_space<vmem>>) semaphore(%arg10 : memref<!tpu.dma_semaphore, #tpu.memory_space<semaphore_mem>>)
          } else {
          }
        } else {
        }
        %eq3A_98 = arith.constant 1 : i32
        %eq3A_99 = arith.cmpi eq, %rem3A_94, %eq3A_98 : i32
        %convert_element_type3A_100 = arith.extui %eq3A_99 : i1 to i32
        %cond3A_101 = arith.constant 0 : i32
        %cond3A_102 = arith.cmpi ne, %convert_element_type3A_100, %cond3A_101 : i32
        scf.if %cond3A_102 {
          %dma_wait3A = arith.constant 128 : i32
          %dma_wait3A_103 = arith.constant 0 : i32
          %dma_wait3A_104 = tpu.memref_slice %arg8[%dma_wait3A, %dma_wait3A_103] : memref<256x128xf32, #tpu.memory_space<vmem>> -> memref<64x128xf32, #tpu.memory_space<vmem>>
          %dma_wait3A_105 = arith.constant 0 : i32
          %dma_wait3A_106 = tpu.memref_slice %arg6[%add3A_93, %dma_wait3A_105] : memref<8x128xi32, #tpu.memory_space<vmem>> -> memref<1x64xi32, #tpu.memory_space<vmem>>
          %dma_wait3A_107 = tpu.memref_squeeze %dma_wait3A_106 : memref<1x64xi32, #tpu.memory_space<vmem>> -> memref<64xi32, #tpu.memory_space<vmem>>
          %dma_wait3A_108 = arith.constant 0 : i32
          %dma_wait3A_109 = arith.constant 0 : i32
          %dma_wait3A_110 = tpu.memref_slice %arg2[%dma_wait3A_108, %dma_wait3A_109] : memref<10000x128xf32, #tpu.memory_space<hbm>> -> memref<10000x128xf32, #tpu.memory_space<hbm>>
          tpu.wait_indirect_dma semaphore(%arg11 : memref<!tpu.dma_semaphore, #tpu.memory_space<semaphore_mem>>) src(%dma_wait3A_110 : memref<10000x128xf32, #tpu.memory_space<hbm>>) dst(%dma_wait3A_104 : memref<64x128xf32, #tpu.memory_space<vmem>>)
          %dma_wait3A_111 = arith.constant 192 : i32
          %dma_wait3A_112 = arith.constant 0 : i32
          %dma_wait3A_113 = tpu.memref_slice %arg8[%dma_wait3A_111, %dma_wait3A_112] : memref<256x128xf32, #tpu.memory_space<vmem>> -> memref<64x128xf32, #tpu.memory_space<vmem>>
          %dma_wait3A_114 = arith.constant 64 : i32
          %dma_wait3A_115 = tpu.memref_slice %arg6[%add3A_93, %dma_wait3A_114] : memref<8x128xi32, #tpu.memory_space<vmem>> -> memref<1x64xi32, #tpu.memory_space<vmem>>
          %dma_wait3A_116 = tpu.memref_squeeze %dma_wait3A_115 : memref<1x64xi32, #tpu.memory_space<vmem>> -> memref<64xi32, #tpu.memory_space<vmem>>
          %dma_wait3A_117 = arith.constant 0 : i32
          %dma_wait3A_118 = arith.constant 0 : i32
          %dma_wait3A_119 = tpu.memref_slice %arg2[%dma_wait3A_117, %dma_wait3A_118] : memref<10000x128xf32, #tpu.memory_space<hbm>> -> memref<10000x128xf32, #tpu.memory_space<hbm>>
          tpu.wait_indirect_dma semaphore(%arg11 : memref<!tpu.dma_semaphore, #tpu.memory_space<semaphore_mem>>) src(%dma_wait3A_119 : memref<10000x128xf32, #tpu.memory_space<hbm>>) dst(%dma_wait3A_113 : memref<64x128xf32, #tpu.memory_space<vmem>>)
          "tpu.region"() ({
            %run_scoped3A = tpu.sem_alloc : memref<!tpu.dma_semaphore, #tpu.memory_space<semaphore_mem>>
            %dma_start3A_126 = arith.constant 128 : i32
            %dma_start3A_127 = arith.constant 0 : i32
            %dma_start3A_128 = tpu.memref_slice %arg8[%dma_start3A_126, %dma_start3A_127] : memref<256x128xf32, #tpu.memory_space<vmem>> -> memref<128x128xf32, #tpu.memory_space<vmem>>
            %dma_start3A_129 = arith.constant 0 : i32
            %dma_start3A_130 = tpu.memref_slice %arg7[%add3A_93, %dma_start3A_129] : memref<8x128xi32, #tpu.memory_space<vmem>> -> memref<1x128xi32, #tpu.memory_space<vmem>>
            %dma_start3A_131 = tpu.memref_squeeze %dma_start3A_130 : memref<1x128xi32, #tpu.memory_space<vmem>> -> memref<128xi32, #tpu.memory_space<vmem>>
            %dma_start3A_132 = arith.constant 0 : i32
            %dma_start3A_133 = arith.constant 0 : i32
            %dma_start3A_134 = tpu.memref_slice %arg9[%dma_start3A_132, %dma_start3A_133] : memref<10240x128xf32, #tpu.memory_space<vmem_shared>> -> memref<10240x128xf32, #tpu.memory_space<vmem_shared>>
            tpu.enqueue_indirect_dma source(%dma_start3A_128 : memref<128x128xf32, #tpu.memory_space<vmem>>) target(%dma_start3A_134 : memref<10240x128xf32, #tpu.memory_space<vmem_shared>>) offsets(%dma_start3A_131 : memref<128xi32, #tpu.memory_space<vmem>>) semaphore(%run_scoped3A : memref<!tpu.dma_semaphore, #tpu.memory_space<semaphore_mem>>) {add = true}
            %dma_wait3A_135 = arith.constant 128 : i32
            %dma_wait3A_136 = arith.constant 0 : i32
            %dma_wait3A_137 = tpu.memref_slice %arg8[%dma_wait3A_135, %dma_wait3A_136] : memref<256x128xf32, #tpu.memory_space<vmem>> -> memref<128x128xf32, #tpu.memory_space<vmem>>
            %dma_wait3A_138 = arith.constant 0 : i32
            %dma_wait3A_139 = tpu.memref_slice %arg7[%add3A_93, %dma_wait3A_138] : memref<8x128xi32, #tpu.memory_space<vmem>> -> memref<1x128xi32, #tpu.memory_space<vmem>>
            %dma_wait3A_140 = tpu.memref_squeeze %dma_wait3A_139 : memref<1x128xi32, #tpu.memory_space<vmem>> -> memref<128xi32, #tpu.memory_space<vmem>>
            %dma_wait3A_141 = arith.constant 0 : i32
            %dma_wait3A_142 = arith.constant 0 : i32
            %dma_wait3A_143 = tpu.memref_slice %arg9[%dma_wait3A_141, %dma_wait3A_142] : memref<10240x128xf32, #tpu.memory_space<vmem_shared>> -> memref<10240x128xf32, #tpu.memory_space<vmem_shared>>
            tpu.wait_indirect_dma semaphore(%run_scoped3A : memref<!tpu.dma_semaphore, #tpu.memory_space<semaphore_mem>>) src(%dma_wait3A_137 : memref<128x128xf32, #tpu.memory_space<vmem>>) dst(%dma_wait3A_143 : memref<10240x128xf32, #tpu.memory_space<vmem_shared>>)
            tpu.yield
          }) : () -> ()
          %add3A_120 = arith.constant 2 : i32
          %add3A_121 = arith.addi %add3A_93, %add3A_120 : i32
          %lt3A = arith.constant 8 : i32
          %lt3A_122 = arith.cmpi slt, %add3A_121, %lt3A : i32
          %convert_element_type3A_123 = arith.extui %lt3A_122 : i1 to i32
          %cond3A_124 = arith.constant 0 : i32
          %cond3A_125 = arith.cmpi ne, %convert_element_type3A_123, %cond3A_124 : i32
          scf.if %cond3A_125 {
            %add3A_126 = arith.constant 2 : i32
            %add3A_127 = arith.addi %add3A_93, %add3A_126 : i32
            %dma_start3A_128 = arith.constant 128 : i32
            %dma_start3A_129 = arith.constant 0 : i32
            %dma_start3A_130 = tpu.memref_slice %arg8[%dma_start3A_128, %dma_start3A_129] : memref<256x128xf32, #tpu.memory_space<vmem>> -> memref<64x128xf32, #tpu.memory_space<vmem>>
            %dma_start3A_131 = arith.constant 0 : i32
            %dma_start3A_132 = tpu.memref_slice %arg6[%add3A_127, %dma_start3A_131] : memref<8x128xi32, #tpu.memory_space<vmem>> -> memref<1x64xi32, #tpu.memory_space<vmem>>
            %dma_start3A_133 = tpu.memref_squeeze %dma_start3A_132 : memref<1x64xi32, #tpu.memory_space<vmem>> -> memref<64xi32, #tpu.memory_space<vmem>>
            %dma_start3A_134 = arith.constant 0 : i32
            %dma_start3A_135 = arith.constant 0 : i32
            %dma_start3A_136 = tpu.memref_slice %arg2[%dma_start3A_134, %dma_start3A_135] : memref<10000x128xf32, #tpu.memory_space<hbm>> -> memref<10000x128xf32, #tpu.memory_space<hbm>>
            tpu.enqueue_indirect_dma source(%dma_start3A_136 : memref<10000x128xf32, #tpu.memory_space<hbm>>) target(%dma_start3A_130 : memref<64x128xf32, #tpu.memory_space<vmem>>) offsets(%dma_start3A_133 : memref<64xi32, #tpu.memory_space<vmem>>) semaphore(%arg11 : memref<!tpu.dma_semaphore, #tpu.memory_space<semaphore_mem>>)
            %dma_start3A_137 = arith.constant 192 : i32
            %dma_start3A_138 = arith.constant 0 : i32
            %dma_start3A_139 = tpu.memref_slice %arg8[%dma_start3A_137, %dma_start3A_138] : memref<256x128xf32, #tpu.memory_space<vmem>> -> memref<64x128xf32, #tpu.memory_space<vmem>>
            %dma_start3A_140 = arith.constant 64 : i32
            %dma_start3A_141 = tpu.memref_slice %arg6[%add3A_127, %dma_start3A_140] : memref<8x128xi32, #tpu.memory_space<vmem>> -> memref<1x64xi32, #tpu.memory_space<vmem>>
            %dma_start3A_142 = tpu.memref_squeeze %dma_start3A_141 : memref<1x64xi32, #tpu.memory_space<vmem>> -> memref<64xi32, #tpu.memory_space<vmem>>
            %dma_start3A_143 = arith.constant 0 : i32
            %dma_start3A_144 = arith.constant 0 : i32
            %dma_start3A_145 = tpu.memref_slice %arg2[%dma_start3A_143, %dma_start3A_144] : memref<10000x128xf32, #tpu.memory_space<hbm>> -> memref<10000x128xf32, #tpu.memory_space<hbm>>
            tpu.enqueue_indirect_dma source(%dma_start3A_145 : memref<10000x128xf32, #tpu.memory_space<hbm>>) target(%dma_start3A_139 : memref<64x128xf32, #tpu.memory_space<vmem>>) offsets(%dma_start3A_142 : memref<64xi32, #tpu.memory_space<vmem>>) semaphore(%arg11 : memref<!tpu.dma_semaphore, #tpu.memory_space<semaphore_mem>>)
          } else {
          }
        } else {
        }
      }
      %scan3A_88 = arith.constant 8 : i32
    }
    %while3A_33 = arith.constant 1 : i32
    scf.for %while3A_39 = %while3A_31 to %while3A_27 step %while3A_33  : i32 {
      %mul3A_40 = arith.muli %while3A_39, %while3A : i32
      %add3A_41 = arith.addi %while3A_24, %mul3A_40 : i32
      %mul3A_42 = arith.constant 8 : i32
      %mul3A_43 = arith.muli %add3A_41, %mul3A_42 : i32
      %add3A_44 = arith.addi %select_n3A, %mul3A_43 : i32
      %multiple_of3A = tpu.assume_multiple %add3A_44, 8 : i32
      "tpu.region"() ({
        %run_scoped3A = tpu.sem_alloc : memref<!tpu.dma_semaphore, #tpu.memory_space<semaphore_mem>>
        %dma_start3A_89 = arith.constant 0 : i32
        %dma_start3A_90 = tpu.memref_slice %arg3[%multiple_of3A, %dma_start3A_89] : memref<2560x128xi32, #tpu.memory_space<hbm>> -> memref<8x128xi32, #tpu.memory_space<hbm>>
        %dma_start3A_91 = arith.constant 0 : i32
        %dma_start3A_92 = tpu.memref_slice %arg3[%multiple_of3A, %dma_start3A_91] : memref<2560x128xi32, #tpu.memory_space<hbm>> -> memref<8x128xi32, #tpu.memory_space<hbm>>
        tpu.enqueue_dma source(%dma_start3A_92 : memref<8x128xi32, #tpu.memory_space<hbm>>) target(%arg6 : memref<8x128xi32, #tpu.memory_space<vmem>>) target_semaphore(%run_scoped3A : memref<!tpu.dma_semaphore, #tpu.memory_space<semaphore_mem>>)
        %dma_wait3A = arith.constant 0 : i32
        %dma_wait3A_93 = tpu.memref_slice %arg3[%multiple_of3A, %dma_wait3A] : memref<2560x128xi32, #tpu.memory_space<hbm>> -> memref<8x128xi32, #tpu.memory_space<hbm>>
        %dma_wait3A_94 = arith.constant 0 : i32
        %dma_wait3A_95 = tpu.memref_slice %arg3[%multiple_of3A, %dma_wait3A_94] : memref<2560x128xi32, #tpu.memory_space<hbm>> -> memref<8x128xi32, #tpu.memory_space<hbm>>
        tpu.wait_dma2 semaphore(%run_scoped3A : memref<!tpu.dma_semaphore, #tpu.memory_space<semaphore_mem>>) src(%dma_wait3A_95 : memref<8x128xi32, #tpu.memory_space<hbm>>) dst(%arg6 : memref<8x128xi32, #tpu.memory_space<vmem>>)
        tpu.yield
      }) : () -> ()
      "tpu.region"() ({
        %run_scoped3A = tpu.sem_alloc : memref<!tpu.dma_semaphore, #tpu.memory_space<semaphore_mem>>
        %dma_start3A_89 = arith.constant 0 : i32
        %dma_start3A_90 = tpu.memref_slice %arg4[%multiple_of3A, %dma_start3A_89] : memref<2560x128xi32, #tpu.memory_space<hbm>> -> memref<8x128xi32, #tpu.memory_space<hbm>>
        %dma_start3A_91 = arith.constant 0 : i32
        %dma_start3A_92 = tpu.memref_slice %arg4[%multiple_of3A, %dma_start3A_91] : memref<2560x128xi32, #tpu.memory_space<hbm>> -> memref<8x128xi32, #tpu.memory_space<hbm>>
        tpu.enqueue_dma source(%dma_start3A_92 : memref<8x128xi32, #tpu.memory_space<hbm>>) target(%arg7 : memref<8x128xi32, #tpu.memory_space<vmem>>) target_semaphore(%run_scoped3A : memref<!tpu.dma_semaphore, #tpu.memory_space<semaphore_mem>>)
        %dma_wait3A = arith.constant 0 : i32
        %dma_wait3A_93 = tpu.memref_slice %arg4[%multiple_of3A, %dma_wait3A] : memref<2560x128xi32, #tpu.memory_space<hbm>> -> memref<8x128xi32, #tpu.memory_space<hbm>>
        %dma_wait3A_94 = arith.constant 0 : i32
        %dma_wait3A_95 = tpu.memref_slice %arg4[%multiple_of3A, %dma_wait3A_94] : memref<2560x128xi32, #tpu.memory_space<hbm>> -> memref<8x128xi32, #tpu.memory_space<hbm>>
        tpu.wait_dma2 semaphore(%run_scoped3A : memref<!tpu.dma_semaphore, #tpu.memory_space<semaphore_mem>>) src(%dma_wait3A_95 : memref<8x128xi32, #tpu.memory_space<hbm>>) dst(%arg7 : memref<8x128xi32, #tpu.memory_space<vmem>>)
        tpu.yield
      }) : () -> ()
      %dma_start3A = arith.constant 0 : i32
      %dma_start3A_45 = arith.constant 0 : i32
      %dma_start3A_46 = arith.constant 0 : i32
      %dma_start3A_47 = tpu.memref_slice %arg8[%dma_start3A_45, %dma_start3A_46] : memref<256x128xf32, #tpu.memory_space<vmem>> -> memref<64x128xf32, #tpu.memory_space<vmem>>
      %dma_start3A_48 = arith.constant 0 : i32
      %dma_start3A_49 = tpu.memref_slice %arg6[%dma_start3A, %dma_start3A_48] : memref<8x128xi32, #tpu.memory_space<vmem>> -> memref<1x64xi32, #tpu.memory_space<vmem>>
      %dma_start3A_50 = tpu.memref_squeeze %dma_start3A_49 : memref<1x64xi32, #tpu.memory_space<vmem>> -> memref<64xi32, #tpu.memory_space<vmem>>
      %dma_start3A_51 = arith.constant 0 : i32
      %dma_start3A_52 = arith.constant 0 : i32
      %dma_start3A_53 = tpu.memref_slice %arg2[%dma_start3A_51, %dma_start3A_52] : memref<10000x128xf32, #tpu.memory_space<hbm>> -> memref<10000x128xf32, #tpu.memory_space<hbm>>
      tpu.enqueue_indirect_dma source(%dma_start3A_53 : memref<10000x128xf32, #tpu.memory_space<hbm>>) target(%dma_start3A_47 : memref<64x128xf32, #tpu.memory_space<vmem>>) offsets(%dma_start3A_50 : memref<64xi32, #tpu.memory_space<vmem>>) semaphore(%arg10 : memref<!tpu.dma_semaphore, #tpu.memory_space<semaphore_mem>>)
      %dma_start3A_54 = arith.constant 0 : i32
      %dma_start3A_55 = arith.constant 64 : i32
      %dma_start3A_56 = arith.constant 0 : i32
      %dma_start3A_57 = tpu.memref_slice %arg8[%dma_start3A_55, %dma_start3A_56] : memref<256x128xf32, #tpu.memory_space<vmem>> -> memref<64x128xf32, #tpu.memory_space<vmem>>
      %dma_start3A_58 = arith.constant 64 : i32
      %dma_start3A_59 = tpu.memref_slice %arg6[%dma_start3A_54, %dma_start3A_58] : memref<8x128xi32, #tpu.memory_space<vmem>> -> memref<1x64xi32, #tpu.memory_space<vmem>>
      %dma_start3A_60 = tpu.memref_squeeze %dma_start3A_59 : memref<1x64xi32, #tpu.memory_space<vmem>> -> memref<64xi32, #tpu.memory_space<vmem>>
      %dma_start3A_61 = arith.constant 0 : i32
      %dma_start3A_62 = arith.constant 0 : i32
      %dma_start3A_63 = tpu.memref_slice %arg2[%dma_start3A_61, %dma_start3A_62] : memref<10000x128xf32, #tpu.memory_space<hbm>> -> memref<10000x128xf32, #tpu.memory_space<hbm>>
      tpu.enqueue_indirect_dma source(%dma_start3A_63 : memref<10000x128xf32, #tpu.memory_space<hbm>>) target(%dma_start3A_57 : memref<64x128xf32, #tpu.memory_space<vmem>>) offsets(%dma_start3A_60 : memref<64xi32, #tpu.memory_space<vmem>>) semaphore(%arg10 : memref<!tpu.dma_semaphore, #tpu.memory_space<semaphore_mem>>)
      %dma_start3A_64 = arith.constant 1 : i32
      %dma_start3A_65 = arith.constant 128 : i32
      %dma_start3A_66 = arith.constant 0 : i32
      %dma_start3A_67 = tpu.memref_slice %arg8[%dma_start3A_65, %dma_start3A_66] : memref<256x128xf32, #tpu.memory_space<vmem>> -> memref<64x128xf32, #tpu.memory_space<vmem>>
      %dma_start3A_68 = arith.constant 0 : i32
      %dma_start3A_69 = tpu.memref_slice %arg6[%dma_start3A_64, %dma_start3A_68] : memref<8x128xi32, #tpu.memory_space<vmem>> -> memref<1x64xi32, #tpu.memory_space<vmem>>
      %dma_start3A_70 = tpu.memref_squeeze %dma_start3A_69 : memref<1x64xi32, #tpu.memory_space<vmem>> -> memref<64xi32, #tpu.memory_space<vmem>>
      %dma_start3A_71 = arith.constant 0 : i32
      %dma_start3A_72 = arith.constant 0 : i32
      %dma_start3A_73 = tpu.memref_slice %arg2[%dma_start3A_71, %dma_start3A_72] : memref<10000x128xf32, #tpu.memory_space<hbm>> -> memref<10000x128xf32, #tpu.memory_space<hbm>>
      tpu.enqueue_indirect_dma source(%dma_start3A_73 : memref<10000x128xf32, #tpu.memory_space<hbm>>) target(%dma_start3A_67 : memref<64x128xf32, #tpu.memory_space<vmem>>) offsets(%dma_start3A_70 : memref<64xi32, #tpu.memory_space<vmem>>) semaphore(%arg11 : memref<!tpu.dma_semaphore, #tpu.memory_space<semaphore_mem>>)
      %dma_start3A_74 = arith.constant 1 : i32
      %dma_start3A_75 = arith.constant 192 : i32
      %dma_start3A_76 = arith.constant 0 : i32
      %dma_start3A_77 = tpu.memref_slice %arg8[%dma_start3A_75, %dma_start3A_76] : memref<256x128xf32, #tpu.memory_space<vmem>> -> memref<64x128xf32, #tpu.memory_space<vmem>>
      %dma_start3A_78 = arith.constant 64 : i32
      %dma_start3A_79 = tpu.memref_slice %arg6[%dma_start3A_74, %dma_start3A_78] : memref<8x128xi32, #tpu.memory_space<vmem>> -> memref<1x64xi32, #tpu.memory_space<vmem>>
      %dma_start3A_80 = tpu.memref_squeeze %dma_start3A_79 : memref<1x64xi32, #tpu.memory_space<vmem>> -> memref<64xi32, #tpu.memory_space<vmem>>
      %dma_start3A_81 = arith.constant 0 : i32
      %dma_start3A_82 = arith.constant 0 : i32
      %dma_start3A_83 = tpu.memref_slice %arg2[%dma_start3A_81, %dma_start3A_82] : memref<10000x128xf32, #tpu.memory_space<hbm>> -> memref<10000x128xf32, #tpu.memory_space<hbm>>
      tpu.enqueue_indirect_dma source(%dma_start3A_83 : memref<10000x128xf32, #tpu.memory_space<hbm>>) target(%dma_start3A_77 : memref<64x128xf32, #tpu.memory_space<vmem>>) offsets(%dma_start3A_80 : memref<64xi32, #tpu.memory_space<vmem>>) semaphore(%arg11 : memref<!tpu.dma_semaphore, #tpu.memory_space<semaphore_mem>>)
      %scan3A_84 = arith.constant 0 : i32
      %scan3A_85 = arith.constant 8 : i32
      %scan3A_86 = arith.addi %scan3A_84, %scan3A_85 : i32
      %scan3A_87 = arith.constant 1 : i32
      scf.for %scan3A_89 = %scan3A_84 to %scan3A_86 step %scan3A_87  : i32 {
        %mul3A_90 = arith.constant 1 : i32
        %mul3A_91 = arith.muli %scan3A_89, %mul3A_90 : i32
        %add3A_92 = arith.constant 0 : i32
        %add3A_93 = arith.addi %add3A_92, %mul3A_91 : i32
        %rem3A = arith.constant 2 : i32
        %rem3A_94 = arith.remsi %add3A_93, %rem3A : i32
        %eq3A_95 = arith.constant 0 : i32
        %eq3A_96 = arith.cmpi eq, %rem3A_94, %eq3A_95 : i32
        %convert_element_type3A = arith.extui %eq3A_96 : i1 to i32
        %cond3A = arith.constant 0 : i32
        %cond3A_97 = arith.cmpi ne, %convert_element_type3A, %cond3A : i32
        scf.if %cond3A_97 {
          %dma_wait3A = arith.constant 0 : i32
          %dma_wait3A_103 = arith.constant 0 : i32
          %dma_wait3A_104 = tpu.memref_slice %arg8[%dma_wait3A, %dma_wait3A_103] : memref<256x128xf32, #tpu.memory_space<vmem>> -> memref<64x128xf32, #tpu.memory_space<vmem>>
          %dma_wait3A_105 = arith.constant 0 : i32
          %dma_wait3A_106 = tpu.memref_slice %arg6[%add3A_93, %dma_wait3A_105] : memref<8x128xi32, #tpu.memory_space<vmem>> -> memref<1x64xi32, #tpu.memory_space<vmem>>
          %dma_wait3A_107 = tpu.memref_squeeze %dma_wait3A_106 : memref<1x64xi32, #tpu.memory_space<vmem>> -> memref<64xi32, #tpu.memory_space<vmem>>
          %dma_wait3A_108 = arith.constant 0 : i32
          %dma_wait3A_109 = arith.constant 0 : i32
          %dma_wait3A_110 = tpu.memref_slice %arg2[%dma_wait3A_108, %dma_wait3A_109] : memref<10000x128xf32, #tpu.memory_space<hbm>> -> memref<10000x128xf32, #tpu.memory_space<hbm>>
          tpu.wait_indirect_dma semaphore(%arg10 : memref<!tpu.dma_semaphore, #tpu.memory_space<semaphore_mem>>) src(%dma_wait3A_110 : memref<10000x128xf32, #tpu.memory_space<hbm>>) dst(%dma_wait3A_104 : memref<64x128xf32, #tpu.memory_space<vmem>>)
          %dma_wait3A_111 = arith.constant 64 : i32
          %dma_wait3A_112 = arith.constant 0 : i32
          %dma_wait3A_113 = tpu.memref_slice %arg8[%dma_wait3A_111, %dma_wait3A_112] : memref<256x128xf32, #tpu.memory_space<vmem>> -> memref<64x128xf32, #tpu.memory_space<vmem>>
          %dma_wait3A_114 = arith.constant 64 : i32
          %dma_wait3A_115 = tpu.memref_slice %arg6[%add3A_93, %dma_wait3A_114] : memref<8x128xi32, #tpu.memory_space<vmem>> -> memref<1x64xi32, #tpu.memory_space<vmem>>
          %dma_wait3A_116 = tpu.memref_squeeze %dma_wait3A_115 : memref<1x64xi32, #tpu.memory_space<vmem>> -> memref<64xi32, #tpu.memory_space<vmem>>
          %dma_wait3A_117 = arith.constant 0 : i32
          %dma_wait3A_118 = arith.constant 0 : i32
          %dma_wait3A_119 = tpu.memref_slice %arg2[%dma_wait3A_117, %dma_wait3A_118] : memref<10000x128xf32, #tpu.memory_space<hbm>> -> memref<10000x128xf32, #tpu.memory_space<hbm>>
          tpu.wait_indirect_dma semaphore(%arg10 : memref<!tpu.dma_semaphore, #tpu.memory_space<semaphore_mem>>) src(%dma_wait3A_119 : memref<10000x128xf32, #tpu.memory_space<hbm>>) dst(%dma_wait3A_113 : memref<64x128xf32, #tpu.memory_space<vmem>>)
          "tpu.region"() ({
            %run_scoped3A = tpu.sem_alloc : memref<!tpu.dma_semaphore, #tpu.memory_space<semaphore_mem>>
            %dma_start3A_126 = arith.constant 0 : i32
            %dma_start3A_127 = arith.constant 0 : i32
            %dma_start3A_128 = tpu.memref_slice %arg8[%dma_start3A_126, %dma_start3A_127] : memref<256x128xf32, #tpu.memory_space<vmem>> -> memref<128x128xf32, #tpu.memory_space<vmem>>
            %dma_start3A_129 = arith.constant 0 : i32
            %dma_start3A_130 = tpu.memref_slice %arg7[%add3A_93, %dma_start3A_129] : memref<8x128xi32, #tpu.memory_space<vmem>> -> memref<1x128xi32, #tpu.memory_space<vmem>>
            %dma_start3A_131 = tpu.memref_squeeze %dma_start3A_130 : memref<1x128xi32, #tpu.memory_space<vmem>> -> memref<128xi32, #tpu.memory_space<vmem>>
            %dma_start3A_132 = arith.constant 0 : i32
            %dma_start3A_133 = arith.constant 0 : i32
            %dma_start3A_134 = tpu.memref_slice %arg9[%dma_start3A_132, %dma_start3A_133] : memref<10240x128xf32, #tpu.memory_space<vmem_shared>> -> memref<10240x128xf32, #tpu.memory_space<vmem_shared>>
            tpu.enqueue_indirect_dma source(%dma_start3A_128 : memref<128x128xf32, #tpu.memory_space<vmem>>) target(%dma_start3A_134 : memref<10240x128xf32, #tpu.memory_space<vmem_shared>>) offsets(%dma_start3A_131 : memref<128xi32, #tpu.memory_space<vmem>>) semaphore(%run_scoped3A : memref<!tpu.dma_semaphore, #tpu.memory_space<semaphore_mem>>) {add = true}
            %dma_wait3A_135 = arith.constant 0 : i32
            %dma_wait3A_136 = arith.constant 0 : i32
            %dma_wait3A_137 = tpu.memref_slice %arg8[%dma_wait3A_135, %dma_wait3A_136] : memref<256x128xf32, #tpu.memory_space<vmem>> -> memref<128x128xf32, #tpu.memory_space<vmem>>
            %dma_wait3A_138 = arith.constant 0 : i32
            %dma_wait3A_139 = tpu.memref_slice %arg7[%add3A_93, %dma_wait3A_138] : memref<8x128xi32, #tpu.memory_space<vmem>> -> memref<1x128xi32, #tpu.memory_space<vmem>>
            %dma_wait3A_140 = tpu.memref_squeeze %dma_wait3A_139 : memref<1x128xi32, #tpu.memory_space<vmem>> -> memref<128xi32, #tpu.memory_space<vmem>>
            %dma_wait3A_141 = arith.constant 0 : i32
            %dma_wait3A_142 = arith.constant 0 : i32
            %dma_wait3A_143 = tpu.memref_slice %arg9[%dma_wait3A_141, %dma_wait3A_142] : memref<10240x128xf32, #tpu.memory_space<vmem_shared>> -> memref<10240x128xf32, #tpu.memory_space<vmem_shared>>
            tpu.wait_indirect_dma semaphore(%run_scoped3A : memref<!tpu.dma_semaphore, #tpu.memory_space<semaphore_mem>>) src(%dma_wait3A_137 : memref<128x128xf32, #tpu.memory_space<vmem>>) dst(%dma_wait3A_143 : memref<10240x128xf32, #tpu.memory_space<vmem_shared>>)
            tpu.yield
          }) : () -> ()
          %add3A_120 = arith.constant 2 : i32
          %add3A_121 = arith.addi %add3A_93, %add3A_120 : i32
          %lt3A = arith.constant 8 : i32
          %lt3A_122 = arith.cmpi slt, %add3A_121, %lt3A : i32
          %convert_element_type3A_123 = arith.extui %lt3A_122 : i1 to i32
          %cond3A_124 = arith.constant 0 : i32
          %cond3A_125 = arith.cmpi ne, %convert_element_type3A_123, %cond3A_124 : i32
          scf.if %cond3A_125 {
            %add3A_126 = arith.constant 2 : i32
            %add3A_127 = arith.addi %add3A_93, %add3A_126 : i32
            %dma_start3A_128 = arith.constant 0 : i32
            %dma_start3A_129 = arith.constant 0 : i32
            %dma_start3A_130 = tpu.memref_slice %arg8[%dma_start3A_128, %dma_start3A_129] : memref<256x128xf32, #tpu.memory_space<vmem>> -> memref<64x128xf32, #tpu.memory_space<vmem>>
            %dma_start3A_131 = arith.constant 0 : i32
            %dma_start3A_132 = tpu.memref_slice %arg6[%add3A_127, %dma_start3A_131] : memref<8x128xi32, #tpu.memory_space<vmem>> -> memref<1x64xi32, #tpu.memory_space<vmem>>
            %dma_start3A_133 = tpu.memref_squeeze %dma_start3A_132 : memref<1x64xi32, #tpu.memory_space<vmem>> -> memref<64xi32, #tpu.memory_space<vmem>>
            %dma_start3A_134 = arith.constant 0 : i32
            %dma_start3A_135 = arith.constant 0 : i32
            %dma_start3A_136 = tpu.memref_slice %arg2[%dma_start3A_134, %dma_start3A_135] : memref<10000x128xf32, #tpu.memory_space<hbm>> -> memref<10000x128xf32, #tpu.memory_space<hbm>>
            tpu.enqueue_indirect_dma source(%dma_start3A_136 : memref<10000x128xf32, #tpu.memory_space<hbm>>) target(%dma_start3A_130 : memref<64x128xf32, #tpu.memory_space<vmem>>) offsets(%dma_start3A_133 : memref<64xi32, #tpu.memory_space<vmem>>) semaphore(%arg10 : memref<!tpu.dma_semaphore, #tpu.memory_space<semaphore_mem>>)
            %dma_start3A_137 = arith.constant 64 : i32
            %dma_start3A_138 = arith.constant 0 : i32
            %dma_start3A_139 = tpu.memref_slice %arg8[%dma_start3A_137, %dma_start3A_138] : memref<256x128xf32, #tpu.memory_space<vmem>> -> memref<64x128xf32, #tpu.memory_space<vmem>>
            %dma_start3A_140 = arith.constant 64 : i32
            %dma_start3A_141 = tpu.memref_slice %arg6[%add3A_127, %dma_start3A_140] : memref<8x128xi32, #tpu.memory_space<vmem>> -> memref<1x64xi32, #tpu.memory_space<vmem>>
            %dma_start3A_142 = tpu.memref_squeeze %dma_start3A_141 : memref<1x64xi32, #tpu.memory_space<vmem>> -> memref<64xi32, #tpu.memory_space<vmem>>
            %dma_start3A_143 = arith.constant 0 : i32
            %dma_start3A_144 = arith.constant 0 : i32
            %dma_start3A_145 = tpu.memref_slice %arg2[%dma_start3A_143, %dma_start3A_144] : memref<10000x128xf32, #tpu.memory_space<hbm>> -> memref<10000x128xf32, #tpu.memory_space<hbm>>
            tpu.enqueue_indirect_dma source(%dma_start3A_145 : memref<10000x128xf32, #tpu.memory_space<hbm>>) target(%dma_start3A_139 : memref<64x128xf32, #tpu.memory_space<vmem>>) offsets(%dma_start3A_142 : memref<64xi32, #tpu.memory_space<vmem>>) semaphore(%arg10 : memref<!tpu.dma_semaphore, #tpu.memory_space<semaphore_mem>>)
          } else {
          }
        } else {
        }
        %eq3A_98 = arith.constant 1 : i32
        %eq3A_99 = arith.cmpi eq, %rem3A_94, %eq3A_98 : i32
        %convert_element_type3A_100 = arith.extui %eq3A_99 : i1 to i32
        %cond3A_101 = arith.constant 0 : i32
        %cond3A_102 = arith.cmpi ne, %convert_element_type3A_100, %cond3A_101 : i32
        scf.if %cond3A_102 {
          %dma_wait3A = arith.constant 128 : i32
          %dma_wait3A_103 = arith.constant 0 : i32
          %dma_wait3A_104 = tpu.memref_slice %arg8[%dma_wait3A, %dma_wait3A_103] : memref<256x128xf32, #tpu.memory_space<vmem>> -> memref<64x128xf32, #tpu.memory_space<vmem>>
          %dma_wait3A_105 = arith.constant 0 : i32
          %dma_wait3A_106 = tpu.memref_slice %arg6[%add3A_93, %dma_wait3A_105] : memref<8x128xi32, #tpu.memory_space<vmem>> -> memref<1x64xi32, #tpu.memory_space<vmem>>
          %dma_wait3A_107 = tpu.memref_squeeze %dma_wait3A_106 : memref<1x64xi32, #tpu.memory_space<vmem>> -> memref<64xi32, #tpu.memory_space<vmem>>
          %dma_wait3A_108 = arith.constant 0 : i32
          %dma_wait3A_109 = arith.constant 0 : i32
          %dma_wait3A_110 = tpu.memref_slice %arg2[%dma_wait3A_108, %dma_wait3A_109] : memref<10000x128xf32, #tpu.memory_space<hbm>> -> memref<10000x128xf32, #tpu.memory_space<hbm>>
          tpu.wait_indirect_dma semaphore(%arg11 : memref<!tpu.dma_semaphore, #tpu.memory_space<semaphore_mem>>) src(%dma_wait3A_110 : memref<10000x128xf32, #tpu.memory_space<hbm>>) dst(%dma_wait3A_104 : memref<64x128xf32, #tpu.memory_space<vmem>>)
          %dma_wait3A_111 = arith.constant 192 : i32
          %dma_wait3A_112 = arith.constant 0 : i32
          %dma_wait3A_113 = tpu.memref_slice %arg8[%dma_wait3A_111, %dma_wait3A_112] : memref<256x128xf32, #tpu.memory_space<vmem>> -> memref<64x128xf32, #tpu.memory_space<vmem>>
          %dma_wait3A_114 = arith.constant 64 : i32
          %dma_wait3A_115 = tpu.memref_slice %arg6[%add3A_93, %dma_wait3A_114] : memref<8x128xi32, #tpu.memory_space<vmem>> -> memref<1x64xi32, #tpu.memory_space<vmem>>
          %dma_wait3A_116 = tpu.memref_squeeze %dma_wait3A_115 : memref<1x64xi32, #tpu.memory_space<vmem>> -> memref<64xi32, #tpu.memory_space<vmem>>
          %dma_wait3A_117 = arith.constant 0 : i32
          %dma_wait3A_118 = arith.constant 0 : i32
          %dma_wait3A_119 = tpu.memref_slice %arg2[%dma_wait3A_117, %dma_wait3A_118] : memref<10000x128xf32, #tpu.memory_space<hbm>> -> memref<10000x128xf32, #tpu.memory_space<hbm>>
          tpu.wait_indirect_dma semaphore(%arg11 : memref<!tpu.dma_semaphore, #tpu.memory_space<semaphore_mem>>) src(%dma_wait3A_119 : memref<10000x128xf32, #tpu.memory_space<hbm>>) dst(%dma_wait3A_113 : memref<64x128xf32, #tpu.memory_space<vmem>>)
          "tpu.region"() ({
            %run_scoped3A = tpu.sem_alloc : memref<!tpu.dma_semaphore, #tpu.memory_space<semaphore_mem>>
            %dma_start3A_126 = arith.constant 128 : i32
            %dma_start3A_127 = arith.constant 0 : i32
            %dma_start3A_128 = tpu.memref_slice %arg8[%dma_start3A_126, %dma_start3A_127] : memref<256x128xf32, #tpu.memory_space<vmem>> -> memref<128x128xf32, #tpu.memory_space<vmem>>
            %dma_start3A_129 = arith.constant 0 : i32
            %dma_start3A_130 = tpu.memref_slice %arg7[%add3A_93, %dma_start3A_129] : memref<8x128xi32, #tpu.memory_space<vmem>> -> memref<1x128xi32, #tpu.memory_space<vmem>>
            %dma_start3A_131 = tpu.memref_squeeze %dma_start3A_130 : memref<1x128xi32, #tpu.memory_space<vmem>> -> memref<128xi32, #tpu.memory_space<vmem>>
            %dma_start3A_132 = arith.constant 0 : i32
            %dma_start3A_133 = arith.constant 0 : i32
            %dma_start3A_134 = tpu.memref_slice %arg9[%dma_start3A_132, %dma_start3A_133] : memref<10240x128xf32, #tpu.memory_space<vmem_shared>> -> memref<10240x128xf32, #tpu.memory_space<vmem_shared>>
            tpu.enqueue_indirect_dma source(%dma_start3A_128 : memref<128x128xf32, #tpu.memory_space<vmem>>) target(%dma_start3A_134 : memref<10240x128xf32, #tpu.memory_space<vmem_shared>>) offsets(%dma_start3A_131 : memref<128xi32, #tpu.memory_space<vmem>>) semaphore(%run_scoped3A : memref<!tpu.dma_semaphore, #tpu.memory_space<semaphore_mem>>) {add = true}
            %dma_wait3A_135 = arith.constant 128 : i32
            %dma_wait3A_136 = arith.constant 0 : i32
            %dma_wait3A_137 = tpu.memref_slice %arg8[%dma_wait3A_135, %dma_wait3A_136] : memref<256x128xf32, #tpu.memory_space<vmem>> -> memref<128x128xf32, #tpu.memory_space<vmem>>
            %dma_wait3A_138 = arith.constant 0 : i32
            %dma_wait3A_139 = tpu.memref_slice %arg7[%add3A_93, %dma_wait3A_138] : memref<8x128xi32, #tpu.memory_space<vmem>> -> memref<1x128xi32, #tpu.memory_space<vmem>>
            %dma_wait3A_140 = tpu.memref_squeeze %dma_wait3A_139 : memref<1x128xi32, #tpu.memory_space<vmem>> -> memref<128xi32, #tpu.memory_space<vmem>>
            %dma_wait3A_141 = arith.constant 0 : i32
            %dma_wait3A_142 = arith.constant 0 : i32
            %dma_wait3A_143 = tpu.memref_slice %arg9[%dma_wait3A_141, %dma_wait3A_142] : memref<10240x128xf32, #tpu.memory_space<vmem_shared>> -> memref<10240x128xf32, #tpu.memory_space<vmem_shared>>
            tpu.wait_indirect_dma semaphore(%run_scoped3A : memref<!tpu.dma_semaphore, #tpu.memory_space<semaphore_mem>>) src(%dma_wait3A_137 : memref<128x128xf32, #tpu.memory_space<vmem>>) dst(%dma_wait3A_143 : memref<10240x128xf32, #tpu.memory_space<vmem_shared>>)
            tpu.yield
          }) : () -> ()
          %add3A_120 = arith.constant 2 : i32
          %add3A_121 = arith.addi %add3A_93, %add3A_120 : i32
          %lt3A = arith.constant 8 : i32
          %lt3A_122 = arith.cmpi slt, %add3A_121, %lt3A : i32
          %convert_element_type3A_123 = arith.extui %lt3A_122 : i1 to i32
          %cond3A_124 = arith.constant 0 : i32
          %cond3A_125 = arith.cmpi ne, %convert_element_type3A_123, %cond3A_124 : i32
          scf.if %cond3A_125 {
            %add3A_126 = arith.constant 2 : i32
            %add3A_127 = arith.addi %add3A_93, %add3A_126 : i32
            %dma_start3A_128 = arith.constant 128 : i32
            %dma_start3A_129 = arith.constant 0 : i32
            %dma_start3A_130 = tpu.memref_slice %arg8[%dma_start3A_128, %dma_start3A_129] : memref<256x128xf32, #tpu.memory_space<vmem>> -> memref<64x128xf32, #tpu.memory_space<vmem>>
            %dma_start3A_131 = arith.constant 0 : i32
            %dma_start3A_132 = tpu.memref_slice %arg6[%add3A_127, %dma_start3A_131] : memref<8x128xi32, #tpu.memory_space<vmem>> -> memref<1x64xi32, #tpu.memory_space<vmem>>
            %dma_start3A_133 = tpu.memref_squeeze %dma_start3A_132 : memref<1x64xi32, #tpu.memory_space<vmem>> -> memref<64xi32, #tpu.memory_space<vmem>>
            %dma_start3A_134 = arith.constant 0 : i32
            %dma_start3A_135 = arith.constant 0 : i32
            %dma_start3A_136 = tpu.memref_slice %arg2[%dma_start3A_134, %dma_start3A_135] : memref<10000x128xf32, #tpu.memory_space<hbm>> -> memref<10000x128xf32, #tpu.memory_space<hbm>>
            tpu.enqueue_indirect_dma source(%dma_start3A_136 : memref<10000x128xf32, #tpu.memory_space<hbm>>) target(%dma_start3A_130 : memref<64x128xf32, #tpu.memory_space<vmem>>) offsets(%dma_start3A_133 : memref<64xi32, #tpu.memory_space<vmem>>) semaphore(%arg11 : memref<!tpu.dma_semaphore, #tpu.memory_space<semaphore_mem>>)
            %dma_start3A_137 = arith.constant 192 : i32
            %dma_start3A_138 = arith.constant 0 : i32
            %dma_start3A_139 = tpu.memref_slice %arg8[%dma_start3A_137, %dma_start3A_138] : memref<256x128xf32, #tpu.memory_space<vmem>> -> memref<64x128xf32, #tpu.memory_space<vmem>>
            %dma_start3A_140 = arith.constant 64 : i32
            %dma_start3A_141 = tpu.memref_slice %arg6[%add3A_127, %dma_start3A_140] : memref<8x128xi32, #tpu.memory_space<vmem>> -> memref<1x64xi32, #tpu.memory_space<vmem>>
            %dma_start3A_142 = tpu.memref_squeeze %dma_start3A_141 : memref<1x64xi32, #tpu.memory_space<vmem>> -> memref<64xi32, #tpu.memory_space<vmem>>
            %dma_start3A_143 = arith.constant 0 : i32
            %dma_start3A_144 = arith.constant 0 : i32
            %dma_start3A_145 = tpu.memref_slice %arg2[%dma_start3A_143, %dma_start3A_144] : memref<10000x128xf32, #tpu.memory_space<hbm>> -> memref<10000x128xf32, #tpu.memory_space<hbm>>
            tpu.enqueue_indirect_dma source(%dma_start3A_145 : memref<10000x128xf32, #tpu.memory_space<hbm>>) target(%dma_start3A_139 : memref<64x128xf32, #tpu.memory_space<vmem>>) offsets(%dma_start3A_142 : memref<64xi32, #tpu.memory_space<vmem>>) semaphore(%arg11 : memref<!tpu.dma_semaphore, #tpu.memory_space<semaphore_mem>>)
          } else {
          }
        } else {
        }
      }
      %scan3A_88 = arith.constant 8 : i32
    }
    %barrier3A_34 = arith.constant 0 : index
    tpu.barrier barrier_id(%barrier3A_34)
    %mul3A_35 = arith.constant 640 : i32
    %mul3A_36 = arith.muli %arg1, %mul3A_35 : i32
    %mul3A_37 = arith.constant 640 : i32
    %mul3A_38 = arith.muli %arg1, %mul3A_37 : i32
    "tpu.region"() ({
      %run_scoped3A = tpu.sem_alloc : memref<!tpu.dma_semaphore, #tpu.memory_space<semaphore_mem>>
      %dma_start3A = arith.constant 0 : i32
      %dma_start3A_39 = tpu.memref_slice %arg5[%arg0, %mul3A_38, %dma_start3A] : memref<2x10240x128xf32, #tpu.memory_space<hbm>> -> memref<1x640x128xf32, #tpu.memory_space<hbm>>
      %dma_start3A_40 = tpu.memref_squeeze %dma_start3A_39 : memref<1x640x128xf32, #tpu.memory_space<hbm>> -> memref<640x128xf32, #tpu.memory_space<hbm>>
      %dma_start3A_41 = arith.constant 0 : i32
      %dma_start3A_42 = tpu.memref_slice %arg9[%mul3A_36, %dma_start3A_41] : memref<10240x128xf32, #tpu.memory_space<vmem_shared>> -> memref<640x128xf32, #tpu.memory_space<vmem_shared>>
      tpu.enqueue_dma source(%dma_start3A_42 : memref<640x128xf32, #tpu.memory_space<vmem_shared>>) target(%dma_start3A_40 : memref<640x128xf32, #tpu.memory_space<hbm>>) target_semaphore(%run_scoped3A : memref<!tpu.dma_semaphore, #tpu.memory_space<semaphore_mem>>)
      %dma_wait3A = arith.constant 0 : i32
      %dma_wait3A_43 = tpu.memref_slice %arg5[%arg0, %mul3A_38, %dma_wait3A] : memref<2x10240x128xf32, #tpu.memory_space<hbm>> -> memref<1x640x128xf32, #tpu.memory_space<hbm>>
      %dma_wait3A_44 = tpu.memref_squeeze %dma_wait3A_43 : memref<1x640x128xf32, #tpu.memory_space<hbm>> -> memref<640x128xf32, #tpu.memory_space<hbm>>
      %dma_wait3A_45 = arith.constant 0 : i32
      %dma_wait3A_46 = tpu.memref_slice %arg9[%mul3A_36, %dma_wait3A_45] : memref<10240x128xf32, #tpu.memory_space<vmem_shared>> -> memref<640x128xf32, #tpu.memory_space<vmem_shared>>
      tpu.wait_dma2 semaphore(%run_scoped3A : memref<!tpu.dma_semaphore, #tpu.memory_space<semaphore_mem>>) src(%dma_wait3A_46 : memref<640x128xf32, #tpu.memory_space<vmem_shared>>) dst(%dma_wait3A_44 : memref<640x128xf32, #tpu.memory_space<hbm>>)
      tpu.yield
    }) : () -> ()
    return
  }
}

module attributes {stable_mosaic.version = 14 : i64} {
  func.func @_tc_b_body(%arg0: i32, %arg1: memref<2x1000x1xf32, #tpu.memory_space<vmem>>, %arg2: memref<1000x128xf32, #tpu.memory_space<vmem>>, %arg3: memref<128x128xf32, #tpu.memory_space<vmem>>, %arg4: memref<1000x1xf32, #tpu.memory_space<vmem>>, %arg5: memref<1000x128xf32, #tpu.memory_space<vmem>>) attributes {dimension_semantics = [#tpu.dimension_semantics<arbitrary>], iteration_bounds = array<i64: 10>, scalar_prefetch = 0 : i64, scratch_operands = 0 : i64, tpu.core_type = #tpu.core_type<tc>, window_params = [{transform_indices = @transform_0, window_bounds = array<i64: 2, 1000, 1>}, {transform_indices = @transform_1, window_bounds = array<i64: 1000, 128>}, {pipeline_mode = #tpu.pipeline_mode<synchronous>, transform_indices = @transform_2, window_bounds = array<i64: 128, 128>}, {transform_indices = @transform_3, window_bounds = array<i64: 1000, 1>}, {transform_indices = @transform_4, window_bounds = array<i64: 1000, 128>}]} {
    %get3A = arith.constant 0 : index
    %get3A_0 = arith.constant 0 : index
    %get3A_1 = arith.constant 0 : index
    %get3A_2 = vector.load %arg1[%get3A, %get3A_0, %get3A_1] : memref<2x1000x1xf32, #tpu.memory_space<vmem>>, vector<2x1000x1xf32>
    %slice3A = vector.extract_strided_slice %get3A_2 {offsets = [0, 0, 0], sizes = [1, 1000, 1], strides = [1, 1, 1]} : vector<2x1000x1xf32> to vector<1x1000x1xf32>
    %squeeze3A = vector.shape_cast %slice3A : vector<1x1000x1xf32> to vector<1000x1xf32>
    %add3A = arith.constant 1.000000e+00 : f32
    %add3A_3 = vector.broadcast %add3A : f32 to vector<1000x1xf32>
    %add3A_4 = arith.addf %add3A_3, %squeeze3A : vector<1000x1xf32>
    %slice3A_5 = vector.extract_strided_slice %get3A_2 {offsets = [1, 0, 0], sizes = [1, 1000, 1], strides = [1, 1, 1]} : vector<2x1000x1xf32> to vector<1x1000x1xf32>
    %squeeze3A_6 = vector.shape_cast %slice3A_5 : vector<1x1000x1xf32> to vector<1000x1xf32>
    %add3A_7 = arith.addf %add3A_4, %squeeze3A_6 : vector<1000x1xf32>
    %rsqrt3A = math.rsqrt %add3A_7 : vector<1000x1xf32>
    %swap3A = arith.constant 0 : index
    %swap3A_8 = arith.constant 0 : index
    %swap3A_9 = vector.load %arg4[%swap3A, %swap3A_8] : memref<1000x1xf32, #tpu.memory_space<vmem>>, vector<1000x1xf32>
    tpu.vector_store %arg4[%swap3A, %swap3A_8], %rsqrt3A {strides = array<i32>} : memref<1000x1xf32, #tpu.memory_space<vmem>>, vector<1000x1xf32>,
    %get3A_10 = arith.constant 0 : index
    %get3A_11 = arith.constant 0 : index
    %get3A_12 = vector.load %arg2[%get3A_10, %get3A_11] : memref<1000x128xf32, #tpu.memory_space<vmem>>, vector<1000x128xf32>
    %get3A_13 = arith.constant 0 : index
    %get3A_14 = arith.constant 0 : index
    %get3A_15 = vector.load %arg3[%get3A_13, %get3A_14] : memref<128x128xf32, #tpu.memory_space<vmem>>, vector<128x128xf32>
    %dot_general3A = arith.constant dense<0.000000e+00> : vector<1000x128xf32>
    %dot_general3A_16 = tpu.matmul %get3A_12, %get3A_15, %dot_general3A {dimension_numbers = #tpu.dot_dimension_numbers<[1], [0], [0], [1], [0, 0, 1, 1], [], []>, transpose_lhs_hint = false} : vector<1000x128xf32>, vector<128x128xf32>, vector<1000x128xf32> -> vector<1000x128xf32>
    %mul3A = vector.broadcast %rsqrt3A : vector<1000x1xf32> to vector<1000x128xf32>
    %mul3A_17 = arith.mulf %dot_general3A_16, %mul3A : vector<1000x128xf32>
    %swap3A_18 = arith.constant 0 : index
    %swap3A_19 = arith.constant 0 : index
    %swap3A_20 = vector.load %arg5[%swap3A_18, %swap3A_19] : memref<1000x128xf32, #tpu.memory_space<vmem>>, vector<1000x128xf32>
    tpu.vector_store %arg5[%swap3A_18, %swap3A_19], %mul3A_17 {strides = array<i32>} : memref<1000x128xf32, #tpu.memory_space<vmem>>, vector<1000x128xf32>,
    return
  }
  func.func @transform_0(%arg0: i32) -> (i32, i32, i32) {
    %c0_i32 = arith.constant 0 : i32
    %c0_i32_0 = arith.constant 0 : i32
    %c0_i32_1 = arith.constant 0 : i32
    return %c0_i32, %arg0, %c0_i32_0 : i32, i32, i32
  }
  func.func @transform_1(%arg0: i32) -> (i32, i32) {
    %c0_i32 = arith.constant 0 : i32
    %c0_i32_0 = arith.constant 0 : i32
    return %arg0, %c0_i32 : i32, i32
  }
  func.func @transform_2(%arg0: i32) -> (i32, i32) {
    %c0_i32 = arith.constant 0 : i32
    %c0_i32_0 = arith.constant 0 : i32
    %c0_i32_1 = arith.constant 0 : i32
    return %c0_i32, %c0_i32_0 : i32, i32
  }
  func.func @transform_3(%arg0: i32) -> (i32, i32) {
    %c0_i32 = arith.constant 0 : i32
    %c0_i32_0 = arith.constant 0 : i32
    return %arg0, %c0_i32 : i32, i32
  }
  func.func @transform_4(%arg0: i32) -> (i32, i32) {
    %c0_i32 = arith.constant 0 : i32
    %c0_i32_0 = arith.constant 0 : i32
    return %arg0, %c0_i32 : i32, i32
  }
}

module attributes {stable_mosaic.version = 14 : i64} {
  func.func @_tc_d_body(%arg0: i32, %arg1: memref<2x1000x128xf32, #tpu.memory_space<vmem>>, %arg2: memref<1000x128xf32, #tpu.memory_space<vmem>>, %arg3: memref<1000x1xf32, #tpu.memory_space<vmem>>, %arg4: memref<1x128xf32, #tpu.memory_space<vmem>>, %arg5: memref<128x128xf32, #tpu.memory_space<vmem>>, %arg6: memref<1000x128xf32, #tpu.memory_space<vmem>>) attributes {dimension_semantics = [#tpu.dimension_semantics<arbitrary>], iteration_bounds = array<i64: 10>, scalar_prefetch = 0 : i64, scratch_operands = 0 : i64, tpu.core_type = #tpu.core_type<tc>, window_params = [{transform_indices = @transform_0, window_bounds = array<i64: 2, 1000, 128>}, {transform_indices = @transform_1, window_bounds = array<i64: 1000, 128>}, {transform_indices = @transform_2, window_bounds = array<i64: 1000, 1>}, {pipeline_mode = #tpu.pipeline_mode<synchronous>, transform_indices = @transform_3, window_bounds = array<i64: 1, 128>}, {pipeline_mode = #tpu.pipeline_mode<synchronous>, transform_indices = @transform_4, window_bounds = array<i64: 128, 128>}, {transform_indices = @transform_5, window_bounds = array<i64: 1000, 128>}]} {
    %get3A = arith.constant 0 : index
    %get3A_0 = arith.constant 0 : index
    %get3A_1 = arith.constant 0 : index
    %get3A_2 = vector.load %arg1[%get3A, %get3A_0, %get3A_1] : memref<2x1000x128xf32, #tpu.memory_space<vmem>>, vector<2x1000x128xf32>
    %get3A_3 = arith.constant 0 : index
    %get3A_4 = arith.constant 0 : index
    %get3A_5 = vector.load %arg3[%get3A_3, %get3A_4] : memref<1000x1xf32, #tpu.memory_space<vmem>>, vector<1000x1xf32>
    %slice3A = vector.extract_strided_slice %get3A_2 {offsets = [0, 0, 0], sizes = [1, 1000, 128], strides = [1, 1, 1]} : vector<2x1000x128xf32> to vector<1x1000x128xf32>
    %squeeze3A = vector.shape_cast %slice3A : vector<1x1000x128xf32> to vector<1000x128xf32>
    %slice3A_6 = vector.extract_strided_slice %get3A_2 {offsets = [1, 0, 0], sizes = [1, 1000, 128], strides = [1, 1, 1]} : vector<2x1000x128xf32> to vector<1x1000x128xf32>
    %squeeze3A_7 = vector.shape_cast %slice3A_6 : vector<1x1000x128xf32> to vector<1000x128xf32>
    %add3A = arith.addf %squeeze3A, %squeeze3A_7 : vector<1000x128xf32>
    %get3A_8 = arith.constant 0 : index
    %get3A_9 = arith.constant 0 : index
    %get3A_10 = vector.load %arg2[%get3A_8, %get3A_9] : memref<1000x128xf32, #tpu.memory_space<vmem>>, vector<1000x128xf32>
    %add3A_11 = arith.addf %add3A, %get3A_10 : vector<1000x128xf32>
    %mul3A = vector.broadcast %get3A_5 : vector<1000x1xf32> to vector<1000x128xf32>
    %mul3A_12 = arith.mulf %mul3A, %add3A_11 : vector<1000x128xf32>
    %get3A_13 = arith.constant 0 : index
    %get3A_14 = arith.constant 0 : index
    %get3A_15 = vector.load %arg4[%get3A_13, %get3A_14] : memref<1x128xf32, #tpu.memory_space<vmem>>, vector<1x128xf32>
    %add3A_16 = vector.broadcast %get3A_15 : vector<1x128xf32> to vector<1000x128xf32>
    %add3A_17 = arith.addf %mul3A_12, %add3A_16 : vector<1000x128xf32>
    %max3A = arith.constant 0.000000e+00 : f32
    %max3A_18 = vector.broadcast %max3A : f32 to vector<1000x128xf32>
    %max3A_19 = arith.maximumf %add3A_17, %max3A_18 : vector<1000x128xf32>
    %get3A_20 = arith.constant 0 : index
    %get3A_21 = arith.constant 0 : index
    %get3A_22 = vector.load %arg5[%get3A_20, %get3A_21] : memref<128x128xf32, #tpu.memory_space<vmem>>, vector<128x128xf32>
    %dot_general3A = arith.constant dense<0.000000e+00> : vector<1000x128xf32>
    %dot_general3A_23 = tpu.matmul %max3A_19, %get3A_22, %dot_general3A {dimension_numbers = #tpu.dot_dimension_numbers<[1], [0], [0], [1], [0, 0, 1, 1], [], []>, transpose_lhs_hint = false} : vector<1000x128xf32>, vector<128x128xf32>, vector<1000x128xf32> -> vector<1000x128xf32>
    %mul3A_24 = vector.broadcast %get3A_5 : vector<1000x1xf32> to vector<1000x128xf32>
    %mul3A_25 = arith.mulf %dot_general3A_23, %mul3A_24 : vector<1000x128xf32>
    %swap3A = arith.constant 0 : index
    %swap3A_26 = arith.constant 0 : index
    %swap3A_27 = vector.load %arg6[%swap3A, %swap3A_26] : memref<1000x128xf32, #tpu.memory_space<vmem>>, vector<1000x128xf32>
    tpu.vector_store %arg6[%swap3A, %swap3A_26], %mul3A_25 {strides = array<i32>} : memref<1000x128xf32, #tpu.memory_space<vmem>>, vector<1000x128xf32>,
    return
  }
  func.func @transform_0(%arg0: i32) -> (i32, i32, i32) {
    %c0_i32 = arith.constant 0 : i32
    %c0_i32_0 = arith.constant 0 : i32
    %c0_i32_1 = arith.constant 0 : i32
    return %c0_i32, %arg0, %c0_i32_0 : i32, i32, i32
  }
  func.func @transform_1(%arg0: i32) -> (i32, i32) {
    %c0_i32 = arith.constant 0 : i32
    %c0_i32_0 = arith.constant 0 : i32
    return %arg0, %c0_i32 : i32, i32
  }
  func.func @transform_2(%arg0: i32) -> (i32, i32) {
    %c0_i32 = arith.constant 0 : i32
    %c0_i32_0 = arith.constant 0 : i32
    return %arg0, %c0_i32 : i32, i32
  }
  func.func @transform_3(%arg0: i32) -> (i32, i32) {
    %c0_i32 = arith.constant 0 : i32
    %c0_i32_0 = arith.constant 0 : i32
    %c0_i32_1 = arith.constant 0 : i32
    return %c0_i32, %c0_i32_0 : i32, i32
  }
  func.func @transform_4(%arg0: i32) -> (i32, i32) {
    %c0_i32 = arith.constant 0 : i32
    %c0_i32_0 = arith.constant 0 : i32
    %c0_i32_1 = arith.constant 0 : i32
    return %c0_i32, %c0_i32_0 : i32, i32
  }
  func.func @transform_5(%arg0: i32) -> (i32, i32) {
    %c0_i32 = arith.constant 0 : i32
    %c0_i32_0 = arith.constant 0 : i32
    return %arg0, %c0_i32 : i32, i32
  }
}

module attributes {stable_mosaic.version = 14 : i64} {
  func.func @_tc_f_body(%arg0: i32, %arg1: memref<2x1000x128xf32, #tpu.memory_space<vmem>>, %arg2: memref<1000x128xf32, #tpu.memory_space<vmem>>, %arg3: memref<1000x1xf32, #tpu.memory_space<vmem>>, %arg4: memref<1x128xf32, #tpu.memory_space<vmem>>, %arg5: memref<128x128xf32, #tpu.memory_space<vmem>>, %arg6: memref<1x128xf32, #tpu.memory_space<vmem>>, %arg7: memref<128x128xf32, #tpu.memory_space<vmem>>, %arg8: memref<1x128xf32, #tpu.memory_space<vmem>>, %arg9: memref<128x5xf32, #tpu.memory_space<vmem>>, %arg10: memref<1x5xf32, #tpu.memory_space<vmem>>, %arg11: memref<128x128xf32, #tpu.memory_space<vmem>>, %arg12: memref<1x128xf32, #tpu.memory_space<vmem>>, %arg13: memref<128x128xf32, #tpu.memory_space<vmem>>, %arg14: memref<1x128xf32, #tpu.memory_space<vmem>>, %arg15: memref<128x1xf32, #tpu.memory_space<vmem>>, %arg16: memref<1x1xf32, #tpu.memory_space<vmem>>, %arg17: memref<1000x5xf32, #tpu.memory_space<vmem>>) attributes {dimension_semantics = [#tpu.dimension_semantics<arbitrary>], iteration_bounds = array<i64: 10>, scalar_prefetch = 0 : i64, scratch_operands = 0 : i64, tpu.core_type = #tpu.core_type<tc>, window_params = [{transform_indices = @transform_0, window_bounds = array<i64: 2, 1000, 128>}, {transform_indices = @transform_1, window_bounds = array<i64: 1000, 128>}, {transform_indices = @transform_2, window_bounds = array<i64: 1000, 1>}, {pipeline_mode = #tpu.pipeline_mode<synchronous>, transform_indices = @transform_3, window_bounds = array<i64: 1, 128>}, {pipeline_mode = #tpu.pipeline_mode<synchronous>, transform_indices = @transform_4, window_bounds = array<i64: 128, 128>}, {pipeline_mode = #tpu.pipeline_mode<synchronous>, transform_indices = @transform_5, window_bounds = array<i64: 1, 128>}, {pipeline_mode = #tpu.pipeline_mode<synchronous>, transform_indices = @transform_6, window_bounds = array<i64: 128, 128>}, {pipeline_mode = #tpu.pipeline_mode<synchronous>, transform_indices = @transform_7, window_bounds = array<i64: 1, 128>}, {pipeline_mode = #tpu.pipeline_mode<synchronous>, transform_indices = @transform_8, window_bounds = array<i64: 128, 5>}, {pipeline_mode = #tpu.pipeline_mode<synchronous>, transform_indices = @transform_9, window_bounds = array<i64: 1, 5>}, {pipeline_mode = #tpu.pipeline_mode<synchronous>, transform_indices = @transform_10, window_bounds = array<i64: 128, 128>}, {pipeline_mode = #tpu.pipeline_mode<synchronous>, transform_indices = @transform_11, window_bounds = array<i64: 1, 128>}, {pipeline_mode = #tpu.pipeline_mode<synchronous>, transform_indices = @transform_12, window_bounds = array<i64: 128, 128>}, {pipeline_mode = #tpu.pipeline_mode<synchronous>, transform_indices = @transform_13, window_bounds = array<i64: 1, 128>}, {pipeline_mode = #tpu.pipeline_mode<synchronous>, transform_indices = @transform_14, window_bounds = array<i64: 128, 1>}, {pipeline_mode = #tpu.pipeline_mode<synchronous>, transform_indices = @transform_15, window_bounds = array<i64: 1, 1>}, {transform_indices = @transform_16, window_bounds = array<i64: 1000, 5>}]} {
    %get3A = arith.constant 0 : index
    %get3A_0 = arith.constant 0 : index
    %get3A_1 = arith.constant 0 : index
    %get3A_2 = vector.load %arg1[%get3A, %get3A_0, %get3A_1] : memref<2x1000x128xf32, #tpu.memory_space<vmem>>, vector<2x1000x128xf32>
    %get3A_3 = arith.constant 0 : index
    %get3A_4 = arith.constant 0 : index
    %get3A_5 = vector.load %arg3[%get3A_3, %get3A_4] : memref<1000x1xf32, #tpu.memory_space<vmem>>, vector<1000x1xf32>
    %slice3A = vector.extract_strided_slice %get3A_2 {offsets = [0, 0, 0], sizes = [1, 1000, 128], strides = [1, 1, 1]} : vector<2x1000x128xf32> to vector<1x1000x128xf32>
    %squeeze3A = vector.shape_cast %slice3A : vector<1x1000x128xf32> to vector<1000x128xf32>
    %slice3A_6 = vector.extract_strided_slice %get3A_2 {offsets = [1, 0, 0], sizes = [1, 1000, 128], strides = [1, 1, 1]} : vector<2x1000x128xf32> to vector<1x1000x128xf32>
    %squeeze3A_7 = vector.shape_cast %slice3A_6 : vector<1x1000x128xf32> to vector<1000x128xf32>
    %add3A = arith.addf %squeeze3A, %squeeze3A_7 : vector<1000x128xf32>
    %get3A_8 = arith.constant 0 : index
    %get3A_9 = arith.constant 0 : index
    %get3A_10 = vector.load %arg2[%get3A_8, %get3A_9] : memref<1000x128xf32, #tpu.memory_space<vmem>>, vector<1000x128xf32>
    %add3A_11 = arith.addf %add3A, %get3A_10 : vector<1000x128xf32>
    %mul3A = vector.broadcast %get3A_5 : vector<1000x1xf32> to vector<1000x128xf32>
    %mul3A_12 = arith.mulf %mul3A, %add3A_11 : vector<1000x128xf32>
    %get3A_13 = arith.constant 0 : index
    %get3A_14 = arith.constant 0 : index
    %get3A_15 = vector.load %arg4[%get3A_13, %get3A_14] : memref<1x128xf32, #tpu.memory_space<vmem>>, vector<1x128xf32>
    %add3A_16 = vector.broadcast %get3A_15 : vector<1x128xf32> to vector<1000x128xf32>
    %add3A_17 = arith.addf %mul3A_12, %add3A_16 : vector<1000x128xf32>
    %max3A = arith.constant 0.000000e+00 : f32
    %max3A_18 = vector.broadcast %max3A : f32 to vector<1000x128xf32>
    %max3A_19 = arith.maximumf %add3A_17, %max3A_18 : vector<1000x128xf32>
    %get3A_20 = arith.constant 0 : index
    %get3A_21 = arith.constant 0 : index
    %get3A_22 = vector.load %arg5[%get3A_20, %get3A_21] : memref<128x128xf32, #tpu.memory_space<vmem>>, vector<128x128xf32>
    %dot_general3A = arith.constant dense<0.000000e+00> : vector<1000x128xf32>
    %dot_general3A_23 = tpu.matmul %max3A_19, %get3A_22, %dot_general3A {dimension_numbers = #tpu.dot_dimension_numbers<[1], [0], [0], [1], [0, 0, 1, 1], [], []>, transpose_lhs_hint = false} : vector<1000x128xf32>, vector<128x128xf32>, vector<1000x128xf32> -> vector<1000x128xf32>
    %get3A_24 = arith.constant 0 : index
    %get3A_25 = arith.constant 0 : index
    %get3A_26 = vector.load %arg6[%get3A_24, %get3A_25] : memref<1x128xf32, #tpu.memory_space<vmem>>, vector<1x128xf32>
    %add3A_27 = vector.broadcast %get3A_26 : vector<1x128xf32> to vector<1000x128xf32>
    %add3A_28 = arith.addf %dot_general3A_23, %add3A_27 : vector<1000x128xf32>
    %max3A_29 = arith.constant 0.000000e+00 : f32
    %max3A_30 = vector.broadcast %max3A_29 : f32 to vector<1000x128xf32>
    %max3A_31 = arith.maximumf %add3A_28, %max3A_30 : vector<1000x128xf32>
    %get3A_32 = arith.constant 0 : index
    %get3A_33 = arith.constant 0 : index
    %get3A_34 = vector.load %arg7[%get3A_32, %get3A_33] : memref<128x128xf32, #tpu.memory_space<vmem>>, vector<128x128xf32>
    %dot_general3A_35 = arith.constant dense<0.000000e+00> : vector<1000x128xf32>
    %dot_general3A_36 = tpu.matmul %max3A_31, %get3A_34, %dot_general3A_35 {dimension_numbers = #tpu.dot_dimension_numbers<[1], [0], [0], [1], [0, 0, 1, 1], [], []>, transpose_lhs_hint = false} : vector<1000x128xf32>, vector<128x128xf32>, vector<1000x128xf32> -> vector<1000x128xf32>
    %get3A_37 = arith.constant 0 : index
    %get3A_38 = arith.constant 0 : index
    %get3A_39 = vector.load %arg8[%get3A_37, %get3A_38] : memref<1x128xf32, #tpu.memory_space<vmem>>, vector<1x128xf32>
    %add3A_40 = vector.broadcast %get3A_39 : vector<1x128xf32> to vector<1000x128xf32>
    %add3A_41 = arith.addf %dot_general3A_36, %add3A_40 : vector<1000x128xf32>
    %max3A_42 = arith.constant 0.000000e+00 : f32
    %max3A_43 = vector.broadcast %max3A_42 : f32 to vector<1000x128xf32>
    %max3A_44 = arith.maximumf %add3A_41, %max3A_43 : vector<1000x128xf32>
    %get3A_45 = arith.constant 0 : index
    %get3A_46 = arith.constant 0 : index
    %get3A_47 = vector.load %arg9[%get3A_45, %get3A_46] : memref<128x5xf32, #tpu.memory_space<vmem>>, vector<128x5xf32>
    %dot_general3A_48 = arith.constant dense<0.000000e+00> : vector<1000x5xf32>
    %dot_general3A_49 = tpu.matmul %max3A_44, %get3A_47, %dot_general3A_48 {dimension_numbers = #tpu.dot_dimension_numbers<[1], [0], [0], [1], [0, 0, 1, 1], [], []>, transpose_lhs_hint = false} : vector<1000x128xf32>, vector<128x5xf32>, vector<1000x5xf32> -> vector<1000x5xf32>
    %get3A_50 = arith.constant 0 : index
    %get3A_51 = arith.constant 0 : index
    %get3A_52 = vector.load %arg10[%get3A_50, %get3A_51] : memref<1x5xf32, #tpu.memory_space<vmem>>, vector<1x5xf32>
    %add3A_53 = vector.broadcast %get3A_52 : vector<1x5xf32> to vector<1000x5xf32>
    %add3A_54 = arith.addf %dot_general3A_49, %add3A_53 : vector<1000x5xf32>
    %get3A_55 = arith.constant 0 : index
    %get3A_56 = arith.constant 0 : index
    %get3A_57 = vector.load %arg11[%get3A_55, %get3A_56] : memref<128x128xf32, #tpu.memory_space<vmem>>, vector<128x128xf32>
    %dot_general3A_58 = arith.constant dense<0.000000e+00> : vector<1000x128xf32>
    %dot_general3A_59 = tpu.matmul %max3A_19, %get3A_57, %dot_general3A_58 {dimension_numbers = #tpu.dot_dimension_numbers<[1], [0], [0], [1], [0, 0, 1, 1], [], []>, transpose_lhs_hint = false} : vector<1000x128xf32>, vector<128x128xf32>, vector<1000x128xf32> -> vector<1000x128xf32>
    %get3A_60 = arith.constant 0 : index
    %get3A_61 = arith.constant 0 : index
    %get3A_62 = vector.load %arg12[%get3A_60, %get3A_61] : memref<1x128xf32, #tpu.memory_space<vmem>>, vector<1x128xf32>
    %add3A_63 = vector.broadcast %get3A_62 : vector<1x128xf32> to vector<1000x128xf32>
    %add3A_64 = arith.addf %dot_general3A_59, %add3A_63 : vector<1000x128xf32>
    %max3A_65 = arith.constant 0.000000e+00 : f32
    %max3A_66 = vector.broadcast %max3A_65 : f32 to vector<1000x128xf32>
    %max3A_67 = arith.maximumf %add3A_64, %max3A_66 : vector<1000x128xf32>
    %get3A_68 = arith.constant 0 : index
    %get3A_69 = arith.constant 0 : index
    %get3A_70 = vector.load %arg13[%get3A_68, %get3A_69] : memref<128x128xf32, #tpu.memory_space<vmem>>, vector<128x128xf32>
    %dot_general3A_71 = arith.constant dense<0.000000e+00> : vector<1000x128xf32>
    %dot_general3A_72 = tpu.matmul %max3A_67, %get3A_70, %dot_general3A_71 {dimension_numbers = #tpu.dot_dimension_numbers<[1], [0], [0], [1], [0, 0, 1, 1], [], []>, transpose_lhs_hint = false} : vector<1000x128xf32>, vector<128x128xf32>, vector<1000x128xf32> -> vector<1000x128xf32>
    %get3A_73 = arith.constant 0 : index
    %get3A_74 = arith.constant 0 : index
    %get3A_75 = vector.load %arg14[%get3A_73, %get3A_74] : memref<1x128xf32, #tpu.memory_space<vmem>>, vector<1x128xf32>
    %add3A_76 = vector.broadcast %get3A_75 : vector<1x128xf32> to vector<1000x128xf32>
    %add3A_77 = arith.addf %dot_general3A_72, %add3A_76 : vector<1000x128xf32>
    %max3A_78 = arith.constant 0.000000e+00 : f32
    %max3A_79 = vector.broadcast %max3A_78 : f32 to vector<1000x128xf32>
    %max3A_80 = arith.maximumf %add3A_77, %max3A_79 : vector<1000x128xf32>
    %get3A_81 = arith.constant 0 : index
    %get3A_82 = arith.constant 0 : index
    %get3A_83 = vector.load %arg15[%get3A_81, %get3A_82] : memref<128x1xf32, #tpu.memory_space<vmem>>, vector<128x1xf32>
    %dot_general3A_84 = arith.constant dense<0.000000e+00> : vector<1000x1xf32>
    %dot_general3A_85 = tpu.matmul %max3A_80, %get3A_83, %dot_general3A_84 {dimension_numbers = #tpu.dot_dimension_numbers<[1], [0], [0], [1], [0, 0, 1, 1], [], []>, transpose_lhs_hint = false} : vector<1000x128xf32>, vector<128x1xf32>, vector<1000x1xf32> -> vector<1000x1xf32>
    %get3A_86 = arith.constant 0 : index
    %get3A_87 = arith.constant 0 : index
    %get3A_88 = vector.load %arg16[%get3A_86, %get3A_87] : memref<1x1xf32, #tpu.memory_space<vmem>>, vector<1x1xf32>
    %add3A_89 = vector.broadcast %get3A_88 : vector<1x1xf32> to vector<1000x1xf32>
    %add3A_90 = arith.addf %dot_general3A_85, %add3A_89 : vector<1000x1xf32>
    %add3A_91 = vector.broadcast %add3A_90 : vector<1000x1xf32> to vector<1000x5xf32>
    %add3A_92 = arith.addf %add3A_91, %add3A_54 : vector<1000x5xf32>
    %reduce_sum3A = arith.constant dense<0.000000e+00> : vector<1000xf32>
    %reduce_sum3A_93 = vector.multi_reduction <add>, %add3A_54, %reduce_sum3A [1] : vector<1000x5xf32> to vector<1000xf32>
    %broadcast_in_dim3A = vector.shape_cast %reduce_sum3A_93 : vector<1000xf32> to vector<1000x1xf32>
    %div3A = arith.constant 5.000000e+00 : f32
    %div3A_94 = vector.broadcast %div3A : f32 to vector<1000x1xf32>
    %div3A_95 = arith.divf %broadcast_in_dim3A, %div3A_94 : vector<1000x1xf32>
    %sub3A = vector.broadcast %div3A_95 : vector<1000x1xf32> to vector<1000x5xf32>
    %sub3A_96 = arith.subf %add3A_92, %sub3A : vector<1000x5xf32>
    %swap3A = arith.constant 0 : index
    %swap3A_97 = arith.constant 0 : index
    %swap3A_98 = vector.load %arg17[%swap3A, %swap3A_97] : memref<1000x5xf32, #tpu.memory_space<vmem>>, vector<1000x5xf32>
    tpu.vector_store %arg17[%swap3A, %swap3A_97], %sub3A_96 {strides = array<i32>} : memref<1000x5xf32, #tpu.memory_space<vmem>>, vector<1000x5xf32>,
    return
  }
  func.func @transform_0(%arg0: i32) -> (i32, i32, i32) {
    %c0_i32 = arith.constant 0 : i32
    %c0_i32_0 = arith.constant 0 : i32
    %c0_i32_1 = arith.constant 0 : i32
    return %c0_i32, %arg0, %c0_i32_0 : i32, i32, i32
  }
  func.func @transform_1(%arg0: i32) -> (i32, i32) {
    %c0_i32 = arith.constant 0 : i32
    %c0_i32_0 = arith.constant 0 : i32
    return %arg0, %c0_i32 : i32, i32
  }
  func.func @transform_2(%arg0: i32) -> (i32, i32) {
    %c0_i32 = arith.constant 0 : i32
    %c0_i32_0 = arith.constant 0 : i32
    return %arg0, %c0_i32 : i32, i32
  }
  func.func @transform_3(%arg0: i32) -> (i32, i32) {
    %c0_i32 = arith.constant 0 : i32
    %c0_i32_0 = arith.constant 0 : i32
    %c0_i32_1 = arith.constant 0 : i32
    return %c0_i32, %c0_i32_0 : i32, i32
  }
  func.func @transform_4(%arg0: i32) -> (i32, i32) {
    %c0_i32 = arith.constant 0 : i32
    %c0_i32_0 = arith.constant 0 : i32
    %c0_i32_1 = arith.constant 0 : i32
    return %c0_i32, %c0_i32_0 : i32, i32
  }
  func.func @transform_5(%arg0: i32) -> (i32, i32) {
    %c0_i32 = arith.constant 0 : i32
    %c0_i32_0 = arith.constant 0 : i32
    %c0_i32_1 = arith.constant 0 : i32
    return %c0_i32, %c0_i32_0 : i32, i32
  }
  func.func @transform_6(%arg0: i32) -> (i32, i32) {
    %c0_i32 = arith.constant 0 : i32
    %c0_i32_0 = arith.constant 0 : i32
    %c0_i32_1 = arith.constant 0 : i32
    return %c0_i32, %c0_i32_0 : i32, i32
  }
  func.func @transform_7(%arg0: i32) -> (i32, i32) {
    %c0_i32 = arith.constant 0 : i32
    %c0_i32_0 = arith.constant 0 : i32
    %c0_i32_1 = arith.constant 0 : i32
    return %c0_i32, %c0_i32_0 : i32, i32
  }
  func.func @transform_8(%arg0: i32) -> (i32, i32) {
    %c0_i32 = arith.constant 0 : i32
    %c0_i32_0 = arith.constant 0 : i32
    %c0_i32_1 = arith.constant 0 : i32
    return %c0_i32, %c0_i32_0 : i32, i32
  }
  func.func @transform_9(%arg0: i32) -> (i32, i32) {
    %c0_i32 = arith.constant 0 : i32
    %c0_i32_0 = arith.constant 0 : i32
    %c0_i32_1 = arith.constant 0 : i32
    return %c0_i32, %c0_i32_0 : i32, i32
  }
  func.func @transform_10(%arg0: i32) -> (i32, i32) {
    %c0_i32 = arith.constant 0 : i32
    %c0_i32_0 = arith.constant 0 : i32
    %c0_i32_1 = arith.constant 0 : i32
    return %c0_i32, %c0_i32_0 : i32, i32
  }
  func.func @transform_11(%arg0: i32) -> (i32, i32) {
    %c0_i32 = arith.constant 0 : i32
    %c0_i32_0 = arith.constant 0 : i32
    %c0_i32_1 = arith.constant 0 : i32
    return %c0_i32, %c0_i32_0 : i32, i32
  }
  func.func @transform_12(%arg0: i32) -> (i32, i32) {
    %c0_i32 = arith.constant 0 : i32
    %c0_i32_0 = arith.constant 0 : i32
    %c0_i32_1 = arith.constant 0 : i32
    return %c0_i32, %c0_i32_0 : i32, i32
  }
  func.func @transform_13(%arg0: i32) -> (i32, i32) {
    %c0_i32 = arith.constant 0 : i32
    %c0_i32_0 = arith.constant 0 : i32
    %c0_i32_1 = arith.constant 0 : i32
    return %c0_i32, %c0_i32_0 : i32, i32
  }
  func.func @transform_14(%arg0: i32) -> (i32, i32) {
    %c0_i32 = arith.constant 0 : i32
    %c0_i32_0 = arith.constant 0 : i32
    %c0_i32_1 = arith.constant 0 : i32
    return %c0_i32, %c0_i32_0 : i32, i32
  }
  func.func @transform_15(%arg0: i32) -> (i32, i32) {
    %c0_i32 = arith.constant 0 : i32
    %c0_i32_0 = arith.constant 0 : i32
    %c0_i32_1 = arith.constant 0 : i32
    return %c0_i32, %c0_i32_0 : i32, i32
  }
  func.func @transform_16(%arg0: i32) -> (i32, i32) {
    %c0_i32 = arith.constant 0 : i32
    %c0_i32_0 = arith.constant 0 : i32
    return %arg0, %c0_i32 : i32, i32
  }
}

</mosaic_0001>

<sc_bundles>
// kernel: kernel.11.cloned.1.call-start
scs
__scs_entry_jumppad:
0x0: {  	(pc) =	sbr.rel $0x88, $3  }
0x1: {  	(tag) =	ssettag $0x0;
	lr =	simm.s32 $0x1  }
0x2: {  	[smem:$0x3F8F] =	sst lr;
	_ =	strace $0xD0000000  }
0x3: {  	_ = 	snop  }
0x4: {  	_ = 	snop  }
0x5: {  	_ = 	snop  }
0x6: {  	_ = 	snop  }
0x7: {  	_ = 	snop  }
__scs_overlays_trampoline_lowered:
0x8: {  	[smem:$0x3F9E] =	sst s0  }
0x9: {  	[smem:$0x3F9F] =	sst s1  }
0xa: {  	[smem:$0x3FA0] =	sst s2  }
0xb: {  	[smem:$0x3FA1] =	sst s3  }
0xc: {  	[smem:$0x3FA2] =	sst s4  }
0xd: {  	[smem:$0x3FA3] =	sst s5  }
0xe: {  	[smem:$0x3FA4] =	sst s6  }
0xf: {  	[smem:$0x3FA5] =	sst s7  }
0x10: {  	[smem:$0x3FA6] =	sst s8  }
0x11: {  	[smem:$0x3FA7] =	sst s9;
	s0 =	simm.s32 @!p0 $0x0  }
0x12: {  	s1 =	sld [smem:$0x3F8D];
	s0 =	simm.s32 @p0 $0x1  }
0x13: {  	[smem:$0x3FA8] =	sst s0;
	s0 =	simm.s32 @!p1 $0x0  }
0x14: {  	s2 =	sld [smem:$0x3F8C];
	s0 =	simm.s32 @p1 $0x1  }
0x15: {  	[smem:$0x3FA9] =	sst s0;
	s0 =	simm.s32 @!p2 $0x0  }
0x16: {  	s3 =	sld [smem:$0x3FDB];
	s0 =	simm.s32 @p2 $0x1  }
0x17: {  	s4 =	simm.s32 $0x1BF5;
	[smem:$0x3FAB] =	sst s0  }
0x18: {  	s0 =	sld [smem:$0x3F8E];
	_ =	swait.ge [sflag:s4], $0x0  }
0x19: {  	s7 =	sld [smem:$0x3F8F]  }
0x1a: {  	s8 =	sadd.s32 $0xFFFFE003, lr  }
0x1b: {  	s9 =	sadd.s32 $0xFFFFFEF7, lr;
	s5 =	simm.s32 $0xFFFFFFFF;
	p2 =	slt.u32 s8, $0xFFFFF086  }
0x1c: {  	p1 =	slt.u32 s9, $0xF7A;
	s5 =	simm.s32 @!p2 $0x0  }
0x1d: {  	s5 =	simm.s32 @p1 $0x1;
	p0 =	seq.s32 s7, s2  }
0x1e: {  	s7 =	smul.u32 @!p0 $0xF7A, s2;
	p2 =	seq.s32 @!p0 s5, $0x0  }
0x1f: {  	s9 =	smul.u32 $0xF7A, s1;
	s8 =	simm.s32 @!p0 $0x1BF5;
	p2 =	por !p2, p0  }
0x20: {  	[sflag:s8] =	ssyncset.s32 @!p0 $0xFFFFF086;
	s6 =	sadd.s32 @!p0 s3, s7;
	s7 =	simm.s32 @!p0 $0x108  }
0x21: {  	s3 =	sadd.s32 s3, s9;
	s6 =	sadd.s32 @!p0 $0x88, s6;
	s7 =	simm.s32 @p2 $0x1082  }
0x22: {  	[simem:s7], [sflag:s8] =	dma.local @!p0 [hbm:s6], $0xF7A  }
0x23: {  	s9 =	sor.u32 $0xD0000000, s2;
	s6 =	simm.s32 $0x108;
	_ =	swait.ge @!p0 [sflag:s8], $0x0  }
0x24: {  	s3 =	sadd.s32 $0x88, s3;
	s6 =	simm.s32 @!p1 $0x1082;
	[sflag:s4] =	ssyncset.s32 $0xFFFFF086  }
0x25: {  	[simem:s6], [sflag:s4] =	dma.local [hbm:s3], $0xF7A  }
0x26: {  	[smem:$0x3F8F] =	sst s1;
	(tag) =	ssettag s2;
	_ =	strace s9  }
0x27: {  	s1 =	sld [smem:$0x3F9F]  }
0x28: {  	s2 =	sld [smem:$0x3FA0]  }
0x29: {  	s4 =	sld [smem:$0x3FA2]  }
0x2a: {  	p0 =	seq.s32 s5, $0x0;
	s5 =	sld [smem:$0x3FA3]  }
0x2b: {  	s6 =	sld [smem:$0x3FA4]  }
0x2c: {  	s7 =	sld [smem:$0x3FA5]  }
0x2d: {  	s3 =	simm.s32 $0x108;
	s8 =	sld [smem:$0x3FA6]  }
0x2e: {  	s3 =	simm.s32 @!p0 $0x1082;
	s9 =	sld [smem:$0x3FA7]  }
0x2f: {  	lr =	sadd.s32 s0, s3;
	s0 =	sld [smem:$0x3F9E]  }
0x30: {  	s3 =	sld [smem:$0x3FA1]  }
0x31: {  	[smem:$0x3FAA] =	sst s10  }
0x32: {  	s10 =	sld [smem:$0x3FA8];
	_ =	sdelay $0x3  }
0x33: {  	p0 =	seq.s32 s10, $0x1;
	s10 =	sld [smem:$0x3FAA];
	_ =	sdelay $0x3  }
0x34: {  	[smem:$0x3FAA] =	sst s10  }
0x35: {  	s10 =	sld [smem:$0x3FA9];
	_ =	sdelay $0x3  }
0x36: {  	p1 =	seq.s32 s10, $0x1;
	s10 =	sld [smem:$0x3FAA];
	_ =	sdelay $0x3  }
0x37: {  	[smem:$0x3FAA] =	sst s10  }
0x38: {  	s10 =	sld [smem:$0x3FAB]  }
0x39: {  	_ = 	snop;
	(pc) =	sbr.ind lr, $3  }
0x3a: {  	_ = 	snop  }
0x3b: {  	_ = 	snop  }
0x3c: {  	p2 =	seq.s32 s10, $0x1;
	s10 =	sld [smem:$0x3FAA]  }
0x3d: {  	_ =	shalt  }
0x3e: {  	_ =	shalt  }
0x3f: {  	_ =	shalt  }
0x40: {  	_ =	shalt  }
0x41: {  	_ =	shalt  }
0x42: {  	_ =	shalt  }
0x43: {  	_ =	shalt  }
0x44: {  	_ =	shalt  }
0x45: {  	_ =	shalt  }
0x46: {  	_ =	shalt  }
0x47: {  	_ =	shalt  }
0x48: {  	_ =	shalt  }
0x49: {  	_ =	shalt  }
0x4a: {  	_ =	shalt  }
0x4b: {  	_ =	shalt  }
0x4c: {  	_ =	shalt  }
0x4d: {  	_ =	shalt  }
0x4e: {  	_ =	shalt  }
0x4f: {  	_ =	shalt  }
0x50: {  	_ =	shalt  }
0x51: {  	_ =	shalt  }
0x52: {  	_ =	shalt  }
0x53: {  	_ =	shalt  }
0x54: {  	_ =	shalt  }
0x55: {  	_ =	shalt  }
0x56: {  	_ =	shalt  }
0x57: {  	_ =	shalt  }
0x58: {  	_ =	shalt  }
0x59: {  	_ =	shalt  }
0x5a: {  	_ =	shalt  }
0x5b: {  	_ =	shalt  }
0x5c: {  	_ =	shalt  }
0x5d: {  	_ =	shalt  }
0x5e: {  	_ =	shalt  }
0x5f: {  	_ =	shalt  }
0x60: {  	_ =	shalt  }
0x61: {  	_ =	shalt  }
0x62: {  	_ =	shalt  }
0x63: {  	_ =	shalt  }
0x64: {  	_ =	shalt  }
0x65: {  	_ =	shalt  }
0x66: {  	_ =	shalt  }
0x67: {  	_ =	shalt  }
0x68: {  	_ =	shalt  }
0x69: {  	_ =	shalt  }
0x6a: {  	_ =	shalt  }
0x6b: {  	_ =	shalt  }
0x6c: {  	_ =	shalt  }
0x6d: {  	_ =	shalt  }
0x6e: {  	_ =	shalt  }
0x6f: {  	_ =	shalt  }
0x70: {  	_ =	shalt  }
0x71: {  	_ =	shalt  }
0x72: {  	_ =	shalt  }
0x73: {  	_ =	shalt  }
0x74: {  	_ =	shalt  }
0x75: {  	_ =	shalt  }
0x76: {  	_ =	shalt  }
0x77: {  	_ =	shalt  }
0x78: {  	_ =	shalt  }
0x79: {  	_ =	shalt  }
0x7a: {  	_ =	shalt  }
0x7b: {  	_ =	shalt  }
0x7c: {  	_ =	shalt  }
0x7d: {  	_ =	shalt  }
0x7e: {  	_ =	shalt  }
0x7f: {  	_ =	shalt  }
0x80: {  	_ =	shalt  }
0x81: {  	_ =	shalt  }
0x82: {  	_ =	shalt  }
0x83: {  	_ =	shalt  }
0x84: {  	_ =	shalt  }
0x85: {  	_ =	shalt  }
0x86: {  	_ =	shalt  }
0x87: {  	_ =	shalt  }
.Lfunc_end0:
.L_simem_size_0:
called_computation.1_lowered:
.L_overlay_start_0:
0x88: {  	s2 =	sld [smem:$0x3FD9]  }
0x89: {  	s3 =	sld [smem:$0x3FFE];
	_ =	sdelay $0x1  }
0x8a: {  	s1 =	srdreg.scid  }
0x8b: {  	s0 =	sand.u32 $0x1, s1  }
0x8c: {  	s16 =	sshll.u32 s0, $0xA;
	s2 =	sadd.s32 s3, s2  }
0x8d: {  	s2 =	sadd.s32 s2, s16  }
0x8e: {  	[smem:$0x3FB6] =	sst s2  }
0x8f: {  	_ = 	snop  }
0x90: {  	(tm) =	ssettm $0x1  }
0x91: {  	s17 =	sld [smem:$0x3FFB];
	_ =	sdelay $0x3  }
0x92: {  	_ =	strace s17  }
0x93: {  	s2 =	sld [smem:$0x3FFC];
	_ =	sdelay $0x3  }
0x94: {  	_ =	strace s2  }
0x95: {  	s2 =	sld [smem:$0x3FFD];
	_ =	sdelay $0x3  }
0x96: {  	_ =	strace s2  }
0x97: {  	_ =	strace $0x8FFFFFFF  }
0x98: {  	s18 =	sld [smem:$0x3FDB];
	_ =	sdelay $0x1  }
0x99: {  	s19 =	simm.s32 $_scs_section_size  }
0x9a: {  	s4 =	simm.s32 $_size__tile_overlayer_lowered;
	s5 =	simm.s32 $_tile_overlayer_lowered  }
0x9b: {  	s22 =	simm.s32 $0x1BFF;
	s21 =	sshll.u32 s5, $0x1;
	s2 =	sadd.s32 s19, s18  }
0x9c: {  	s6 =	simm.s32 $0x0;
	s20 =	sshll.u32 s4, $0x1;
	s4 =	sadd.s32 s21, s2  }
0x9d: {  	[timem:s6], [sflag:s22] =	dma.local [hbm:s4], s20  }
0x9e: {  	_ =	swait.ge [sflag:s22], s20  }
0x9f: {  	s3 =	ssub.s32 $0x0, s20;
	[sflag:s22] =	ssyncset.done $0x0  }
0xa0: {  	[sflag:s22] =	ssyncadd.s32 s3;
	_ =	sdelay $0x1  }
0xa1: {  	s23 =	simm.s32 $0x1B8B  }
0xa2: {  	_ =	swait.ge [sflag:s23], $0x1  }
0xa3: {  	[sflag:s23] =	ssyncset.done $0x0  }
0xa4: {  	s25 =	simm.s32 $0x1B8E;
	s24 =	sld [smem:$0x3FFE];
	[sflag:s23] =	ssyncadd.s32 $0xFFFFFFFF  }
0xa5: {  	s26 =	simm.s32 $execute0_lowered;
	[smem:$0x3FD2] =	sst s25  }
0xa6: {  	s4 =	sshll.u32 s26, $0x1;
	_ =	strace $0x80000049;
	[dreg:$0x1] =	wrdreg $0xFFFFFFFF  }
0xa7: {  	s28 =	simm.s32 $_size_execute0_lowered;
	s2 =	sadd.s32 s2, s4;
	[dreg:$0x0] =	wrdreg $0x0  }
0xa8: {  	s4 =	sshll.u32 s28, $0x1;
	[dreg:$0x2] =	wrdreg s2  }
0xa9: {  	[dreg:$0x3] =	wrdreg s4  }
0xaa: {  	[dreg:$0x4] =	wrdreg $0xC0  }
0xab: {  	_ =	task [dreg:s6], $0x5FFFF  }
0xac: {  	[dreg:$0x1] =	wrdreg $0xFFFFFFFF  }
0xad: {  	[dreg:$0x0] =	wrdreg $0x60  }
0xae: {  	[dreg:$0x2] =	wrdreg s24  }
0xaf: {  	[dreg:$0x3] =	wrdreg $0x88000  }
0xb0: {  	[dreg:$0x4] =	wrdreg $0x9  }
0xb1: {  	_ =	task.clear_ibuf [dreg:s6], $0x5FFFF;
	_ =	strace $0x90000049  }
0xb2: {  	s29 =	simm.s32 $0x9;
	_ =	strace $0x8000004B  }
0xb3: {  	_ =	swait.ge [sflag:s29], $0x1  }
0xb4: {  	[sflag:s29] =	ssyncadd.s32 $0xFFFFFFFF  }
0xb5: {  	_ =	strace $0x9000004B  }
0xb6: {  	_ =	sfence  }
0xb7: {  	s30 =	sld [smem:$0x0];
	_ =	sdelay $0x2  }
0xb8: {  	s31 =	sshll.u32 s1, $0xD;
	s1 =	sshrl.u32 s1, $0x2  }
0xb9: {  	s3 =	sand.u32 $0x4000, s31;
	s1 =	sadd.s32 s1, s30  }
0xba: {  	s0 =	sor.u32 s3, s0;
	s1 =	sshll.u32 s1, $0x11  }
0xbb: {  	s0 =	sor.u32 s1, s0  }
0xbc: {  	s0 =	sadd.s32 $0x8F2B, s0  }
0xbd: {  	[sflag:s0] =	ssyncadd.remote.s32 $0x1  }
0xbe: {  	_ =	sfence.sel $0xFFFF  }
0xbf: {  	[dreg:$0x0] =	wrdreg $0xFFFFFFFF;
	(pc) =	sbr.abs _section_cstart, $3  }
0xc0: {  	[dreg:$0x1] =	wrdreg $0xFFFFFFFF  }
0xc1: {  	_ =	task.clear_ibuf [dreg:s6], $0x2FFFF;
	_ =	strace $0x9FFFFFFF  }
0xc2: {  	(tm) =	ssettm $0x7FFFFFFF  }
0xc3: {  	_ =	shalt  }
tec
execute0_lowered:
.L_overlay_start_1:
0x0: {  	(tag) =	ssettag $0x1  }
0x1: {  	s0 =	rddreg [dreg:$0x0]  }
0x2: {  	s2 =	rddreg [dreg:$0x1]  }
0x3: {  	s8 =	stileid.u32;
	s3 =	simm.s32 $0x0;
	s1 =	srdreg.scid  }
0x4: {  	s19 =	simm.s32 $0xC0;
	s20 =	simm.s32 $0x100;
	s21 =	simm.s32 $0x140  }
0x5: {  	s22 =	simm.s32 $0x480;
	s23 =	simm.s32 $0x180;
	s24 =	simm.s32 $0x1C0  }
0x6: {  	s25 =	simm.s32 $0x500;
	s28 =	simm.s32 $0x280;
	s29 =	simm.s32 $0x2C0  }
0x7: {  	s30 =	simm.s32 $0x600;
	s31 =	simm.s32 $0x300;
	s4 =	smul.u32 $0x28, s8  }
0x8: {  	[smem:$0x7FF] =	sst s3;
	s1 =	sand.u32 $0x1, s1;
	s5 =	smul.u32 $0x78, s8  }
0x9: {  	s26 =	smul.u32 $0x14000, s8;
	_ =	strace $0x8000004A;
	[dreg:$0x3] =	wrdreg s19  }
0xa: {  	s9 =	smul.u32 $0x50000, s8;
	s8 =	simm.s32 $0xF;
	[dreg:$0x4] =	wrdreg s20  }
0xb: {  	p0 =	seq.s32 s1, $0x0;
	s6 =	smul.u32 $0x140000, s1;
	[dreg:$0x5] =	wrdreg s21  }
0xc: {  	s1 =	ssub.s32 $0x2, s1;
	s19 =	simm.s32 $0x2800;
	[dreg:$0x6] =	wrdreg s22  }
0xd: {  	s20 =	simm.s32 $0x80;
	s21 =	simm.s32 $0x4800;
	[dreg:$0x7] =	wrdreg s23  }
0xe: {  	s22 =	simm.s32 $0x6800;
	[dreg:$0x8] =	wrdreg s24;
	s23 =	simm.s32 $0x1  }
0xf: {  	[dreg:$0x9] =	wrdreg s25;
	s24 =	simm.s32 $0x2;
	s25 =	simm.s32 $0x240  }
0x10: {  	s4 =	sadd.s32 $0x780, s4;
	s10 =	sshrl.u32 s1, $0x1;
	s8 =	simm.s32 @!p0 $0x5  }
0x11: {  	s11 =	sshrl.u32 s9, $0x2;
	s4 =	smov.u32 @p0 s5;
	s5 =	sadd.s32 s26, s6  }
0x12: {  	s1 =	ssub.s32 s1, s10;
	[dreg:$0xb] =	wrdreg s8;
	s26 =	simm.s32 $0x200  }
0x13: {  	s7 =	sshll.u32 s4, $0x4;
	s4 =	sadd.s32 $0x17C00, s0;
	s5 =	sshrl.u32 s5, $0x3  }
0x14: {  	s12 =	smax.u32 s1, $0x1;
	[dreg:$0xa] =	wrdreg s26;
	s7 =	sadd.s32 s7, s0  }
0x15: {  	s0 =	sadd.s32 s5, s0;
	s5 =	sadd.s32 s11, s2;
	[dreg:$0xe] =	wrdreg s12  }
0x16: {  	s9 =	simm.s32 $0x700;
	s0 =	sadd.s32 $0x3EE00, s0;
	[dreg:$0xc] =	wrdreg s5  }
0x17: {  	s8 =	simm.s32 $0x3C0;
	s13 =	sadd.s32 $0x4000, s5;
	[dreg:$0xd] =	wrdreg s0  }
0x18: {  	s10 =	simm.s32 $0x780;
	s14 =	sadd.s32 $0x8000, s5;
	[dreg:$0xf] =	wrdreg s13  }
0x19: {  	s26 =	simm.s32 $0x580;
	s15 =	sadd.s32 $0xC000, s5;
	[dreg:$0x10] =	wrdreg s14  }
0x1a: {  	s1 =	simm.s32 $0x680;
	s16 =	sadd.s32 $0x10000, s5;
	[dreg:$0x11] =	wrdreg s15  }
0x1b: {  	s11 =	simm.s32 $0x0;
	s17 =	sadd.s32 $0xDC00, s7;
	[dreg:$0x12] =	wrdreg s16  }
0x1c: {  	s18 =	sadd.s32 $0x3C00, s7;
	s7 =	simm.s32 $0x380;
	[dreg:$0x13] =	wrdreg s17  }
0x1d: {  	[dreg:$0x14] =	wrdreg s18;
	s15 =	simm.s32 $0x800;
	s16 =	simm.s32 $0x3  }
0x1e: {  	v0 =	vimm.f32 $0.0e+00;
	s17 =	simm.s32 $0x400;
	s18 =	simm.s32 $0x40;
	s0 =	simm.s32 $0x340  }
.LBB2_1:
0x1f: {  	s12 =	sand.u32 $0xFE00, s3  }
0x20: {  	s13 =	sand.u32 $0x70, s3;
	s14 =	sshrl.u32 s12, $0x2  }
0x21: {  	s12 =	simm.s32 $0x40;
	s14 =	sor.u32 s13, s14;
	s13 =	simm.s32 $0x0  }
.LBB2_2:
0x22: {  	p0 =	sne.s32 s12, $0xFFC0  }
0x23: {  	[tilespmem:s14+$0x800] =	vst v0;
	s13 =	sadd.s32 $0x10, s13;
	s14 =	smov.u32 s12;
	s12 =	sadd.s32 $0x40, s12  }
.Ltmp0:
0x24: {  	(pc) =	sbr.rel @p0 .LBB2_2-.Ltmp0, $4  }
0x25: {  	_ = 	snop  }
0x26: {  	s14 =	sand.u32 $0xFE00, s14  }
0x27: {  	s5 =	sand.u32 $0x70, s13;
	s14 =	sshrl.u32 s14, $0x2  }
0x28: {  	s14 =	sor.u32 s5, s14  }
0x29: {  	[tilespmem:s14+$0x800] =	vst v0;
	s5 =	rddreg [dreg:$0xc]  }
0x2a: {  	[spmem:s5] =	stream.linear.scatter [tilespmem:s15], [sflag:$0x3], $0x4000, $0x38;
	[tilespmem:$0x1C800] =	vst v63  }
0x2b: {  	_ =	swait.ge [sflag:s16], $0x4000  }
0x2c: {  	[sflag:s16] =	ssyncset.done $0x0  }
0x2d: {  	s12 =	rddreg [dreg:$0xf];
	[sflag:s16] =	ssyncadd.s32 $0xFFFFC000  }
0x2e: {  	[spmem:s12] =	stream.linear.scatter [tilespmem:s15], [sflag:$0x3], $0x4000, $0x38;
	[tilespmem:$0x1C800] =	vst v63  }
0x2f: {  	_ =	swait.ge [sflag:s16], $0x4000  }
0x30: {  	[sflag:s16] =	ssyncset.done $0x0  }
0x31: {  	s13 =	rddreg [dreg:$0x10];
	[sflag:s16] =	ssyncadd.s32 $0xFFFFC000  }
0x32: {  	[spmem:s13] =	stream.linear.scatter [tilespmem:s15], [sflag:$0x3], $0x4000, $0x38;
	[tilespmem:$0x1C800] =	vst v63  }
0x33: {  	_ =	swait.ge [sflag:s16], $0x4000  }
0x34: {  	[sflag:s16] =	ssyncset.done $0x0  }
0x35: {  	s14 =	rddreg [dreg:$0x11];
	[sflag:s16] =	ssyncadd.s32 $0xFFFFC000  }
0x36: {  	[spmem:s14] =	stream.linear.scatter [tilespmem:s15], [sflag:$0x3], $0x4000, $0x38;
	[tilespmem:$0x1C800] =	vst v63  }
0x37: {  	_ =	swait.ge [sflag:s16], $0x4000  }
0x38: {  	[sflag:s16] =	ssyncset.done $0x0  }
0x39: {  	s6 =	rddreg [dreg:$0x12];
	[sflag:s16] =	ssyncadd.s32 $0xFFFFC000  }
0x3a: {  	[spmem:s6] =	stream.linear.scatter [tilespmem:s15], [sflag:$0x3], $0x4000, $0x38;
	[tilespmem:$0x1C800] =	vst v63  }
0x3b: {  	_ =	swait.ge [sflag:s16], $0x4000  }
0x3c: {  	[sflag:s16] =	ssyncset.done $0x0  }
0x3d: {  	[sflag:s16] =	ssyncadd.s32 $0xFFFFC000  }
0x3e: {  	[bflag:$0x0] =	sbarrier.arrive $0xFFFF  }
0x3f: {  	s14 =	rddreg [dreg:$0x14]  }
0x40: {  	[tilespmem:s3], [sflag:$0x3] =	stream.linear.gather [hbm4b:s14+s3], $0x400, $0x38;
	[tilespmem:$0x1C800] =	vst v63  }
0x41: {  	_ =	swait.ge [sflag:s16], $0x400  }
0x42: {  	[sflag:s16] =	ssyncset.done $0x0  }
0x43: {  	s13 =	rddreg [dreg:$0x13];
	[sflag:s16] =	ssyncadd.s32 $0xFFFFFC00  }
0x44: {  	[tilespmem:s17], [sflag:$0x3] =	stream.linear.gather [hbm4b:s13+s3], $0x400, $0x38;
	[tilespmem:$0x1C800] =	vst v63  }
0x45: {  	_ =	swait.ge [sflag:s16], $0x400  }
0x46: {  	[sflag:s16] =	ssyncset.done $0x0  }
0x47: {  	[sflag:s16] =	ssyncadd.s32 $0xFFFFFC00  }
0x48: {  	[tilespmem:s15], [sflag:$0x1] =	stream.indirect.gather [hbm4b:s4+s18], $0x80, s3, s18, $0xb8;
	[tilespmem:$0x1C800] =	vst v63  }
0x49: {  	_ = 	snop  }
0x4a: {  	[tilespmem:s19], [sflag:$0x1] =	stream.indirect.gather [hbm4b:s4+s18], $0x80, s18, s18, $0xb8;
	[tilespmem:$0x1C800] =	vst v63  }
0x4b: {  	_ = 	snop  }
0x4c: {  	[tilespmem:s21], [sflag:$0x2] =	stream.indirect.gather [hbm4b:s4+s18], $0x80, s20, s18, $0xb8;
	[tilespmem:$0x1C800] =	vst v63  }
0x4d: {  	s12 =	rddreg [dreg:$0x3]  }
0x4e: {  	[tilespmem:s22], [sflag:$0x2] =	stream.indirect.gather [hbm4b:s4+s18], $0x80, s12, s18, $0xb8;
	[tilespmem:$0x1C800] =	vst v63  }
0x4f: {  	_ =	swait.ge [sflag:s23], $0x2000  }
0x50: {  	[sflag:s23] =	ssyncset.done $0x0  }
0x51: {  	[sflag:s23] =	ssyncadd.s32 $0xFFFFE000  }
0x52: {  	_ =	swait.ge [sflag:s23], $0x2000  }
0x53: {  	[sflag:s23] =	ssyncset.done $0x0  }
0x54: {  	[sflag:s23] =	ssyncadd.s32 $0xFFFFE000  }
0x55: {  	[spmem:s2] =	stream.indirect.scatter.add.f32 [tilespmem:s15], [sflag:$0x3], $0x80, s17, s20, $0xb8;
	[tilespmem:$0x1C800] =	vst v63  }
0x56: {  	_ =	swait.ge [sflag:s16], $0x4000  }
0x57: {  	[sflag:s16] =	ssyncset.done $0x0  }
0x58: {  	s6 =	rddreg [dreg:$0x4];
	[sflag:s16] =	ssyncadd.s32 $0xFFFFC000  }
0x59: {  	[tilespmem:s15], [sflag:$0x1] =	stream.indirect.gather [hbm4b:s4+s18], $0x80, s6, s18, $0xb8;
	[tilespmem:$0x1C800] =	vst v63  }
0x5a: {  	s12 =	rddreg [dreg:$0x5]  }
0x5b: {  	[tilespmem:s19], [sflag:$0x1] =	stream.indirect.gather [hbm4b:s4+s18], $0x80, s12, s18, $0xb8;
	[tilespmem:$0x1C800] =	vst v63  }
0x5c: {  	_ =	swait.ge [sflag:s24], $0x2000  }
0x5d: {  	[sflag:s24] =	ssyncset.done $0x0  }
0x5e: {  	[sflag:s24] =	ssyncadd.s32 $0xFFFFE000  }
0x5f: {  	_ =	swait.ge [sflag:s24], $0x2000  }
0x60: {  	[sflag:s24] =	ssyncset.done $0x0  }
0x61: {  	s6 =	rddreg [dreg:$0x6];
	[sflag:s24] =	ssyncadd.s32 $0xFFFFE000  }
0x62: {  	[spmem:s2] =	stream.indirect.scatter.add.f32 [tilespmem:s21], [sflag:$0x3], $0x80, s6, s20, $0xb8;
	[tilespmem:$0x1C800] =	vst v63  }
0x63: {  	_ =	swait.ge [sflag:s16], $0x4000  }
0x64: {  	[sflag:s16] =	ssyncset.done $0x0  }
0x65: {  	s12 =	rddreg [dreg:$0x7];
	[sflag:s16] =	ssyncadd.s32 $0xFFFFC000  }
0x66: {  	[tilespmem:s21], [sflag:$0x2] =	stream.indirect.gather [hbm4b:s4+s18], $0x80, s12, s18, $0xb8;
	[tilespmem:$0x1C800] =	vst v63  }
0x67: {  	s6 =	rddreg [dreg:$0x8]  }
0x68: {  	[tilespmem:s22], [sflag:$0x2] =	stream.indirect.gather [hbm4b:s4+s18], $0x80, s6, s18, $0xb8;
	[tilespmem:$0x1C800] =	vst v63  }
0x69: {  	_ =	swait.ge [sflag:s23], $0x2000  }
0x6a: {  	[sflag:s23] =	ssyncset.done $0x0  }
0x6b: {  	[sflag:s23] =	ssyncadd.s32 $0xFFFFE000  }
0x6c: {  	_ =	swait.ge [sflag:s23], $0x2000  }
0x6d: {  	[sflag:s23] =	ssyncset.done $0x0  }
0x6e: {  	s12 =	rddreg [dreg:$0x9];
	[sflag:s23] =	ssyncadd.s32 $0xFFFFE000  }
0x6f: {  	[spmem:s2] =	stream.indirect.scatter.add.f32 [tilespmem:s15], [sflag:$0x3], $0x80, s12, s20, $0xb8;
	[tilespmem:$0x1C800] =	vst v63  }
0x70: {  	_ =	swait.ge [sflag:s16], $0x4000  }
0x71: {  	[sflag:s16] =	ssyncset.done $0x0  }
0x72: {  	s6 =	rddreg [dreg:$0xa];
	[sflag:s16] =	ssyncadd.s32 $0xFFFFC000  }
0x73: {  	[tilespmem:s15], [sflag:$0x1] =	stream.indirect.gather [hbm4b:s4+s18], $0x80, s6, s18, $0xb8;
	[tilespmem:$0x1C800] =	vst v63  }
0x74: {  	_ = 	snop  }
0x75: {  	[tilespmem:s19], [sflag:$0x1] =	stream.indirect.gather [hbm4b:s4+s18], $0x80, s25, s18, $0xb8;
	[tilespmem:$0x1C800] =	vst v63  }
0x76: {  	_ =	swait.ge [sflag:s24], $0x2000  }
0x77: {  	[sflag:s24] =	ssyncset.done $0x0  }
0x78: {  	[sflag:s24] =	ssyncadd.s32 $0xFFFFE000  }
0x79: {  	_ =	swait.ge [sflag:s24], $0x2000  }
0x7a: {  	[sflag:s24] =	ssyncset.done $0x0  }
0x7b: {  	[sflag:s24] =	ssyncadd.s32 $0xFFFFE000  }
0x7c: {  	[spmem:s2] =	stream.indirect.scatter.add.f32 [tilespmem:s21], [sflag:$0x3], $0x80, s26, s20, $0xb8;
	[tilespmem:$0x1C800] =	vst v63  }
0x7d: {  	_ =	swait.ge [sflag:s16], $0x4000  }
0x7e: {  	[sflag:s16] =	ssyncset.done $0x0  }
0x7f: {  	[sflag:s16] =	ssyncadd.s32 $0xFFFFC000  }
0x80: {  	[tilespmem:s21], [sflag:$0x2] =	stream.indirect.gather [hbm4b:s4+s18], $0x80, s28, s18, $0xb8;
	[tilespmem:$0x1C800] =	vst v63  }
0x81: {  	_ = 	snop  }
0x82: {  	[tilespmem:s22], [sflag:$0x2] =	stream.indirect.gather [hbm4b:s4+s18], $0x80, s29, s18, $0xb8;
	[tilespmem:$0x1C800] =	vst v63  }
0x83: {  	_ =	swait.ge [sflag:s23], $0x2000  }
0x84: {  	[sflag:s23] =	ssyncset.done $0x0  }
0x85: {  	[sflag:s23] =	ssyncadd.s32 $0xFFFFE000  }
0x86: {  	_ =	swait.ge [sflag:s23], $0x2000  }
0x87: {  	[sflag:s23] =	ssyncset.done $0x0  }
0x88: {  	[sflag:s23] =	ssyncadd.s32 $0xFFFFE000  }
0x89: {  	[spmem:s2] =	stream.indirect.scatter.add.f32 [tilespmem:s15], [sflag:$0x3], $0x80, s30, s20, $0xb8;
	[tilespmem:$0x1C800] =	vst v63  }
0x8a: {  	_ =	swait.ge [sflag:s16], $0x4000  }
0x8b: {  	[sflag:s16] =	ssyncset.done $0x0  }
0x8c: {  	[sflag:s16] =	ssyncadd.s32 $0xFFFFC000  }
0x8d: {  	[tilespmem:s15], [sflag:$0x1] =	stream.indirect.gather [hbm4b:s4+s18], $0x80, s31, s18, $0xb8;
	[tilespmem:$0x1C800] =	vst v63  }
0x8e: {  	_ = 	snop  }
0x8f: {  	[tilespmem:s19], [sflag:$0x1] =	stream.indirect.gather [hbm4b:s4+s18], $0x80, s0, s18, $0xb8;
	[tilespmem:$0x1C800] =	vst v63  }
0x90: {  	_ =	swait.ge [sflag:s24], $0x2000  }
0x91: {  	[sflag:s24] =	ssyncset.done $0x0  }
0x92: {  	[sflag:s24] =	ssyncadd.s32 $0xFFFFE000  }
0x93: {  	_ =	swait.ge [sflag:s24], $0x2000  }
0x94: {  	[sflag:s24] =	ssyncset.done $0x0  }
0x95: {  	[sflag:s24] =	ssyncadd.s32 $0xFFFFE000  }
0x96: {  	[spmem:s2] =	stream.indirect.scatter.add.f32 [tilespmem:s21], [sflag:$0x3], $0x80, s1, s20, $0xb8;
	[tilespmem:$0x1C800] =	vst v63  }
0x97: {  	_ =	swait.ge [sflag:s16], $0x4000  }
0x98: {  	[sflag:s16] =	ssyncset.done $0x0  }
0x99: {  	[sflag:s16] =	ssyncadd.s32 $0xFFFFC000  }
0x9a: {  	[tilespmem:s21], [sflag:$0x2] =	stream.indirect.gather [hbm4b:s4+s18], $0x80, s7, s18, $0xb8;
	[tilespmem:$0x1C800] =	vst v63  }
0x9b: {  	_ = 	snop  }
0x9c: {  	[tilespmem:s22], [sflag:$0x2] =	stream.indirect.gather [hbm4b:s4+s18], $0x80, s8, s18, $0xb8;
	[tilespmem:$0x1C800] =	vst v63  }
0x9d: {  	_ =	swait.ge [sflag:s23], $0x2000  }
0x9e: {  	[sflag:s23] =	ssyncset.done $0x0  }
0x9f: {  	[sflag:s23] =	ssyncadd.s32 $0xFFFFE000  }
0xa0: {  	_ =	swait.ge [sflag:s23], $0x2000  }
0xa1: {  	[sflag:s23] =	ssyncset.done $0x0  }
0xa2: {  	[sflag:s23] =	ssyncadd.s32 $0xFFFFE000  }
0xa3: {  	[spmem:s2] =	stream.indirect.scatter.add.f32 [tilespmem:s15], [sflag:$0x3], $0x80, s9, s20, $0xb8;
	[tilespmem:$0x1C800] =	vst v63  }
0xa4: {  	_ =	swait.ge [sflag:s16], $0x4000  }
0xa5: {  	[sflag:s16] =	ssyncset.done $0x0  }
0xa6: {  	[sflag:s16] =	ssyncadd.s32 $0xFFFFC000  }
0xa7: {  	_ =	swait.ge [sflag:s24], $0x2000  }
0xa8: {  	[sflag:s24] =	ssyncset.done $0x0  }
0xa9: {  	[sflag:s24] =	ssyncadd.s32 $0xFFFFE000  }
0xaa: {  	_ =	swait.ge [sflag:s24], $0x2000  }
0xab: {  	s12 =	rddreg [dreg:$0xb]  }
0xac: {  	p0 =	sne.s32 s12, $0x1  }
.Ltmp1:
0xad: {  	[sflag:s24] =	ssyncset.done $0x0;
	(pc) =	sbr.rel @!p0 .LBB2_5-.Ltmp1, $4  }
0xae: {  	[sflag:s24] =	ssyncadd.s32 $0xFFFFE000  }
0xaf: {  	[spmem:s2] =	stream.indirect.scatter.add.f32 [tilespmem:s21], [sflag:$0x3], $0x80, s10, s20, $0xb8;
	[tilespmem:$0x1C800] =	vst v63  }
0xb0: {  	_ =	swait.ge [sflag:s16], $0x4000  }
0xb1: {  	s12 =	sadd.s32 $0xFFFFFFFF, s12;
	[sflag:s16] =	ssyncset.done $0x0  }
.LBB2_4:
0xb2: {  	[sflag:s16] =	ssyncadd.s32 $0xFFFFC000;
	s14 =	sadd.s32 $0x80, s14  }
0xb3: {  	[tilespmem:s3], [sflag:$0x3] =	stream.linear.gather [hbm4b:s14+s3], $0x400, $0x38;
	[tilespmem:$0x1C800] =	vst v63  }
0xb4: {  	_ =	swait.ge [sflag:s16], $0x400  }
0xb5: {  	[sflag:s16] =	ssyncset.done $0x0  }
0xb6: {  	s13 =	sadd.s32 $0x80, s13;
	[sflag:s16] =	ssyncadd.s32 $0xFFFFFC00  }
0xb7: {  	[tilespmem:s17], [sflag:$0x3] =	stream.linear.gather [hbm4b:s13+s3], $0x400, $0x38;
	[tilespmem:$0x1C800] =	vst v63  }
0xb8: {  	_ =	swait.ge [sflag:s16], $0x400  }
0xb9: {  	[sflag:s16] =	ssyncset.done $0x0  }
0xba: {  	[sflag:s16] =	ssyncadd.s32 $0xFFFFFC00  }
0xbb: {  	[tilespmem:s15], [sflag:$0x1] =	stream.indirect.gather [hbm4b:s4+s18], $0x80, s3, s18, $0xb8;
	[tilespmem:$0x1C800] =	vst v63  }
0xbc: {  	_ = 	snop  }
0xbd: {  	[tilespmem:s19], [sflag:$0x1] =	stream.indirect.gather [hbm4b:s4+s18], $0x80, s18, s18, $0xb8;
	[tilespmem:$0x1C800] =	vst v63  }
0xbe: {  	_ = 	snop  }
0xbf: {  	[tilespmem:s21], [sflag:$0x2] =	stream.indirect.gather [hbm4b:s4+s18], $0x80, s20, s18, $0xb8;
	[tilespmem:$0x1C800] =	vst v63  }
0xc0: {  	s5 =	rddreg [dreg:$0x3]  }
0xc1: {  	[tilespmem:s22], [sflag:$0x2] =	stream.indirect.gather [hbm4b:s4+s18], $0x80, s5, s18, $0xb8;
	[tilespmem:$0x1C800] =	vst v63  }
0xc2: {  	_ =	swait.ge [sflag:s23], $0x2000  }
0xc3: {  	[sflag:s23] =	ssyncset.done $0x0  }
0xc4: {  	[sflag:s23] =	ssyncadd.s32 $0xFFFFE000  }
0xc5: {  	_ =	swait.ge [sflag:s23], $0x2000  }
0xc6: {  	[sflag:s23] =	ssyncset.done $0x0  }
0xc7: {  	[sflag:s23] =	ssyncadd.s32 $0xFFFFE000  }
0xc8: {  	[spmem:s2] =	stream.indirect.scatter.add.f32 [tilespmem:s15], [sflag:$0x3], $0x80, s17, s20, $0xb8;
	[tilespmem:$0x1C800] =	vst v63  }
0xc9: {  	_ =	swait.ge [sflag:s16], $0x4000  }
0xca: {  	[sflag:s16] =	ssyncset.done $0x0  }
0xcb: {  	s5 =	rddreg [dreg:$0x4];
	[sflag:s16] =	ssyncadd.s32 $0xFFFFC000  }
0xcc: {  	[tilespmem:s15], [sflag:$0x1] =	stream.indirect.gather [hbm4b:s4+s18], $0x80, s5, s18, $0xb8;
	[tilespmem:$0x1C800] =	vst v63  }
0xcd: {  	s6 =	rddreg [dreg:$0x5]  }
0xce: {  	[tilespmem:s19], [sflag:$0x1] =	stream.indirect.gather [hbm4b:s4+s18], $0x80, s6, s18, $0xb8;
	[tilespmem:$0x1C800] =	vst v63  }
0xcf: {  	_ =	swait.ge [sflag:s24], $0x2000  }
0xd0: {  	[sflag:s24] =	ssyncset.done $0x0  }
0xd1: {  	[sflag:s24] =	ssyncadd.s32 $0xFFFFE000  }
0xd2: {  	_ =	swait.ge [sflag:s24], $0x2000  }
0xd3: {  	[sflag:s24] =	ssyncset.done $0x0  }
0xd4: {  	s6 =	rddreg [dreg:$0x6];
	[sflag:s24] =	ssyncadd.s32 $0xFFFFE000  }
0xd5: {  	[spmem:s2] =	stream.indirect.scatter.add.f32 [tilespmem:s21], [sflag:$0x3], $0x80, s6, s20, $0xb8;
	[tilespmem:$0x1C800] =	vst v63  }
0xd6: {  	_ =	swait.ge [sflag:s16], $0x4000  }
0xd7: {  	[sflag:s16] =	ssyncset.done $0x0  }
0xd8: {  	s5 =	rddreg [dreg:$0x7];
	[sflag:s16] =	ssyncadd.s32 $0xFFFFC000  }
0xd9: {  	[tilespmem:s21], [sflag:$0x2] =	stream.indirect.gather [hbm4b:s4+s18], $0x80, s5, s18, $0xb8;
	[tilespmem:$0x1C800] =	vst v63  }
0xda: {  	s6 =	rddreg [dreg:$0x8]  }
0xdb: {  	[tilespmem:s22], [sflag:$0x2] =	stream.indirect.gather [hbm4b:s4+s18], $0x80, s6, s18, $0xb8;
	[tilespmem:$0x1C800] =	vst v63  }
0xdc: {  	_ =	swait.ge [sflag:s23], $0x2000  }
0xdd: {  	[sflag:s23] =	ssyncset.done $0x0  }
0xde: {  	[sflag:s23] =	ssyncadd.s32 $0xFFFFE000  }
0xdf: {  	_ =	swait.ge [sflag:s23], $0x2000  }
0xe0: {  	[sflag:s23] =	ssyncset.done $0x0  }
0xe1: {  	s6 =	rddreg [dreg:$0x9];
	[sflag:s23] =	ssyncadd.s32 $0xFFFFE000  }
0xe2: {  	[spmem:s2] =	stream.indirect.scatter.add.f32 [tilespmem:s15], [sflag:$0x3], $0x80, s6, s20, $0xb8;
	[tilespmem:$0x1C800] =	vst v63  }
0xe3: {  	_ =	swait.ge [sflag:s16], $0x4000  }
0xe4: {  	[sflag:s16] =	ssyncset.done $0x0  }
0xe5: {  	s6 =	rddreg [dreg:$0xa];
	[sflag:s16] =	ssyncadd.s32 $0xFFFFC000  }
0xe6: {  	[tilespmem:s15], [sflag:$0x1] =	stream.indirect.gather [hbm4b:s4+s18], $0x80, s6, s18, $0xb8;
	[tilespmem:$0x1C800] =	vst v63  }
0xe7: {  	_ = 	snop  }
0xe8: {  	[tilespmem:s19], [sflag:$0x1] =	stream.indirect.gather [hbm4b:s4+s18], $0x80, s25, s18, $0xb8;
	[tilespmem:$0x1C800] =	vst v63  }
0xe9: {  	_ =	swait.ge [sflag:s24], $0x2000  }
0xea: {  	[sflag:s24] =	ssyncset.done $0x0  }
0xeb: {  	[sflag:s24] =	ssyncadd.s32 $0xFFFFE000  }
0xec: {  	_ =	swait.ge [sflag:s24], $0x2000  }
0xed: {  	[sflag:s24] =	ssyncset.done $0x0  }
0xee: {  	[sflag:s24] =	ssyncadd.s32 $0xFFFFE000  }
0xef: {  	[spmem:s2] =	stream.indirect.scatter.add.f32 [tilespmem:s21], [sflag:$0x3], $0x80, s26, s20, $0xb8;
	[tilespmem:$0x1C800] =	vst v63  }
0xf0: {  	_ =	swait.ge [sflag:s16], $0x4000  }
0xf1: {  	[sflag:s16] =	ssyncset.done $0x0  }
0xf2: {  	[sflag:s16] =	ssyncadd.s32 $0xFFFFC000  }
0xf3: {  	[tilespmem:s21], [sflag:$0x2] =	stream.indirect.gather [hbm4b:s4+s18], $0x80, s28, s18, $0xb8;
	[tilespmem:$0x1C800] =	vst v63  }
0xf4: {  	_ = 	snop  }
0xf5: {  	[tilespmem:s22], [sflag:$0x2] =	stream.indirect.gather [hbm4b:s4+s18], $0x80, s29, s18, $0xb8;
	[tilespmem:$0x1C800] =	vst v63  }
0xf6: {  	_ =	swait.ge [sflag:s23], $0x2000  }
0xf7: {  	[sflag:s23] =	ssyncset.done $0x0  }
0xf8: {  	[sflag:s23] =	ssyncadd.s32 $0xFFFFE000  }
0xf9: {  	_ =	swait.ge [sflag:s23], $0x2000  }
0xfa: {  	[sflag:s23] =	ssyncset.done $0x0  }
0xfb: {  	[sflag:s23] =	ssyncadd.s32 $0xFFFFE000  }
0xfc: {  	[spmem:s2] =	stream.indirect.scatter.add.f32 [tilespmem:s15], [sflag:$0x3], $0x80, s30, s20, $0xb8;
	[tilespmem:$0x1C800] =	vst v63  }
0xfd: {  	_ =	swait.ge [sflag:s16], $0x4000  }
0xfe: {  	[sflag:s16] =	ssyncset.done $0x0  }
0xff: {  	[sflag:s16] =	ssyncadd.s32 $0xFFFFC000  }
0x100: {  	[tilespmem:s15], [sflag:$0x1] =	stream.indirect.gather [hbm4b:s4+s18], $0x80, s31, s18, $0xb8;
	[tilespmem:$0x1C800] =	vst v63  }
0x101: {  	_ = 	snop  }
0x102: {  	[tilespmem:s19], [sflag:$0x1] =	stream.indirect.gather [hbm4b:s4+s18], $0x80, s0, s18, $0xb8;
	[tilespmem:$0x1C800] =	vst v63  }
0x103: {  	_ =	swait.ge [sflag:s24], $0x2000  }
0x104: {  	[sflag:s24] =	ssyncset.done $0x0  }
0x105: {  	[sflag:s24] =	ssyncadd.s32 $0xFFFFE000  }
0x106: {  	_ =	swait.ge [sflag:s24], $0x2000  }
0x107: {  	[sflag:s24] =	ssyncset.done $0x0  }
0x108: {  	[sflag:s24] =	ssyncadd.s32 $0xFFFFE000  }
0x109: {  	[spmem:s2] =	stream.indirect.scatter.add.f32 [tilespmem:s21], [sflag:$0x3], $0x80, s1, s20, $0xb8;
	[tilespmem:$0x1C800] =	vst v63  }
0x10a: {  	_ =	swait.ge [sflag:s16], $0x4000  }
0x10b: {  	[sflag:s16] =	ssyncset.done $0x0  }
0x10c: {  	[sflag:s16] =	ssyncadd.s32 $0xFFFFC000  }
0x10d: {  	[tilespmem:s21], [sflag:$0x2] =	stream.indirect.gather [hbm4b:s4+s18], $0x80, s7, s18, $0xb8;
	[tilespmem:$0x1C800] =	vst v63  }
0x10e: {  	_ = 	snop  }
0x10f: {  	[tilespmem:s22], [sflag:$0x2] =	stream.indirect.gather [hbm4b:s4+s18], $0x80, s8, s18, $0xb8;
	[tilespmem:$0x1C800] =	vst v63  }
0x110: {  	_ =	swait.ge [sflag:s23], $0x2000  }
0x111: {  	[sflag:s23] =	ssyncset.done $0x0  }
0x112: {  	[sflag:s23] =	ssyncadd.s32 $0xFFFFE000  }
0x113: {  	_ =	swait.ge [sflag:s23], $0x2000  }
0x114: {  	[sflag:s23] =	ssyncset.done $0x0  }
0x115: {  	[sflag:s23] =	ssyncadd.s32 $0xFFFFE000  }
0x116: {  	[spmem:s2] =	stream.indirect.scatter.add.f32 [tilespmem:s15], [sflag:$0x3], $0x80, s9, s20, $0xb8;
	[tilespmem:$0x1C800] =	vst v63  }
0x117: {  	_ =	swait.ge [sflag:s16], $0x4000  }
0x118: {  	[sflag:s16] =	ssyncset.done $0x0  }
0x119: {  	[sflag:s16] =	ssyncadd.s32 $0xFFFFC000  }
0x11a: {  	_ =	swait.ge [sflag:s24], $0x2000  }
0x11b: {  	[sflag:s24] =	ssyncset.done $0x0  }
0x11c: {  	[sflag:s24] =	ssyncadd.s32 $0xFFFFE000  }
0x11d: {  	p0 =	sne.s32 s12, $0x1;
	_ =	swait.ge [sflag:s24], $0x2000  }
.Ltmp2:
0x11e: {  	[sflag:s24] =	ssyncset.done $0x0;
	(pc) =	sbr.rel @p0 .LBB2_4-.Ltmp2, $4  }
0x11f: {  	[sflag:s24] =	ssyncadd.s32 $0xFFFFE000  }
0x120: {  	[spmem:s2] =	stream.indirect.scatter.add.f32 [tilespmem:s21], [sflag:$0x3], $0x80, s10, s20, $0xb8;
	[tilespmem:$0x1C800] =	vst v63  }
0x121: {  	_ =	swait.ge [sflag:s16], $0x4000  }
0x122: {  	s12 =	sadd.s32 $0xFFFFFFFF, s12;
	[sflag:s16] =	ssyncset.done $0x0  }
.LBB2_5:
0x123: {  	[sflag:s16] =	ssyncadd.s32 $0xFFFFC000  }
0x124: {  	s5 =	stileid.u32;
	[bflag:$0x0] =	sbarrier.arrive $0xFFFF  }
0x125: {  	s5 =	sshll.u32 s5, $0x6;
	s6 =	rddreg [dreg:$0xc]  }
0x126: {  	s5 =	sor.u32 $0x1C03, s5;
	s12 =	rddreg [dreg:$0xd];
	s6 =	sshrl.u32 s6, $0x3  }
0x127: {  	[hbm:s12], [sflag:s5] =	dma.local [spmem:s6], $0x2800  }
0x128: {  	_ =	swait.ge [sflag:s16], $0x2800  }
0x129: {  	s11 =	sadd.s32 $0x1, s11;
	s14 =	rddreg [dreg:$0xe]  }
0x12a: {  	p0 =	sne.s32 s11, s14  }
.Ltmp3:
0x12b: {  	_ = 	snop;
	(pc) =	sbr.rel @p0 .LBB2_1-.Ltmp3, $3  }
0x12c: {  	_ =	sdelay $0x1  }
0x12d: {  	[sflag:s16] =	ssyncset.done $0x0  }
0x12e: {  	[sflag:s16] =	ssyncadd.s32 $0xFFFFD800  }
0x12f: {  	_ =	sfence.sel $0x180000  }
0x130: {  	[bflag:$0x0] =	sbarrier.arrive $0xFFFF  }
0x131: {  	_ =	strace $0x9000004A  }
0x132: {  	s0 =	stileid.u32;
	[bflag:$0x2] =	sbarrier.arrive $0xFFFF  }
0x133: {  	p0 =	sne.s32 s0, $0x0;
	s0 =	rddreg [dreg:$0x2]  }
0x134: {  	s0 =	sadd.s32 @!p0 $0x100000, s0  }
0x135: {  	[sflag:s0] =	ssyncadd.tile.s32 @!p0 $0x1;
	_ =	shalt  }
.Lfunc_end2:
_tile_overlayer_lowered:
.L_overlay_start_2:
0x136: {  	(tag) =	ssettag $0x2  }
0x137: {  	s0 =	rddreg [dreg:$0x0];
	s2 =	stileid.u32  }
0x138: {  	s1 =	rddreg [dreg:$0x1];
	p0 =	sne.s32 s2, $0x0  }
0x139: {  	s3 =	rddreg [dreg:$0x2];
	[bflag:$0x3] =	sbarrier.arrive $0xFFFF;
	s2 =	simm.s32 @!p0 $0x1C03  }
0x13a: {  	[timem:s3], [sflag:s2] =	dma.local @!p0 [hbm:s0], s1  }
0x13b: {  	s0 =	simm.s32 @!p0 $0x3  }
0x13c: {  	_ =	swait.ge @!p0 [sflag:s0], s1  }
0x13d: {  	s1 =	ssub.s32 @!p0 $0x0, s1;
	[sflag:s0] =	ssyncset.done @!p0 $0x0  }
0x13e: {  	[sflag:s0] =	ssyncadd.s32 @!p0 s1  }
0x13f: {  	[bflag:$0x3] =	sbarrier.arrive $0xFFFF  }
0x140: {  	_ =	shalt  }

// kernel: kernel.14.cloned.1.call-start
scs
__scs_entry_jumppad:
0x0: {  	(pc) =	sbr.rel $0x88, $3  }
0x1: {  	(tag) =	ssettag $0x0;
	lr =	simm.s32 $0x1  }
0x2: {  	[smem:$0x3F8F] =	sst lr;
	_ =	strace $0xD0000000  }
0x3: {  	_ = 	snop  }
0x4: {  	_ = 	snop  }
0x5: {  	_ = 	snop  }
0x6: {  	_ = 	snop  }
0x7: {  	_ = 	snop  }
__scs_overlays_trampoline_lowered:
0x8: {  	[smem:$0x3F9E] =	sst s0  }
0x9: {  	[smem:$0x3F9F] =	sst s1  }
0xa: {  	[smem:$0x3FA0] =	sst s2  }
0xb: {  	[smem:$0x3FA1] =	sst s3  }
0xc: {  	[smem:$0x3FA2] =	sst s4  }
0xd: {  	[smem:$0x3FA3] =	sst s5  }
0xe: {  	[smem:$0x3FA4] =	sst s6  }
0xf: {  	[smem:$0x3FA5] =	sst s7  }
0x10: {  	[smem:$0x3FA6] =	sst s8  }
0x11: {  	[smem:$0x3FA7] =	sst s9;
	s0 =	simm.s32 @!p0 $0x0  }
0x12: {  	s1 =	sld [smem:$0x3F8D];
	s0 =	simm.s32 @p0 $0x1  }
0x13: {  	[smem:$0x3FA8] =	sst s0;
	s0 =	simm.s32 @!p1 $0x0  }
0x14: {  	s2 =	sld [smem:$0x3F8C];
	s0 =	simm.s32 @p1 $0x1  }
0x15: {  	[smem:$0x3FA9] =	sst s0;
	s0 =	simm.s32 @!p2 $0x0  }
0x16: {  	s3 =	sld [smem:$0x3FDB];
	s0 =	simm.s32 @p2 $0x1  }
0x17: {  	s4 =	simm.s32 $0x1BF5;
	[smem:$0x3FAB] =	sst s0  }
0x18: {  	s0 =	sld [smem:$0x3F8E];
	_ =	swait.ge [sflag:s4], $0x0  }
0x19: {  	s7 =	sld [smem:$0x3F8F]  }
0x1a: {  	s8 =	sadd.s32 $0xFFFFE003, lr  }
0x1b: {  	s9 =	sadd.s32 $0xFFFFFEF7, lr;
	s5 =	simm.s32 $0xFFFFFFFF;
	p2 =	slt.u32 s8, $0xFFFFF086  }
0x1c: {  	p1 =	slt.u32 s9, $0xF7A;
	s5 =	simm.s32 @!p2 $0x0  }
0x1d: {  	s5 =	simm.s32 @p1 $0x1;
	p0 =	seq.s32 s7, s2  }
0x1e: {  	s7 =	smul.u32 @!p0 $0xF7A, s2;
	p2 =	seq.s32 @!p0 s5, $0x0  }
0x1f: {  	s9 =	smul.u32 $0xF7A, s1;
	s8 =	simm.s32 @!p0 $0x1BF5;
	p2 =	por !p2, p0  }
0x20: {  	[sflag:s8] =	ssyncset.s32 @!p0 $0xFFFFF086;
	s6 =	sadd.s32 @!p0 s3, s7;
	s7 =	simm.s32 @!p0 $0x108  }
0x21: {  	s3 =	sadd.s32 s3, s9;
	s6 =	sadd.s32 @!p0 $0x88, s6;
	s7 =	simm.s32 @p2 $0x1082  }
0x22: {  	[simem:s7], [sflag:s8] =	dma.local @!p0 [hbm:s6], $0xF7A  }
0x23: {  	s9 =	sor.u32 $0xD0000000, s2;
	s6 =	simm.s32 $0x108;
	_ =	swait.ge @!p0 [sflag:s8], $0x0  }
0x24: {  	s3 =	sadd.s32 $0x88, s3;
	s6 =	simm.s32 @!p1 $0x1082;
	[sflag:s4] =	ssyncset.s32 $0xFFFFF086  }
0x25: {  	[simem:s6], [sflag:s4] =	dma.local [hbm:s3], $0xF7A  }
0x26: {  	[smem:$0x3F8F] =	sst s1;
	(tag) =	ssettag s2;
	_ =	strace s9  }
0x27: {  	s1 =	sld [smem:$0x3F9F]  }
0x28: {  	s2 =	sld [smem:$0x3FA0]  }
0x29: {  	s4 =	sld [smem:$0x3FA2]  }
0x2a: {  	p0 =	seq.s32 s5, $0x0;
	s5 =	sld [smem:$0x3FA3]  }
0x2b: {  	s6 =	sld [smem:$0x3FA4]  }
0x2c: {  	s7 =	sld [smem:$0x3FA5]  }
0x2d: {  	s3 =	simm.s32 $0x108;
	s8 =	sld [smem:$0x3FA6]  }
0x2e: {  	s3 =	simm.s32 @!p0 $0x1082;
	s9 =	sld [smem:$0x3FA7]  }
0x2f: {  	lr =	sadd.s32 s0, s3;
	s0 =	sld [smem:$0x3F9E]  }
0x30: {  	s3 =	sld [smem:$0x3FA1]  }
0x31: {  	[smem:$0x3FAA] =	sst s10  }
0x32: {  	s10 =	sld [smem:$0x3FA8];
	_ =	sdelay $0x3  }
0x33: {  	p0 =	seq.s32 s10, $0x1;
	s10 =	sld [smem:$0x3FAA];
	_ =	sdelay $0x3  }
0x34: {  	[smem:$0x3FAA] =	sst s10  }
0x35: {  	s10 =	sld [smem:$0x3FA9];
	_ =	sdelay $0x3  }
0x36: {  	p1 =	seq.s32 s10, $0x1;
	s10 =	sld [smem:$0x3FAA];
	_ =	sdelay $0x3  }
0x37: {  	[smem:$0x3FAA] =	sst s10  }
0x38: {  	s10 =	sld [smem:$0x3FAB]  }
0x39: {  	_ = 	snop;
	(pc) =	sbr.ind lr, $3  }
0x3a: {  	_ = 	snop  }
0x3b: {  	_ = 	snop  }
0x3c: {  	p2 =	seq.s32 s10, $0x1;
	s10 =	sld [smem:$0x3FAA]  }
0x3d: {  	_ =	shalt  }
0x3e: {  	_ =	shalt  }
0x3f: {  	_ =	shalt  }
0x40: {  	_ =	shalt  }
0x41: {  	_ =	shalt  }
0x42: {  	_ =	shalt  }
0x43: {  	_ =	shalt  }
0x44: {  	_ =	shalt  }
0x45: {  	_ =	shalt  }
0x46: {  	_ =	shalt  }
0x47: {  	_ =	shalt  }
0x48: {  	_ =	shalt  }
0x49: {  	_ =	shalt  }
0x4a: {  	_ =	shalt  }
0x4b: {  	_ =	shalt  }
0x4c: {  	_ =	shalt  }
0x4d: {  	_ =	shalt  }
0x4e: {  	_ =	shalt  }
0x4f: {  	_ =	shalt  }
0x50: {  	_ =	shalt  }
0x51: {  	_ =	shalt  }
0x52: {  	_ =	shalt  }
0x53: {  	_ =	shalt  }
0x54: {  	_ =	shalt  }
0x55: {  	_ =	shalt  }
0x56: {  	_ =	shalt  }
0x57: {  	_ =	shalt  }
0x58: {  	_ =	shalt  }
0x59: {  	_ =	shalt  }
0x5a: {  	_ =	shalt  }
0x5b: {  	_ =	shalt  }
0x5c: {  	_ =	shalt  }
0x5d: {  	_ =	shalt  }
0x5e: {  	_ =	shalt  }
0x5f: {  	_ =	shalt  }
0x60: {  	_ =	shalt  }
0x61: {  	_ =	shalt  }
0x62: {  	_ =	shalt  }
0x63: {  	_ =	shalt  }
0x64: {  	_ =	shalt  }
0x65: {  	_ =	shalt  }
0x66: {  	_ =	shalt  }
0x67: {  	_ =	shalt  }
0x68: {  	_ =	shalt  }
0x69: {  	_ =	shalt  }
0x6a: {  	_ =	shalt  }
0x6b: {  	_ =	shalt  }
0x6c: {  	_ =	shalt  }
0x6d: {  	_ =	shalt  }
0x6e: {  	_ =	shalt  }
0x6f: {  	_ =	shalt  }
0x70: {  	_ =	shalt  }
0x71: {  	_ =	shalt  }
0x72: {  	_ =	shalt  }
0x73: {  	_ =	shalt  }
0x74: {  	_ =	shalt  }
0x75: {  	_ =	shalt  }
0x76: {  	_ =	shalt  }
0x77: {  	_ =	shalt  }
0x78: {  	_ =	shalt  }
0x79: {  	_ =	shalt  }
0x7a: {  	_ =	shalt  }
0x7b: {  	_ =	shalt  }
0x7c: {  	_ =	shalt  }
0x7d: {  	_ =	shalt  }
0x7e: {  	_ =	shalt  }
0x7f: {  	_ =	shalt  }
0x80: {  	_ =	shalt  }
0x81: {  	_ =	shalt  }
0x82: {  	_ =	shalt  }
0x83: {  	_ =	shalt  }
0x84: {  	_ =	shalt  }
0x85: {  	_ =	shalt  }
0x86: {  	_ =	shalt  }
0x87: {  	_ =	shalt  }
.Lfunc_end0:
.L_simem_size_0:
called_computation.2_lowered:
.L_overlay_start_0:
0x88: {  	s2 =	sld [smem:$0x3FD9]  }
0x89: {  	s3 =	sld [smem:$0x3FFE];
	_ =	sdelay $0x1  }
0x8a: {  	s1 =	srdreg.scid  }
0x8b: {  	s0 =	sand.u32 $0x1, s1  }
0x8c: {  	s16 =	sshll.u32 s0, $0xA;
	s2 =	sadd.s32 s3, s2  }
0x8d: {  	s2 =	sadd.s32 s2, s16  }
0x8e: {  	[smem:$0x3FB6] =	sst s2  }
0x8f: {  	_ = 	snop  }
0x90: {  	(tm) =	ssettm $0x1  }
0x91: {  	s17 =	sld [smem:$0x3FFB];
	_ =	sdelay $0x3  }
0x92: {  	_ =	strace s17  }
0x93: {  	s2 =	sld [smem:$0x3FFC];
	_ =	sdelay $0x3  }
0x94: {  	_ =	strace s2  }
0x95: {  	s2 =	sld [smem:$0x3FFD];
	_ =	sdelay $0x3  }
0x96: {  	_ =	strace s2  }
0x97: {  	_ =	strace $0x8FFFFFFF  }
0x98: {  	s18 =	sld [smem:$0x3FDB];
	_ =	sdelay $0x1  }
0x99: {  	s19 =	simm.s32 $_scs_section_size  }
0x9a: {  	s4 =	simm.s32 $_size__tile_overlayer_lowered;
	s5 =	simm.s32 $_tile_overlayer_lowered  }
0x9b: {  	s22 =	simm.s32 $0x1BFF;
	s21 =	sshll.u32 s5, $0x1;
	s2 =	sadd.s32 s19, s18  }
0x9c: {  	s6 =	simm.s32 $0x0;
	s20 =	sshll.u32 s4, $0x1;
	s4 =	sadd.s32 s21, s2  }
0x9d: {  	[timem:s6], [sflag:s22] =	dma.local [hbm:s4], s20  }
0x9e: {  	_ =	swait.ge [sflag:s22], s20  }
0x9f: {  	s3 =	ssub.s32 $0x0, s20;
	[sflag:s22] =	ssyncset.done $0x0  }
0xa0: {  	[sflag:s22] =	ssyncadd.s32 s3;
	_ =	sdelay $0x1  }
0xa1: {  	s23 =	simm.s32 $0x1B8B  }
0xa2: {  	_ =	swait.ge [sflag:s23], $0x1  }
0xa3: {  	[sflag:s23] =	ssyncset.done $0x0  }
0xa4: {  	s25 =	simm.s32 $0x1B8E;
	s24 =	sld [smem:$0x3FFE];
	[sflag:s23] =	ssyncadd.s32 $0xFFFFFFFF  }
0xa5: {  	s26 =	simm.s32 $execute0_lowered;
	[smem:$0x3FD2] =	sst s25  }
0xa6: {  	s4 =	sshll.u32 s26, $0x1;
	_ =	strace $0x8000004C;
	[dreg:$0x1] =	wrdreg $0xFFFFFFFF  }
0xa7: {  	s28 =	simm.s32 $_size_execute0_lowered;
	s2 =	sadd.s32 s2, s4;
	[dreg:$0x0] =	wrdreg $0x0  }
0xa8: {  	s4 =	sshll.u32 s28, $0x1;
	[dreg:$0x2] =	wrdreg s2  }
0xa9: {  	[dreg:$0x3] =	wrdreg s4  }
0xaa: {  	[dreg:$0x4] =	wrdreg $0xC0  }
0xab: {  	_ =	task [dreg:s6], $0x5FFFF  }
0xac: {  	[dreg:$0x1] =	wrdreg $0xFFFFFFFF  }
0xad: {  	[dreg:$0x0] =	wrdreg $0x60  }
0xae: {  	[dreg:$0x2] =	wrdreg s24  }
0xaf: {  	[dreg:$0x3] =	wrdreg $0x88000  }
0xb0: {  	[dreg:$0x4] =	wrdreg $0x9  }
0xb1: {  	_ =	task.clear_ibuf [dreg:s6], $0x5FFFF;
	_ =	strace $0x9000004C  }
0xb2: {  	s29 =	simm.s32 $0x9;
	_ =	strace $0x8000004E  }
0xb3: {  	_ =	swait.ge [sflag:s29], $0x1  }
0xb4: {  	[sflag:s29] =	ssyncadd.s32 $0xFFFFFFFF  }
0xb5: {  	_ =	strace $0x9000004E  }
0xb6: {  	_ =	sfence  }
0xb7: {  	s30 =	sld [smem:$0x0];
	_ =	sdelay $0x2  }
0xb8: {  	s31 =	sshll.u32 s1, $0xD;
	s1 =	sshrl.u32 s1, $0x2  }
0xb9: {  	s3 =	sand.u32 $0x4000, s31;
	s1 =	sadd.s32 s1, s30  }
0xba: {  	s0 =	sor.u32 s3, s0;
	s1 =	sshll.u32 s1, $0x11  }
0xbb: {  	s0 =	sor.u32 s1, s0  }
0xbc: {  	s0 =	sadd.s32 $0x8F2B, s0  }
0xbd: {  	[sflag:s0] =	ssyncadd.remote.s32 $0x1  }
0xbe: {  	_ =	sfence.sel $0xFFFF  }
0xbf: {  	[dreg:$0x0] =	wrdreg $0xFFFFFFFF;
	(pc) =	sbr.abs _section_cstart, $3  }
0xc0: {  	[dreg:$0x1] =	wrdreg $0xFFFFFFFF  }
0xc1: {  	_ =	task.clear_ibuf [dreg:s6], $0x2FFFF;
	_ =	strace $0x9FFFFFFF  }
0xc2: {  	(tm) =	ssettm $0x7FFFFFFF  }
0xc3: {  	_ =	shalt  }
tec
execute0_lowered:
.L_overlay_start_1:
0x0: {  	(tag) =	ssettag $0x1  }
0x1: {  	s0 =	rddreg [dreg:$0x0]  }
0x2: {  	s2 =	rddreg [dreg:$0x1]  }
0x3: {  	s8 =	stileid.u32;
	s3 =	simm.s32 $0x0;
	s1 =	srdreg.scid  }
0x4: {  	s19 =	simm.s32 $0xC0;
	s20 =	simm.s32 $0x100;
	s21 =	simm.s32 $0x140  }
0x5: {  	s22 =	simm.s32 $0x480;
	s23 =	simm.s32 $0x180;
	s24 =	simm.s32 $0x1C0  }
0x6: {  	s25 =	simm.s32 $0x500;
	s28 =	simm.s32 $0x280;
	s29 =	simm.s32 $0x2C0  }
0x7: {  	s30 =	simm.s32 $0x600;
	s31 =	simm.s32 $0x300;
	s4 =	smul.u32 $0x28, s8  }
0x8: {  	[smem:$0x7FF] =	sst s3;
	s1 =	sand.u32 $0x1, s1;
	s5 =	smul.u32 $0x78, s8  }
0x9: {  	s26 =	smul.u32 $0x14000, s8;
	_ =	strace $0x8000004D;
	[dreg:$0x3] =	wrdreg s19  }
0xa: {  	s9 =	smul.u32 $0x50000, s8;
	s8 =	simm.s32 $0xF;
	[dreg:$0x4] =	wrdreg s20  }
0xb: {  	p0 =	seq.s32 s1, $0x0;
	s6 =	smul.u32 $0x140000, s1;
	[dreg:$0x5] =	wrdreg s21  }
0xc: {  	s1 =	ssub.s32 $0x2, s1;
	s19 =	simm.s32 $0x2800;
	[dreg:$0x6] =	wrdreg s22  }
0xd: {  	s20 =	simm.s32 $0x80;
	s21 =	simm.s32 $0x4800;
	[dreg:$0x7] =	wrdreg s23  }
0xe: {  	s22 =	simm.s32 $0x6800;
	[dreg:$0x8] =	wrdreg s24;
	s23 =	simm.s32 $0x1  }
0xf: {  	[dreg:$0x9] =	wrdreg s25;
	s24 =	simm.s32 $0x2;
	s25 =	simm.s32 $0x240  }
0x10: {  	s4 =	sadd.s32 $0x780, s4;
	s10 =	sshrl.u32 s1, $0x1;
	s8 =	simm.s32 @!p0 $0x5  }
0x11: {  	s11 =	sshrl.u32 s9, $0x2;
	s4 =	smov.u32 @p0 s5;
	s5 =	sadd.s32 s26, s6  }
0x12: {  	s1 =	ssub.s32 s1, s10;
	[dreg:$0xb] =	wrdreg s8;
	s26 =	simm.s32 $0x200  }
0x13: {  	s7 =	sshll.u32 s4, $0x4;
	s4 =	sadd.s32 $0x17C00, s0;
	s5 =	sshrl.u32 s5, $0x3  }
0x14: {  	s12 =	smax.u32 s1, $0x1;
	[dreg:$0xa] =	wrdreg s26;
	s7 =	sadd.s32 s7, s0  }
0x15: {  	s0 =	sadd.s32 s5, s0;
	s5 =	sadd.s32 s11, s2;
	[dreg:$0xe] =	wrdreg s12  }
0x16: {  	s9 =	simm.s32 $0x700;
	s0 =	sadd.s32 $0x3EE00, s0;
	[dreg:$0xc] =	wrdreg s5  }
0x17: {  	s8 =	simm.s32 $0x3C0;
	s13 =	sadd.s32 $0x4000, s5;
	[dreg:$0xd] =	wrdreg s0  }
0x18: {  	s10 =	simm.s32 $0x780;
	s14 =	sadd.s32 $0x8000, s5;
	[dreg:$0xf] =	wrdreg s13  }
0x19: {  	s26 =	simm.s32 $0x580;
	s15 =	sadd.s32 $0xC000, s5;
	[dreg:$0x10] =	wrdreg s14  }
0x1a: {  	s1 =	simm.s32 $0x680;
	s16 =	sadd.s32 $0x10000, s5;
	[dreg:$0x11] =	wrdreg s15  }
0x1b: {  	s11 =	simm.s32 $0x0;
	s17 =	sadd.s32 $0xDC00, s7;
	[dreg:$0x12] =	wrdreg s16  }
0x1c: {  	s18 =	sadd.s32 $0x3C00, s7;
	s7 =	simm.s32 $0x380;
	[dreg:$0x13] =	wrdreg s17  }
0x1d: {  	[dreg:$0x14] =	wrdreg s18;
	s15 =	simm.s32 $0x800;
	s16 =	simm.s32 $0x3  }
0x1e: {  	v0 =	vimm.f32 $0.0e+00;
	s17 =	simm.s32 $0x400;
	s18 =	simm.s32 $0x40;
	s0 =	simm.s32 $0x340  }
.LBB2_1:
0x1f: {  	s12 =	sand.u32 $0xFE00, s3  }
0x20: {  	s13 =	sand.u32 $0x70, s3;
	s14 =	sshrl.u32 s12, $0x2  }
0x21: {  	s12 =	simm.s32 $0x40;
	s14 =	sor.u32 s13, s14;
	s13 =	simm.s32 $0x0  }
.LBB2_2:
0x22: {  	p0 =	sne.s32 s12, $0xFFC0  }
0x23: {  	[tilespmem:s14+$0x800] =	vst v0;
	s13 =	sadd.s32 $0x10, s13;
	s14 =	smov.u32 s12;
	s12 =	sadd.s32 $0x40, s12  }
.Ltmp0:
0x24: {  	(pc) =	sbr.rel @p0 .LBB2_2-.Ltmp0, $4  }
0x25: {  	_ = 	snop  }
0x26: {  	s14 =	sand.u32 $0xFE00, s14  }
0x27: {  	s5 =	sand.u32 $0x70, s13;
	s14 =	sshrl.u32 s14, $0x2  }
0x28: {  	s14 =	sor.u32 s5, s14  }
0x29: {  	[tilespmem:s14+$0x800] =	vst v0;
	s5 =	rddreg [dreg:$0xc]  }
0x2a: {  	[spmem:s5] =	stream.linear.scatter [tilespmem:s15], [sflag:$0x3], $0x4000, $0x38;
	[tilespmem:$0x1C800] =	vst v63  }
0x2b: {  	_ =	swait.ge [sflag:s16], $0x4000  }
0x2c: {  	[sflag:s16] =	ssyncset.done $0x0  }
0x2d: {  	s12 =	rddreg [dreg:$0xf];
	[sflag:s16] =	ssyncadd.s32 $0xFFFFC000  }
0x2e: {  	[spmem:s12] =	stream.linear.scatter [tilespmem:s15], [sflag:$0x3], $0x4000, $0x38;
	[tilespmem:$0x1C800] =	vst v63  }
0x2f: {  	_ =	swait.ge [sflag:s16], $0x4000  }
0x30: {  	[sflag:s16] =	ssyncset.done $0x0  }
0x31: {  	s13 =	rddreg [dreg:$0x10];
	[sflag:s16] =	ssyncadd.s32 $0xFFFFC000  }
0x32: {  	[spmem:s13] =	stream.linear.scatter [tilespmem:s15], [sflag:$0x3], $0x4000, $0x38;
	[tilespmem:$0x1C800] =	vst v63  }
0x33: {  	_ =	swait.ge [sflag:s16], $0x4000  }
0x34: {  	[sflag:s16] =	ssyncset.done $0x0  }
0x35: {  	s14 =	rddreg [dreg:$0x11];
	[sflag:s16] =	ssyncadd.s32 $0xFFFFC000  }
0x36: {  	[spmem:s14] =	stream.linear.scatter [tilespmem:s15], [sflag:$0x3], $0x4000, $0x38;
	[tilespmem:$0x1C800] =	vst v63  }
0x37: {  	_ =	swait.ge [sflag:s16], $0x4000  }
0x38: {  	[sflag:s16] =	ssyncset.done $0x0  }
0x39: {  	s6 =	rddreg [dreg:$0x12];
	[sflag:s16] =	ssyncadd.s32 $0xFFFFC000  }
0x3a: {  	[spmem:s6] =	stream.linear.scatter [tilespmem:s15], [sflag:$0x3], $0x4000, $0x38;
	[tilespmem:$0x1C800] =	vst v63  }
0x3b: {  	_ =	swait.ge [sflag:s16], $0x4000  }
0x3c: {  	[sflag:s16] =	ssyncset.done $0x0  }
0x3d: {  	[sflag:s16] =	ssyncadd.s32 $0xFFFFC000  }
0x3e: {  	[bflag:$0x0] =	sbarrier.arrive $0xFFFF  }
0x3f: {  	s14 =	rddreg [dreg:$0x14]  }
0x40: {  	[tilespmem:s3], [sflag:$0x3] =	stream.linear.gather [hbm4b:s14+s3], $0x400, $0x38;
	[tilespmem:$0x1C800] =	vst v63  }
0x41: {  	_ =	swait.ge [sflag:s16], $0x400  }
0x42: {  	[sflag:s16] =	ssyncset.done $0x0  }
0x43: {  	s13 =	rddreg [dreg:$0x13];
	[sflag:s16] =	ssyncadd.s32 $0xFFFFFC00  }
0x44: {  	[tilespmem:s17], [sflag:$0x3] =	stream.linear.gather [hbm4b:s13+s3], $0x400, $0x38;
	[tilespmem:$0x1C800] =	vst v63  }
0x45: {  	_ =	swait.ge [sflag:s16], $0x400  }
0x46: {  	[sflag:s16] =	ssyncset.done $0x0  }
0x47: {  	[sflag:s16] =	ssyncadd.s32 $0xFFFFFC00  }
0x48: {  	[tilespmem:s15], [sflag:$0x1] =	stream.indirect.gather [hbm4b:s4+s18], $0x80, s3, s18, $0xb8;
	[tilespmem:$0x1C800] =	vst v63  }
0x49: {  	_ = 	snop  }
0x4a: {  	[tilespmem:s19], [sflag:$0x1] =	stream.indirect.gather [hbm4b:s4+s18], $0x80, s18, s18, $0xb8;
	[tilespmem:$0x1C800] =	vst v63  }
0x4b: {  	_ = 	snop  }
0x4c: {  	[tilespmem:s21], [sflag:$0x2] =	stream.indirect.gather [hbm4b:s4+s18], $0x80, s20, s18, $0xb8;
	[tilespmem:$0x1C800] =	vst v63  }
0x4d: {  	s12 =	rddreg [dreg:$0x3]  }
0x4e: {  	[tilespmem:s22], [sflag:$0x2] =	stream.indirect.gather [hbm4b:s4+s18], $0x80, s12, s18, $0xb8;
	[tilespmem:$0x1C800] =	vst v63  }
0x4f: {  	_ =	swait.ge [sflag:s23], $0x2000  }
0x50: {  	[sflag:s23] =	ssyncset.done $0x0  }
0x51: {  	[sflag:s23] =	ssyncadd.s32 $0xFFFFE000  }
0x52: {  	_ =	swait.ge [sflag:s23], $0x2000  }
0x53: {  	[sflag:s23] =	ssyncset.done $0x0  }
0x54: {  	[sflag:s23] =	ssyncadd.s32 $0xFFFFE000  }
0x55: {  	[spmem:s2] =	stream.indirect.scatter.add.f32 [tilespmem:s15], [sflag:$0x3], $0x80, s17, s20, $0xb8;
	[tilespmem:$0x1C800] =	vst v63  }
0x56: {  	_ =	swait.ge [sflag:s16], $0x4000  }
0x57: {  	[sflag:s16] =	ssyncset.done $0x0  }
0x58: {  	s6 =	rddreg [dreg:$0x4];
	[sflag:s16] =	ssyncadd.s32 $0xFFFFC000  }
0x59: {  	[tilespmem:s15], [sflag:$0x1] =	stream.indirect.gather [hbm4b:s4+s18], $0x80, s6, s18, $0xb8;
	[tilespmem:$0x1C800] =	vst v63  }
0x5a: {  	s12 =	rddreg [dreg:$0x5]  }
0x5b: {  	[tilespmem:s19], [sflag:$0x1] =	stream.indirect.gather [hbm4b:s4+s18], $0x80, s12, s18, $0xb8;
	[tilespmem:$0x1C800] =	vst v63  }
0x5c: {  	_ =	swait.ge [sflag:s24], $0x2000  }
0x5d: {  	[sflag:s24] =	ssyncset.done $0x0  }
0x5e: {  	[sflag:s24] =	ssyncadd.s32 $0xFFFFE000  }
0x5f: {  	_ =	swait.ge [sflag:s24], $0x2000  }
0x60: {  	[sflag:s24] =	ssyncset.done $0x0  }
0x61: {  	s6 =	rddreg [dreg:$0x6];
	[sflag:s24] =	ssyncadd.s32 $0xFFFFE000  }
0x62: {  	[spmem:s2] =	stream.indirect.scatter.add.f32 [tilespmem:s21], [sflag:$0x3], $0x80, s6, s20, $0xb8;
	[tilespmem:$0x1C800] =	vst v63  }
0x63: {  	_ =	swait.ge [sflag:s16], $0x4000  }
0x64: {  	[sflag:s16] =	ssyncset.done $0x0  }
0x65: {  	s12 =	rddreg [dreg:$0x7];
	[sflag:s16] =	ssyncadd.s32 $0xFFFFC000  }
0x66: {  	[tilespmem:s21], [sflag:$0x2] =	stream.indirect.gather [hbm4b:s4+s18], $0x80, s12, s18, $0xb8;
	[tilespmem:$0x1C800] =	vst v63  }
0x67: {  	s6 =	rddreg [dreg:$0x8]  }
0x68: {  	[tilespmem:s22], [sflag:$0x2] =	stream.indirect.gather [hbm4b:s4+s18], $0x80, s6, s18, $0xb8;
	[tilespmem:$0x1C800] =	vst v63  }
0x69: {  	_ =	swait.ge [sflag:s23], $0x2000  }
0x6a: {  	[sflag:s23] =	ssyncset.done $0x0  }
0x6b: {  	[sflag:s23] =	ssyncadd.s32 $0xFFFFE000  }
0x6c: {  	_ =	swait.ge [sflag:s23], $0x2000  }
0x6d: {  	[sflag:s23] =	ssyncset.done $0x0  }
0x6e: {  	s12 =	rddreg [dreg:$0x9];
	[sflag:s23] =	ssyncadd.s32 $0xFFFFE000  }
0x6f: {  	[spmem:s2] =	stream.indirect.scatter.add.f32 [tilespmem:s15], [sflag:$0x3], $0x80, s12, s20, $0xb8;
	[tilespmem:$0x1C800] =	vst v63  }
0x70: {  	_ =	swait.ge [sflag:s16], $0x4000  }
0x71: {  	[sflag:s16] =	ssyncset.done $0x0  }
0x72: {  	s6 =	rddreg [dreg:$0xa];
	[sflag:s16] =	ssyncadd.s32 $0xFFFFC000  }
0x73: {  	[tilespmem:s15], [sflag:$0x1] =	stream.indirect.gather [hbm4b:s4+s18], $0x80, s6, s18, $0xb8;
	[tilespmem:$0x1C800] =	vst v63  }
0x74: {  	_ = 	snop  }
0x75: {  	[tilespmem:s19], [sflag:$0x1] =	stream.indirect.gather [hbm4b:s4+s18], $0x80, s25, s18, $0xb8;
	[tilespmem:$0x1C800] =	vst v63  }
0x76: {  	_ =	swait.ge [sflag:s24], $0x2000  }
0x77: {  	[sflag:s24] =	ssyncset.done $0x0  }
0x78: {  	[sflag:s24] =	ssyncadd.s32 $0xFFFFE000  }
0x79: {  	_ =	swait.ge [sflag:s24], $0x2000  }
0x7a: {  	[sflag:s24] =	ssyncset.done $0x0  }
0x7b: {  	[sflag:s24] =	ssyncadd.s32 $0xFFFFE000  }
0x7c: {  	[spmem:s2] =	stream.indirect.scatter.add.f32 [tilespmem:s21], [sflag:$0x3], $0x80, s26, s20, $0xb8;
	[tilespmem:$0x1C800] =	vst v63  }
0x7d: {  	_ =	swait.ge [sflag:s16], $0x4000  }
0x7e: {  	[sflag:s16] =	ssyncset.done $0x0  }
0x7f: {  	[sflag:s16] =	ssyncadd.s32 $0xFFFFC000  }
0x80: {  	[tilespmem:s21], [sflag:$0x2] =	stream.indirect.gather [hbm4b:s4+s18], $0x80, s28, s18, $0xb8;
	[tilespmem:$0x1C800] =	vst v63  }
0x81: {  	_ = 	snop  }
0x82: {  	[tilespmem:s22], [sflag:$0x2] =	stream.indirect.gather [hbm4b:s4+s18], $0x80, s29, s18, $0xb8;
	[tilespmem:$0x1C800] =	vst v63  }
0x83: {  	_ =	swait.ge [sflag:s23], $0x2000  }
0x84: {  	[sflag:s23] =	ssyncset.done $0x0  }
0x85: {  	[sflag:s23] =	ssyncadd.s32 $0xFFFFE000  }
0x86: {  	_ =	swait.ge [sflag:s23], $0x2000  }
0x87: {  	[sflag:s23] =	ssyncset.done $0x0  }
0x88: {  	[sflag:s23] =	ssyncadd.s32 $0xFFFFE000  }
0x89: {  	[spmem:s2] =	stream.indirect.scatter.add.f32 [tilespmem:s15], [sflag:$0x3], $0x80, s30, s20, $0xb8;
	[tilespmem:$0x1C800] =	vst v63  }
0x8a: {  	_ =	swait.ge [sflag:s16], $0x4000  }
0x8b: {  	[sflag:s16] =	ssyncset.done $0x0  }
0x8c: {  	[sflag:s16] =	ssyncadd.s32 $0xFFFFC000  }
0x8d: {  	[tilespmem:s15], [sflag:$0x1] =	stream.indirect.gather [hbm4b:s4+s18], $0x80, s31, s18, $0xb8;
	[tilespmem:$0x1C800] =	vst v63  }
0x8e: {  	_ = 	snop  }
0x8f: {  	[tilespmem:s19], [sflag:$0x1] =	stream.indirect.gather [hbm4b:s4+s18], $0x80, s0, s18, $0xb8;
	[tilespmem:$0x1C800] =	vst v63  }
0x90: {  	_ =	swait.ge [sflag:s24], $0x2000  }
0x91: {  	[sflag:s24] =	ssyncset.done $0x0  }
0x92: {  	[sflag:s24] =	ssyncadd.s32 $0xFFFFE000  }
0x93: {  	_ =	swait.ge [sflag:s24], $0x2000  }
0x94: {  	[sflag:s24] =	ssyncset.done $0x0  }
0x95: {  	[sflag:s24] =	ssyncadd.s32 $0xFFFFE000  }
0x96: {  	[spmem:s2] =	stream.indirect.scatter.add.f32 [tilespmem:s21], [sflag:$0x3], $0x80, s1, s20, $0xb8;
	[tilespmem:$0x1C800] =	vst v63  }
0x97: {  	_ =	swait.ge [sflag:s16], $0x4000  }
0x98: {  	[sflag:s16] =	ssyncset.done $0x0  }
0x99: {  	[sflag:s16] =	ssyncadd.s32 $0xFFFFC000  }
0x9a: {  	[tilespmem:s21], [sflag:$0x2] =	stream.indirect.gather [hbm4b:s4+s18], $0x80, s7, s18, $0xb8;
	[tilespmem:$0x1C800] =	vst v63  }
0x9b: {  	_ = 	snop  }
0x9c: {  	[tilespmem:s22], [sflag:$0x2] =	stream.indirect.gather [hbm4b:s4+s18], $0x80, s8, s18, $0xb8;
	[tilespmem:$0x1C800] =	vst v63  }
0x9d: {  	_ =	swait.ge [sflag:s23], $0x2000  }
0x9e: {  	[sflag:s23] =	ssyncset.done $0x0  }
0x9f: {  	[sflag:s23] =	ssyncadd.s32 $0xFFFFE000  }
0xa0: {  	_ =	swait.ge [sflag:s23], $0x2000  }
0xa1: {  	[sflag:s23] =	ssyncset.done $0x0  }
0xa2: {  	[sflag:s23] =	ssyncadd.s32 $0xFFFFE000  }
0xa3: {  	[spmem:s2] =	stream.indirect.scatter.add.f32 [tilespmem:s15], [sflag:$0x3], $0x80, s9, s20, $0xb8;
	[tilespmem:$0x1C800] =	vst v63  }
0xa4: {  	_ =	swait.ge [sflag:s16], $0x4000  }
0xa5: {  	[sflag:s16] =	ssyncset.done $0x0  }
0xa6: {  	[sflag:s16] =	ssyncadd.s32 $0xFFFFC000  }
0xa7: {  	_ =	swait.ge [sflag:s24], $0x2000  }
0xa8: {  	[sflag:s24] =	ssyncset.done $0x0  }
0xa9: {  	[sflag:s24] =	ssyncadd.s32 $0xFFFFE000  }
0xaa: {  	_ =	swait.ge [sflag:s24], $0x2000  }
0xab: {  	s12 =	rddreg [dreg:$0xb]  }
0xac: {  	p0 =	sne.s32 s12, $0x1  }
.Ltmp1:
0xad: {  	[sflag:s24] =	ssyncset.done $0x0;
	(pc) =	sbr.rel @!p0 .LBB2_5-.Ltmp1, $4  }
0xae: {  	[sflag:s24] =	ssyncadd.s32 $0xFFFFE000  }
0xaf: {  	[spmem:s2] =	stream.indirect.scatter.add.f32 [tilespmem:s21], [sflag:$0x3], $0x80, s10, s20, $0xb8;
	[tilespmem:$0x1C800] =	vst v63  }
0xb0: {  	_ =	swait.ge [sflag:s16], $0x4000  }
0xb1: {  	s12 =	sadd.s32 $0xFFFFFFFF, s12;
	[sflag:s16] =	ssyncset.done $0x0  }
.LBB2_4:
0xb2: {  	[sflag:s16] =	ssyncadd.s32 $0xFFFFC000;
	s14 =	sadd.s32 $0x80, s14  }
0xb3: {  	[tilespmem:s3], [sflag:$0x3] =	stream.linear.gather [hbm4b:s14+s3], $0x400, $0x38;
	[tilespmem:$0x1C800] =	vst v63  }
0xb4: {  	_ =	swait.ge [sflag:s16], $0x400  }
0xb5: {  	[sflag:s16] =	ssyncset.done $0x0  }
0xb6: {  	s13 =	sadd.s32 $0x80, s13;
	[sflag:s16] =	ssyncadd.s32 $0xFFFFFC00  }
0xb7: {  	[tilespmem:s17], [sflag:$0x3] =	stream.linear.gather [hbm4b:s13+s3], $0x400, $0x38;
	[tilespmem:$0x1C800] =	vst v63  }
0xb8: {  	_ =	swait.ge [sflag:s16], $0x400  }
0xb9: {  	[sflag:s16] =	ssyncset.done $0x0  }
0xba: {  	[sflag:s16] =	ssyncadd.s32 $0xFFFFFC00  }
0xbb: {  	[tilespmem:s15], [sflag:$0x1] =	stream.indirect.gather [hbm4b:s4+s18], $0x80, s3, s18, $0xb8;
	[tilespmem:$0x1C800] =	vst v63  }
0xbc: {  	_ = 	snop  }
0xbd: {  	[tilespmem:s19], [sflag:$0x1] =	stream.indirect.gather [hbm4b:s4+s18], $0x80, s18, s18, $0xb8;
	[tilespmem:$0x1C800] =	vst v63  }
0xbe: {  	_ = 	snop  }
0xbf: {  	[tilespmem:s21], [sflag:$0x2] =	stream.indirect.gather [hbm4b:s4+s18], $0x80, s20, s18, $0xb8;
	[tilespmem:$0x1C800] =	vst v63  }
0xc0: {  	s5 =	rddreg [dreg:$0x3]  }
0xc1: {  	[tilespmem:s22], [sflag:$0x2] =	stream.indirect.gather [hbm4b:s4+s18], $0x80, s5, s18, $0xb8;
	[tilespmem:$0x1C800] =	vst v63  }
0xc2: {  	_ =	swait.ge [sflag:s23], $0x2000  }
0xc3: {  	[sflag:s23] =	ssyncset.done $0x0  }
0xc4: {  	[sflag:s23] =	ssyncadd.s32 $0xFFFFE000  }
0xc5: {  	_ =	swait.ge [sflag:s23], $0x2000  }
0xc6: {  	[sflag:s23] =	ssyncset.done $0x0  }
0xc7: {  	[sflag:s23] =	ssyncadd.s32 $0xFFFFE000  }
0xc8: {  	[spmem:s2] =	stream.indirect.scatter.add.f32 [tilespmem:s15], [sflag:$0x3], $0x80, s17, s20, $0xb8;
	[tilespmem:$0x1C800] =	vst v63  }
0xc9: {  	_ =	swait.ge [sflag:s16], $0x4000  }
0xca: {  	[sflag:s16] =	ssyncset.done $0x0  }
0xcb: {  	s5 =	rddreg [dreg:$0x4];
	[sflag:s16] =	ssyncadd.s32 $0xFFFFC000  }
0xcc: {  	[tilespmem:s15], [sflag:$0x1] =	stream.indirect.gather [hbm4b:s4+s18], $0x80, s5, s18, $0xb8;
	[tilespmem:$0x1C800] =	vst v63  }
0xcd: {  	s6 =	rddreg [dreg:$0x5]  }
0xce: {  	[tilespmem:s19], [sflag:$0x1] =	stream.indirect.gather [hbm4b:s4+s18], $0x80, s6, s18, $0xb8;
	[tilespmem:$0x1C800] =	vst v63  }
0xcf: {  	_ =	swait.ge [sflag:s24], $0x2000  }
0xd0: {  	[sflag:s24] =	ssyncset.done $0x0  }
0xd1: {  	[sflag:s24] =	ssyncadd.s32 $0xFFFFE000  }
0xd2: {  	_ =	swait.ge [sflag:s24], $0x2000  }
0xd3: {  	[sflag:s24] =	ssyncset.done $0x0  }
0xd4: {  	s6 =	rddreg [dreg:$0x6];
	[sflag:s24] =	ssyncadd.s32 $0xFFFFE000  }
0xd5: {  	[spmem:s2] =	stream.indirect.scatter.add.f32 [tilespmem:s21], [sflag:$0x3], $0x80, s6, s20, $0xb8;
	[tilespmem:$0x1C800] =	vst v63  }
0xd6: {  	_ =	swait.ge [sflag:s16], $0x4000  }
0xd7: {  	[sflag:s16] =	ssyncset.done $0x0  }
0xd8: {  	s5 =	rddreg [dreg:$0x7];
	[sflag:s16] =	ssyncadd.s32 $0xFFFFC000  }
0xd9: {  	[tilespmem:s21], [sflag:$0x2] =	stream.indirect.gather [hbm4b:s4+s18], $0x80, s5, s18, $0xb8;
	[tilespmem:$0x1C800] =	vst v63  }
0xda: {  	s6 =	rddreg [dreg:$0x8]  }
0xdb: {  	[tilespmem:s22], [sflag:$0x2] =	stream.indirect.gather [hbm4b:s4+s18], $0x80, s6, s18, $0xb8;
	[tilespmem:$0x1C800] =	vst v63  }
0xdc: {  	_ =	swait.ge [sflag:s23], $0x2000  }
0xdd: {  	[sflag:s23] =	ssyncset.done $0x0  }
0xde: {  	[sflag:s23] =	ssyncadd.s32 $0xFFFFE000  }
0xdf: {  	_ =	swait.ge [sflag:s23], $0x2000  }
0xe0: {  	[sflag:s23] =	ssyncset.done $0x0  }
0xe1: {  	s6 =	rddreg [dreg:$0x9];
	[sflag:s23] =	ssyncadd.s32 $0xFFFFE000  }
0xe2: {  	[spmem:s2] =	stream.indirect.scatter.add.f32 [tilespmem:s15], [sflag:$0x3], $0x80, s6, s20, $0xb8;
	[tilespmem:$0x1C800] =	vst v63  }
0xe3: {  	_ =	swait.ge [sflag:s16], $0x4000  }
0xe4: {  	[sflag:s16] =	ssyncset.done $0x0  }
0xe5: {  	s6 =	rddreg [dreg:$0xa];
	[sflag:s16] =	ssyncadd.s32 $0xFFFFC000  }
0xe6: {  	[tilespmem:s15], [sflag:$0x1] =	stream.indirect.gather [hbm4b:s4+s18], $0x80, s6, s18, $0xb8;
	[tilespmem:$0x1C800] =	vst v63  }
0xe7: {  	_ = 	snop  }
0xe8: {  	[tilespmem:s19], [sflag:$0x1] =	stream.indirect.gather [hbm4b:s4+s18], $0x80, s25, s18, $0xb8;
	[tilespmem:$0x1C800] =	vst v63  }
0xe9: {  	_ =	swait.ge [sflag:s24], $0x2000  }
0xea: {  	[sflag:s24] =	ssyncset.done $0x0  }
0xeb: {  	[sflag:s24] =	ssyncadd.s32 $0xFFFFE000  }
0xec: {  	_ =	swait.ge [sflag:s24], $0x2000  }
0xed: {  	[sflag:s24] =	ssyncset.done $0x0  }
0xee: {  	[sflag:s24] =	ssyncadd.s32 $0xFFFFE000  }
0xef: {  	[spmem:s2] =	stream.indirect.scatter.add.f32 [tilespmem:s21], [sflag:$0x3], $0x80, s26, s20, $0xb8;
	[tilespmem:$0x1C800] =	vst v63  }
0xf0: {  	_ =	swait.ge [sflag:s16], $0x4000  }
0xf1: {  	[sflag:s16] =	ssyncset.done $0x0  }
0xf2: {  	[sflag:s16] =	ssyncadd.s32 $0xFFFFC000  }
0xf3: {  	[tilespmem:s21], [sflag:$0x2] =	stream.indirect.gather [hbm4b:s4+s18], $0x80, s28, s18, $0xb8;
	[tilespmem:$0x1C800] =	vst v63  }
0xf4: {  	_ = 	snop  }
0xf5: {  	[tilespmem:s22], [sflag:$0x2] =	stream.indirect.gather [hbm4b:s4+s18], $0x80, s29, s18, $0xb8;
	[tilespmem:$0x1C800] =	vst v63  }
0xf6: {  	_ =	swait.ge [sflag:s23], $0x2000  }
0xf7: {  	[sflag:s23] =	ssyncset.done $0x0  }
0xf8: {  	[sflag:s23] =	ssyncadd.s32 $0xFFFFE000  }
0xf9: {  	_ =	swait.ge [sflag:s23], $0x2000  }
0xfa: {  	[sflag:s23] =	ssyncset.done $0x0  }
0xfb: {  	[sflag:s23] =	ssyncadd.s32 $0xFFFFE000  }
0xfc: {  	[spmem:s2] =	stream.indirect.scatter.add.f32 [tilespmem:s15], [sflag:$0x3], $0x80, s30, s20, $0xb8;
	[tilespmem:$0x1C800] =	vst v63  }
0xfd: {  	_ =	swait.ge [sflag:s16], $0x4000  }
0xfe: {  	[sflag:s16] =	ssyncset.done $0x0  }
0xff: {  	[sflag:s16] =	ssyncadd.s32 $0xFFFFC000  }
0x100: {  	[tilespmem:s15], [sflag:$0x1] =	stream.indirect.gather [hbm4b:s4+s18], $0x80, s31, s18, $0xb8;
	[tilespmem:$0x1C800] =	vst v63  }
0x101: {  	_ = 	snop  }
0x102: {  	[tilespmem:s19], [sflag:$0x1] =	stream.indirect.gather [hbm4b:s4+s18], $0x80, s0, s18, $0xb8;
	[tilespmem:$0x1C800] =	vst v63  }
0x103: {  	_ =	swait.ge [sflag:s24], $0x2000  }
0x104: {  	[sflag:s24] =	ssyncset.done $0x0  }
0x105: {  	[sflag:s24] =	ssyncadd.s32 $0xFFFFE000  }
0x106: {  	_ =	swait.ge [sflag:s24], $0x2000  }
0x107: {  	[sflag:s24] =	ssyncset.done $0x0  }
0x108: {  	[sflag:s24] =	ssyncadd.s32 $0xFFFFE000  }
0x109: {  	[spmem:s2] =	stream.indirect.scatter.add.f32 [tilespmem:s21], [sflag:$0x3], $0x80, s1, s20, $0xb8;
	[tilespmem:$0x1C800] =	vst v63  }
0x10a: {  	_ =	swait.ge [sflag:s16], $0x4000  }
0x10b: {  	[sflag:s16] =	ssyncset.done $0x0  }
0x10c: {  	[sflag:s16] =	ssyncadd.s32 $0xFFFFC000  }
0x10d: {  	[tilespmem:s21], [sflag:$0x2] =	stream.indirect.gather [hbm4b:s4+s18], $0x80, s7, s18, $0xb8;
	[tilespmem:$0x1C800] =	vst v63  }
0x10e: {  	_ = 	snop  }
0x10f: {  	[tilespmem:s22], [sflag:$0x2] =	stream.indirect.gather [hbm4b:s4+s18], $0x80, s8, s18, $0xb8;
	[tilespmem:$0x1C800] =	vst v63  }
0x110: {  	_ =	swait.ge [sflag:s23], $0x2000  }
0x111: {  	[sflag:s23] =	ssyncset.done $0x0  }
0x112: {  	[sflag:s23] =	ssyncadd.s32 $0xFFFFE000  }
0x113: {  	_ =	swait.ge [sflag:s23], $0x2000  }
0x114: {  	[sflag:s23] =	ssyncset.done $0x0  }
0x115: {  	[sflag:s23] =	ssyncadd.s32 $0xFFFFE000  }
0x116: {  	[spmem:s2] =	stream.indirect.scatter.add.f32 [tilespmem:s15], [sflag:$0x3], $0x80, s9, s20, $0xb8;
	[tilespmem:$0x1C800] =	vst v63  }
0x117: {  	_ =	swait.ge [sflag:s16], $0x4000  }
0x118: {  	[sflag:s16] =	ssyncset.done $0x0  }
0x119: {  	[sflag:s16] =	ssyncadd.s32 $0xFFFFC000  }
0x11a: {  	_ =	swait.ge [sflag:s24], $0x2000  }
0x11b: {  	[sflag:s24] =	ssyncset.done $0x0  }
0x11c: {  	[sflag:s24] =	ssyncadd.s32 $0xFFFFE000  }
0x11d: {  	p0 =	sne.s32 s12, $0x1;
	_ =	swait.ge [sflag:s24], $0x2000  }
.Ltmp2:
0x11e: {  	[sflag:s24] =	ssyncset.done $0x0;
	(pc) =	sbr.rel @p0 .LBB2_4-.Ltmp2, $4  }
0x11f: {  	[sflag:s24] =	ssyncadd.s32 $0xFFFFE000  }
0x120: {  	[spmem:s2] =	stream.indirect.scatter.add.f32 [tilespmem:s21], [sflag:$0x3], $0x80, s10, s20, $0xb8;
	[tilespmem:$0x1C800] =	vst v63  }
0x121: {  	_ =	swait.ge [sflag:s16], $0x4000  }
0x122: {  	s12 =	sadd.s32 $0xFFFFFFFF, s12;
	[sflag:s16] =	ssyncset.done $0x0  }
.LBB2_5:
0x123: {  	[sflag:s16] =	ssyncadd.s32 $0xFFFFC000  }
0x124: {  	s5 =	stileid.u32;
	[bflag:$0x0] =	sbarrier.arrive $0xFFFF  }
0x125: {  	s5 =	sshll.u32 s5, $0x6;
	s6 =	rddreg [dreg:$0xc]  }
0x126: {  	s5 =	sor.u32 $0x1C03, s5;
	s12 =	rddreg [dreg:$0xd];
	s6 =	sshrl.u32 s6, $0x3  }
0x127: {  	[hbm:s12], [sflag:s5] =	dma.local [spmem:s6], $0x2800  }
0x128: {  	_ =	swait.ge [sflag:s16], $0x2800  }
0x129: {  	s11 =	sadd.s32 $0x1, s11;
	s14 =	rddreg [dreg:$0xe]  }
0x12a: {  	p0 =	sne.s32 s11, s14  }
.Ltmp3:
0x12b: {  	_ = 	snop;
	(pc) =	sbr.rel @p0 .LBB2_1-.Ltmp3, $3  }
0x12c: {  	_ =	sdelay $0x1  }
0x12d: {  	[sflag:s16] =	ssyncset.done $0x0  }
0x12e: {  	[sflag:s16] =	ssyncadd.s32 $0xFFFFD800  }
0x12f: {  	_ =	sfence.sel $0x180000  }
0x130: {  	[bflag:$0x0] =	sbarrier.arrive $0xFFFF  }
0x131: {  	_ =	strace $0x9000004D  }
0x132: {  	s0 =	stileid.u32;
	[bflag:$0x2] =	sbarrier.arrive $0xFFFF  }
0x133: {  	p0 =	sne.s32 s0, $0x0;
	s0 =	rddreg [dreg:$0x2]  }
0x134: {  	s0 =	sadd.s32 @!p0 $0x100000, s0  }
0x135: {  	[sflag:s0] =	ssyncadd.tile.s32 @!p0 $0x1;
	_ =	shalt  }
.Lfunc_end2:
_tile_overlayer_lowered:
.L_overlay_start_2:
0x136: {  	(tag) =	ssettag $0x2  }
0x137: {  	s0 =	rddreg [dreg:$0x0];
	s2 =	stileid.u32  }
0x138: {  	s1 =	rddreg [dreg:$0x1];
	p0 =	sne.s32 s2, $0x0  }
0x139: {  	s3 =	rddreg [dreg:$0x2];
	[bflag:$0x3] =	sbarrier.arrive $0xFFFF;
	s2 =	simm.s32 @!p0 $0x1C03  }
0x13a: {  	[timem:s3], [sflag:s2] =	dma.local @!p0 [hbm:s0], s1  }
0x13b: {  	s0 =	simm.s32 @!p0 $0x3  }
0x13c: {  	_ =	swait.ge @!p0 [sflag:s0], s1  }
0x13d: {  	s1 =	ssub.s32 @!p0 $0x0, s1;
	[sflag:s0] =	ssyncset.done @!p0 $0x0  }
0x13e: {  	[sflag:s0] =	ssyncadd.s32 @!p0 s1  }
0x13f: {  	[bflag:$0x3] =	sbarrier.arrive $0xFFFF  }
0x140: {  	_ =	shalt  }

// kernel: kernel.8.cloned.1.call-start
scs
__scs_entry_jumppad:
0x0: {  	(pc) =	sbr.rel $0x88, $3  }
0x1: {  	(tag) =	ssettag $0x0;
	lr =	simm.s32 $0x1  }
0x2: {  	[smem:$0x3F8F] =	sst lr;
	_ =	strace $0xD0000000  }
0x3: {  	_ = 	snop  }
0x4: {  	_ = 	snop  }
0x5: {  	_ = 	snop  }
0x6: {  	_ = 	snop  }
0x7: {  	_ = 	snop  }
__scs_overlays_trampoline_lowered:
0x8: {  	[smem:$0x3F9E] =	sst s0  }
0x9: {  	[smem:$0x3F9F] =	sst s1  }
0xa: {  	[smem:$0x3FA0] =	sst s2  }
0xb: {  	[smem:$0x3FA1] =	sst s3  }
0xc: {  	[smem:$0x3FA2] =	sst s4  }
0xd: {  	[smem:$0x3FA3] =	sst s5  }
0xe: {  	[smem:$0x3FA4] =	sst s6  }
0xf: {  	[smem:$0x3FA5] =	sst s7  }
0x10: {  	[smem:$0x3FA6] =	sst s8  }
0x11: {  	[smem:$0x3FA7] =	sst s9;
	s0 =	simm.s32 @!p0 $0x0  }
0x12: {  	s1 =	sld [smem:$0x3F8D];
	s0 =	simm.s32 @p0 $0x1  }
0x13: {  	[smem:$0x3FA8] =	sst s0;
	s0 =	simm.s32 @!p1 $0x0  }
0x14: {  	s2 =	sld [smem:$0x3F8C];
	s0 =	simm.s32 @p1 $0x1  }
0x15: {  	[smem:$0x3FA9] =	sst s0;
	s0 =	simm.s32 @!p2 $0x0  }
0x16: {  	s3 =	sld [smem:$0x3FDB];
	s0 =	simm.s32 @p2 $0x1  }
0x17: {  	s4 =	simm.s32 $0x1BF5;
	[smem:$0x3FAB] =	sst s0  }
0x18: {  	s0 =	sld [smem:$0x3F8E];
	_ =	swait.ge [sflag:s4], $0x0  }
0x19: {  	s7 =	sld [smem:$0x3F8F]  }
0x1a: {  	s8 =	sadd.s32 $0xFFFFE003, lr  }
0x1b: {  	s9 =	sadd.s32 $0xFFFFFEF7, lr;
	s5 =	simm.s32 $0xFFFFFFFF;
	p2 =	slt.u32 s8, $0xFFFFF086  }
0x1c: {  	p1 =	slt.u32 s9, $0xF7A;
	s5 =	simm.s32 @!p2 $0x0  }
0x1d: {  	s5 =	simm.s32 @p1 $0x1;
	p0 =	seq.s32 s7, s2  }
0x1e: {  	s7 =	smul.u32 @!p0 $0xF7A, s2;
	p2 =	seq.s32 @!p0 s5, $0x0  }
0x1f: {  	s9 =	smul.u32 $0xF7A, s1;
	s8 =	simm.s32 @!p0 $0x1BF5;
	p2 =	por !p2, p0  }
0x20: {  	[sflag:s8] =	ssyncset.s32 @!p0 $0xFFFFF086;
	s6 =	sadd.s32 @!p0 s3, s7;
	s7 =	simm.s32 @!p0 $0x108  }
0x21: {  	s3 =	sadd.s32 s3, s9;
	s6 =	sadd.s32 @!p0 $0x88, s6;
	s7 =	simm.s32 @p2 $0x1082  }
0x22: {  	[simem:s7], [sflag:s8] =	dma.local @!p0 [hbm:s6], $0xF7A  }
0x23: {  	s9 =	sor.u32 $0xD0000000, s2;
	s6 =	simm.s32 $0x108;
	_ =	swait.ge @!p0 [sflag:s8], $0x0  }
0x24: {  	s3 =	sadd.s32 $0x88, s3;
	s6 =	simm.s32 @!p1 $0x1082;
	[sflag:s4] =	ssyncset.s32 $0xFFFFF086  }
0x25: {  	[simem:s6], [sflag:s4] =	dma.local [hbm:s3], $0xF7A  }
0x26: {  	[smem:$0x3F8F] =	sst s1;
	(tag) =	ssettag s2;
	_ =	strace s9  }
0x27: {  	s1 =	sld [smem:$0x3F9F]  }
0x28: {  	s2 =	sld [smem:$0x3FA0]  }
0x29: {  	s4 =	sld [smem:$0x3FA2]  }
0x2a: {  	p0 =	seq.s32 s5, $0x0;
	s5 =	sld [smem:$0x3FA3]  }
0x2b: {  	s6 =	sld [smem:$0x3FA4]  }
0x2c: {  	s7 =	sld [smem:$0x3FA5]  }
0x2d: {  	s3 =	simm.s32 $0x108;
	s8 =	sld [smem:$0x3FA6]  }
0x2e: {  	s3 =	simm.s32 @!p0 $0x1082;
	s9 =	sld [smem:$0x3FA7]  }
0x2f: {  	lr =	sadd.s32 s0, s3;
	s0 =	sld [smem:$0x3F9E]  }
0x30: {  	s3 =	sld [smem:$0x3FA1]  }
0x31: {  	[smem:$0x3FAA] =	sst s10  }
0x32: {  	s10 =	sld [smem:$0x3FA8];
	_ =	sdelay $0x3  }
0x33: {  	p0 =	seq.s32 s10, $0x1;
	s10 =	sld [smem:$0x3FAA];
	_ =	sdelay $0x3  }
0x34: {  	[smem:$0x3FAA] =	sst s10  }
0x35: {  	s10 =	sld [smem:$0x3FA9];
	_ =	sdelay $0x3  }
0x36: {  	p1 =	seq.s32 s10, $0x1;
	s10 =	sld [smem:$0x3FAA];
	_ =	sdelay $0x3  }
0x37: {  	[smem:$0x3FAA] =	sst s10  }
0x38: {  	s10 =	sld [smem:$0x3FAB]  }
0x39: {  	_ = 	snop;
	(pc) =	sbr.ind lr, $3  }
0x3a: {  	_ = 	snop  }
0x3b: {  	_ = 	snop  }
0x3c: {  	p2 =	seq.s32 s10, $0x1;
	s10 =	sld [smem:$0x3FAA]  }
0x3d: {  	_ =	shalt  }
0x3e: {  	_ =	shalt  }
0x3f: {  	_ =	shalt  }
0x40: {  	_ =	shalt  }
0x41: {  	_ =	shalt  }
0x42: {  	_ =	shalt  }
0x43: {  	_ =	shalt  }
0x44: {  	_ =	shalt  }
0x45: {  	_ =	shalt  }
0x46: {  	_ =	shalt  }
0x47: {  	_ =	shalt  }
0x48: {  	_ =	shalt  }
0x49: {  	_ =	shalt  }
0x4a: {  	_ =	shalt  }
0x4b: {  	_ =	shalt  }
0x4c: {  	_ =	shalt  }
0x4d: {  	_ =	shalt  }
0x4e: {  	_ =	shalt  }
0x4f: {  	_ =	shalt  }
0x50: {  	_ =	shalt  }
0x51: {  	_ =	shalt  }
0x52: {  	_ =	shalt  }
0x53: {  	_ =	shalt  }
0x54: {  	_ =	shalt  }
0x55: {  	_ =	shalt  }
0x56: {  	_ =	shalt  }
0x57: {  	_ =	shalt  }
0x58: {  	_ =	shalt  }
0x59: {  	_ =	shalt  }
0x5a: {  	_ =	shalt  }
0x5b: {  	_ =	shalt  }
0x5c: {  	_ =	shalt  }
0x5d: {  	_ =	shalt  }
0x5e: {  	_ =	shalt  }
0x5f: {  	_ =	shalt  }
0x60: {  	_ =	shalt  }
0x61: {  	_ =	shalt  }
0x62: {  	_ =	shalt  }
0x63: {  	_ =	shalt  }
0x64: {  	_ =	shalt  }
0x65: {  	_ =	shalt  }
0x66: {  	_ =	shalt  }
0x67: {  	_ =	shalt  }
0x68: {  	_ =	shalt  }
0x69: {  	_ =	shalt  }
0x6a: {  	_ =	shalt  }
0x6b: {  	_ =	shalt  }
0x6c: {  	_ =	shalt  }
0x6d: {  	_ =	shalt  }
0x6e: {  	_ =	shalt  }
0x6f: {  	_ =	shalt  }
0x70: {  	_ =	shalt  }
0x71: {  	_ =	shalt  }
0x72: {  	_ =	shalt  }
0x73: {  	_ =	shalt  }
0x74: {  	_ =	shalt  }
0x75: {  	_ =	shalt  }
0x76: {  	_ =	shalt  }
0x77: {  	_ =	shalt  }
0x78: {  	_ =	shalt  }
0x79: {  	_ =	shalt  }
0x7a: {  	_ =	shalt  }
0x7b: {  	_ =	shalt  }
0x7c: {  	_ =	shalt  }
0x7d: {  	_ =	shalt  }
0x7e: {  	_ =	shalt  }
0x7f: {  	_ =	shalt  }
0x80: {  	_ =	shalt  }
0x81: {  	_ =	shalt  }
0x82: {  	_ =	shalt  }
0x83: {  	_ =	shalt  }
0x84: {  	_ =	shalt  }
0x85: {  	_ =	shalt  }
0x86: {  	_ =	shalt  }
0x87: {  	_ =	shalt  }
.Lfunc_end0:
.L_simem_size_0:
called_computation_lowered:
.L_overlay_start_0:
0x88: {  	s2 =	sld [smem:$0x3FD9]  }
0x89: {  	s3 =	sld [smem:$0x3FFE];
	_ =	sdelay $0x1  }
0x8a: {  	s1 =	srdreg.scid  }
0x8b: {  	s0 =	sand.u32 $0x1, s1  }
0x8c: {  	s17 =	sshll.u32 s0, $0xA;
	s2 =	sadd.s32 s3, s2  }
0x8d: {  	s2 =	sadd.s32 s2, s17  }
0x8e: {  	[smem:$0x3FB6] =	sst s2  }
0x8f: {  	_ = 	snop  }
0x90: {  	s2 =	sld [smem:$0x3FD0];
	(tm) =	ssettm $0x1  }
0x91: {  	s18 =	sld [smem:$0x3FFB];
	_ =	sdelay $0x3  }
0x92: {  	_ =	strace s18  }
0x93: {  	s3 =	sld [smem:$0x3FFC];
	_ =	sdelay $0x3  }
0x94: {  	_ =	strace s3  }
0x95: {  	s3 =	sld [smem:$0x3FFD];
	_ =	sdelay $0x3  }
0x96: {  	_ =	strace s3  }
0x97: {  	_ =	strace $0x8FFFFFFF  }
0x98: {  	s19 =	sld [smem:$0x3FDB];
	_ =	sdelay $0x1  }
0x99: {  	s4 =	simm.s32 $_scs_section_size  }
0x9a: {  	s5 =	simm.s32 $_size__tile_overlayer_lowered;
	s6 =	simm.s32 $_tile_overlayer_lowered  }
0x9b: {  	s22 =	simm.s32 $0x1BFF;
	s21 =	sshll.u32 s6, $0x1;
	s3 =	sadd.s32 s4, s19  }
0x9c: {  	s7 =	simm.s32 $0x0;
	s20 =	sshll.u32 s5, $0x1;
	s5 =	sadd.s32 s21, s3  }
0x9d: {  	[timem:s7], [sflag:s22] =	dma.local [hbm:s5], s20  }
0x9e: {  	_ =	swait.ge [sflag:s22], s20  }
0x9f: {  	s4 =	ssub.s32 $0x0, s20;
	[sflag:s22] =	ssyncset.done $0x0  }
0xa0: {  	[sflag:s22] =	ssyncadd.s32 s4;
	_ =	sdelay $0x1  }
0xa1: {  	s23 =	simm.s32 $0x1B8B  }
0xa2: {  	_ =	swait.ge [sflag:s23], $0x1  }
0xa3: {  	[sflag:s23] =	ssyncset.done $0x0  }
0xa4: {  	s25 =	simm.s32 $0x1B8E;
	s24 =	sld [smem:$0x3FFE];
	[sflag:s23] =	ssyncadd.s32 $0xFFFFFFFF  }
0xa5: {  	s26 =	simm.s32 $execute0_lowered;
	[smem:$0x3FD2] =	sst s25  }
0xa6: {  	s5 =	sshll.u32 s26, $0x1;
	_ =	strace $0x80000046;
	[dreg:$0x1] =	wrdreg $0xFFFFFFFF  }
0xa7: {  	s28 =	simm.s32 $_size_execute0_lowered;
	s3 =	sadd.s32 s3, s5;
	[dreg:$0x0] =	wrdreg $0x0  }
0xa8: {  	s5 =	sshll.u32 s28, $0x1;
	[dreg:$0x2] =	wrdreg s3  }
0xa9: {  	[dreg:$0x3] =	wrdreg s5  }
0xaa: {  	[dreg:$0x4] =	wrdreg $0xC0  }
0xab: {  	_ =	task [dreg:s7], $0x5FFFF  }
0xac: {  	[dreg:$0x1] =	wrdreg $0xFFFFFFFF  }
0xad: {  	[dreg:$0x0] =	wrdreg $0x60  }
0xae: {  	[dreg:$0x2] =	wrdreg s24  }
0xaf: {  	[dreg:$0x3] =	wrdreg s2  }
0xb0: {  	[dreg:$0x4] =	wrdreg $0x2B000  }
0xb1: {  	[dreg:$0x5] =	wrdreg $0x9  }
0xb2: {  	_ =	task.clear_ibuf [dreg:s7], $0x6FFFF;
	_ =	strace $0x90000046  }
0xb3: {  	s29 =	simm.s32 $0x9;
	_ =	strace $0x80000048  }
0xb4: {  	_ =	swait.ge [sflag:s29], $0x1  }
0xb5: {  	[sflag:s29] =	ssyncadd.s32 $0xFFFFFFFF  }
0xb6: {  	_ =	strace $0x90000048  }
0xb7: {  	_ =	sfence  }
0xb8: {  	s30 =	sld [smem:$0x0];
	_ =	sdelay $0x2  }
0xb9: {  	s31 =	sshll.u32 s1, $0xD;
	s1 =	sshrl.u32 s1, $0x2  }
0xba: {  	s3 =	sand.u32 $0x4000, s31;
	s1 =	sadd.s32 s1, s30  }
0xbb: {  	s0 =	sor.u32 s3, s0;
	s1 =	sshll.u32 s1, $0x11  }
0xbc: {  	s0 =	sor.u32 s1, s0  }
0xbd: {  	s0 =	sadd.s32 $0x8F2B, s0  }
0xbe: {  	[sflag:s0] =	ssyncadd.remote.s32 $0x1  }
0xbf: {  	_ =	sfence.sel $0xFFFF  }
0xc0: {  	[dreg:$0x0] =	wrdreg $0xFFFFFFFF;
	(pc) =	sbr.abs _section_cstart, $3  }
0xc1: {  	[dreg:$0x1] =	wrdreg $0xFFFFFFFF  }
0xc2: {  	_ =	task.clear_ibuf [dreg:s7], $0x2FFFF;
	_ =	strace $0x9FFFFFFF  }
0xc3: {  	(tm) =	ssettm $0x7FFFFFFF  }
tec
execute0_lowered:
.L_overlay_start_1:
0x0: {  	(tag) =	ssettag $0x1  }
0x1: {  	s4 =	rddreg [dreg:$0x0]  }
0x2: {  	s0 =	srdreg.scid;
	s7 =	rddreg [dreg:$0x1]  }
0x3: {  	s2 =	rddreg [dreg:$0x2];
	s1 =	stileid.u32  }
0x4: {  	s3 =	simm.s32 $0x0;
	s12 =	simm.s32 $0x80;
	s15 =	simm.s32 $0x20  }
0x5: {  	s16 =	simm.s32 $0x10;
	s5 =	sand.u32 $0x1, s0;
	s0 =	rddreg [dreg:$0x3]  }
0x6: {  	s17 =	simm.s32 $0x0;
	[smem:$0x7FF] =	sst s3;
	s8 =	smul.u32 $0xA00, s1  }
0x7: {  	s10 =	smul.u32 $0x500, s1;
	s13 =	sshll.u32 s1, $0x6;
	s6 =	sshll.u32 s5, $0x4  }
0x8: {  	_ =	strace $0x80000047;
	s9 =	ssub.s32 $0x2, s5;
	s5 =	sshll.u32 s5, $0x7  }
0x9: {  	s13 =	sor.u32 $0x1C01, s13;
	s6 =	sor.u32 s1, s6;
	s11 =	sshrl.u32 s9, $0x1  }
0xa: {  	s8 =	sshrl.u32 s8, $0x2;
	s10 =	sor.u32 s5, s10;
	s6 =	smul.u32 $0x500, s6  }
0xb: {  	s9 =	ssub.s32 s9, s11;
	s31 =	sshrl.u32 s10, $0x3;
	s10 =	simm.s32 $0x2800  }
0xc: {  	s11 =	simm.s32 $0x2880;
	s7 =	sadd.s32 s7, s31;
	s6 =	sadd.s32 s6, s4  }
0xd: {  	s4 =	sadd.s32 $0x17C00, s4;
	s5 =	sadd.s32 $0xDC00, s6;
	s6 =	sadd.s32 s8, s2  }
0xe: {  	v0 =	vimm.f32 $0.0e+00;
	s8 =	smax.u32 s9, $0x1;
	s9 =	simm.s32 $0x1;
	s14 =	sshrl.u32 s6, $0x3  }
.LBB2_1:
0xf: {  	[tilespmem:s3], [sflag:$0x1] =	stream.linear.gather [hbm4b:s5+s3], $0x2800, $0x38;
	[tilespmem:$0x2D80] =	vst v63  }
0x10: {  	_ =	swait.ge [sflag:s9], $0x2800  }
0x11: {  	[sflag:s9] =	ssyncset.done $0x0  }
0x12: {  	[sflag:s9] =	ssyncadd.s32 $0xFFFFD800  }
0x13: {  	[tilespmem:s10], [sflag:$0x1] =	stream.linear.gather [hbm4b:s4+s3], $0x80, $0x38;
	[tilespmem:$0x2D80] =	vst v63  }
0x14: {  	_ =	swait.ge [sflag:s9], $0x80  }
0x15: {  	[sflag:s9] =	ssyncset.done $0x0  }
0x16: {  	[sflag:s9] =	ssyncadd.s32 $0xFFFFFF80  }
0x17: {  	[tilespmem:$0x2880] =	vst v0  }
0x18: {  	[tilespmem:$0x2890] =	vst v0  }
0x19: {  	[tilespmem:$0x28A0] =	vst v0  }
0x1a: {  	[tilespmem:$0x28B0] =	vst v0  }
0x1b: {  	[tilespmem:$0x28C0] =	vst v0  }
0x1c: {  	[tilespmem:$0x28D0] =	vst v0  }
0x1d: {  	[tilespmem:$0x28E0] =	vst v0  }
0x1e: {  	[tilespmem:$0x28F0] =	vst v0  }
0x1f: {  	[tilespmem:$0x2900] =	vst v0  }
0x20: {  	[tilespmem:$0x2910] =	vst v0  }
0x21: {  	[tilespmem:$0x2920] =	vst v0  }
0x22: {  	[tilespmem:$0x2930] =	vst v0  }
0x23: {  	[tilespmem:$0x2940] =	vst v0  }
0x24: {  	[tilespmem:$0x2950] =	vst v0  }
0x25: {  	[tilespmem:$0x2960] =	vst v0  }
0x26: {  	[tilespmem:$0x2970] =	vst v0  }
0x27: {  	[tilespmem:$0x2980] =	vst v0  }
0x28: {  	[tilespmem:$0x2990] =	vst v0  }
0x29: {  	[tilespmem:$0x29A0] =	vst v0  }
0x2a: {  	[tilespmem:$0x29B0] =	vst v0  }
0x2b: {  	[tilespmem:$0x29C0] =	vst v0  }
0x2c: {  	[tilespmem:$0x29D0] =	vst v0  }
0x2d: {  	[tilespmem:$0x29E0] =	vst v0  }
0x2e: {  	[tilespmem:$0x29F0] =	vst v0  }
0x2f: {  	[tilespmem:$0x2A00] =	vst v0  }
0x30: {  	[tilespmem:$0x2A10] =	vst v0  }
0x31: {  	[tilespmem:$0x2A20] =	vst v0  }
0x32: {  	[tilespmem:$0x2A30] =	vst v0  }
0x33: {  	[tilespmem:$0x2A40] =	vst v0  }
0x34: {  	[tilespmem:$0x2A50] =	vst v0  }
0x35: {  	[tilespmem:$0x2A60] =	vst v0  }
0x36: {  	[tilespmem:$0x2A70] =	vst v0  }
0x37: {  	[tilespmem:$0x2A80] =	vst v0  }
0x38: {  	[tilespmem:$0x2A90] =	vst v0  }
0x39: {  	[tilespmem:$0x2AA0] =	vst v0  }
0x3a: {  	[tilespmem:$0x2AB0] =	vst v0  }
0x3b: {  	[tilespmem:$0x2AC0] =	vst v0  }
0x3c: {  	[tilespmem:$0x2AD0] =	vst v0  }
0x3d: {  	[tilespmem:$0x2AE0] =	vst v0  }
0x3e: {  	[tilespmem:$0x2AF0] =	vst v0  }
0x3f: {  	[spmem:s6] =	stream.linear.scatter [tilespmem:s11], [sflag:$0x1], $0x280, $0x38;
	[tilespmem:$0x2D80] =	vst v63  }
0x40: {  	_ =	swait.ge [sflag:s9], $0x280  }
0x41: {  	[sflag:s9] =	ssyncset.done $0x0  }
0x42: {  	[sflag:s9] =	ssyncadd.s32 $0xFFFFFD80  }
0x43: {  	s18 =	simm.s32 $0x0;
	[bflag:$0x0] =	sbarrier.arrive $0xFFFF  }
0x44: {  	[spmem:s2] =	stream.indirect.scatter.add.f32 [tilespmem:s10], [sflag:$0x1], $0x1, s18, s12, $0xb8;
	[tilespmem:$0x2D80] =	vst v63  }
0x45: {  	_ =	swait.ge [sflag:s9], $0x80  }
0x46: {  	s18 =	simm.s32 $0x200;
	[sflag:s9] =	ssyncset.done $0x0  }
.LBB2_2:
0x47: {  	s19 =	sshra.s32 s18, $0x2;
	[sflag:s9] =	ssyncadd.s32 $0xFFFFFF80;
	p0 =	sne.s32 s18, $0x9E00  }
0x48: {  	[spmem:s2] =	stream.indirect.scatter.add.f32 [tilespmem:s10], [sflag:$0x1], $0x1, s19, s12, $0xb8;
	[tilespmem:$0x2D80] =	vst v63  }
.Ltmp0:
0x49: {  	_ = 	snop;
	(pc) =	sbr.rel @p0 .LBB2_2-.Ltmp0, $4  }
0x4a: {  	_ = 	snop  }
0x4b: {  	s18 =	sadd.s32 $0x200, s18  }
0x4c: {  	_ =	swait.ge [sflag:s9], $0x80  }
0x4d: {  	[sflag:s9] =	ssyncset.done $0x0  }
0x4e: {  	s17 =	sadd.s32 $0x1, s17  }
0x4f: {  	[sflag:s9] =	ssyncadd.s32 $0xFFFFFF80;
	p0 =	sne.s32 s17, s8  }
.Ltmp1:
0x50: {  	[bflag:$0x0] =	sbarrier.arrive $0xFFFF;
	(pc) =	sbr.rel @p0 .LBB2_1-.Ltmp1, $4  }
0x51: {  	[hbm:s7@s15], [sflag:s13] =	dma.strided [spmem:s14@s16], $0x50, s9, $0x10   }
0x52: {  	_ =	swait.ge [sflag:s9], $0x50  }
0x53: {  	[sflag:s9] =	ssyncset.done $0x0  }
0x54: {  	[sflag:s9] =	ssyncadd.s32 $0xFFFFFFB0  }
0x55: {  	_ =	sfence.sel $0x180000  }
0x56: {  	[bflag:$0x0] =	sbarrier.arrive $0xFFFF  }
0x57: {  	p0 =	sne.s32 s1, $0x0;
	_ =	strace $0x90000047  }
0x58: {  	s0 =	sadd.s32 @!p0 $0x100000, s0;
	[bflag:$0x2] =	sbarrier.arrive $0xFFFF  }
0x59: {  	[sflag:s0] =	ssyncadd.tile.s32 @!p0 $0x1;
	_ =	shalt  }
.Lfunc_end2:
_tile_overlayer_lowered:
.L_overlay_start_2:
0x5a: {  	(tag) =	ssettag $0x2  }
0x5b: {  	s0 =	rddreg [dreg:$0x0];
	s2 =	stileid.u32  }
0x5c: {  	s1 =	rddreg [dreg:$0x1];
	p0 =	sne.s32 s2, $0x0  }
0x5d: {  	s3 =	rddreg [dreg:$0x2];
	[bflag:$0x3] =	sbarrier.arrive $0xFFFF;
	s2 =	simm.s32 @!p0 $0x1C01  }
0x5e: {  	[timem:s3], [sflag:s2] =	dma.local @!p0 [hbm:s0], s1  }
0x5f: {  	s0 =	simm.s32 @!p0 $0x1  }
0x60: {  	_ =	swait.ge @!p0 [sflag:s0], s1  }
0x61: {  	s1 =	ssub.s32 @!p0 $0x0, s1;
	[sflag:s0] =	ssyncset.done @!p0 $0x0  }
0x62: {  	[sflag:s0] =	ssyncadd.s32 @!p0 s1  }
0x63: {  	[bflag:$0x3] =	sbarrier.arrive $0xFFFF  }
0x64: {  	_ =	shalt  }

</sc_bundles>
